<compile_context>
chip_gen: v7x
topology: tpu7x:2x2x1
jax: 0.10.2.dev20260603
libtpu: 0.0.44.dev20260713+nightly
codegen_flags: <defaults>
</compile_context>

<pallas_src>
import functools

import jax
import jax.numpy as jnp
from jax import lax
from jax.experimental import pallas as pl
from jax.experimental.pallas import tpu as pltpu
from jax.experimental.pallas import tpu_sc as plsc

N = 10000
D_IN = 128
D_HID = 256
D_OUT = 128

NC, NS = 2, 16
NW = NC * NS
NPAD = 10240
ROWS_PER_TILE = NPAD // NS
CHUNK = 128
NCHUNKS = 2500
WIN = 80
PHASE = 40
NIDX = PHASE + 8
NPADROWS = 2568
BLK = 400


def _sc_mesh():
    return plsc.VectorSubcoreMesh(core_axis_name="c", subcore_axis_name="s")


def _zero_rows(buf, nrows):
    z = jnp.zeros((16,), jnp.float32)

    @pl.loop(0, nrows)
    def _(i):
        @pl.loop(0, 8)
        def _(j):
            buf[i, pl.ds(j * 16, 16)] = z


def _sc_degree(dst2d):
    cp = pltpu.CompilerParams(needs_layout_passes=False)

    @functools.partial(
        pl.kernel,
        out_type=jax.ShapeDtypeStruct((NC, 1, NPAD), jnp.float32),
        mesh=_sc_mesh(),
        scratch_types=[
            pltpu.VMEM((WIN, CHUNK), jnp.int32),
            pltpu.VMEM((NPAD,), jnp.float32),
            pltpu.VMEM((ROWS_PER_TILE,), jnp.float32),
            pltpu.VMEM_SHARED((NS, NPAD), jnp.float32),
        ],
        compiler_params=cp,
    )
    def k(dst_hbm, out_hbm, idxd, loc, red, shr):
        cid = lax.axis_index("c")
        sid = lax.axis_index("s")
        wid = sid * NC + cid

        pltpu.sync_copy(dst_hbm.at[pl.ds(wid * WIN, WIN)], idxd)

        z = jnp.zeros((16,), jnp.float32)

        @pl.loop(0, NPAD // 16)
        def _(i):
            loc[pl.ds(i * 16, 16)] = z

        one = jnp.ones((16,), jnp.float32)

        @pl.loop(0, WIN)
        def _(i):
            @pl.loop(0, CHUNK // 16)
            def _(j):
                plsc.addupdate_scatter(loc, [idxd[i, pl.ds(j * 16, 16)]], one)

        pltpu.sync_copy(loc, shr.at[sid])
        plsc.subcore_barrier()

        c0 = sid * ROWS_PER_TILE
        pltpu.sync_copy(shr.at[0, pl.ds(c0, ROWS_PER_TILE)], red)

        @pl.loop(1, NS)
        def _(t):
            pltpu.sync_copy(shr.at[t, pl.ds(c0, ROWS_PER_TILE)],
                            loc.at[pl.ds(0, ROWS_PER_TILE)])

            @pl.loop(0, ROWS_PER_TILE // 16)
            def _(v):
                s16 = pl.ds(v * 16, 16)
                red[s16] = red[s16] + loc[s16]

        pltpu.sync_copy(red, out_hbm.at[cid, 0, pl.ds(c0, ROWS_PER_TILE)])

    return k(dst2d)


def _sc_aggregate(g, src2d, dst2d):

    @functools.partial(
        pl.kernel,
        out_type=jax.ShapeDtypeStruct((NC, NPAD, 128), jnp.float32),
        mesh=_sc_mesh(),
        scratch_types=[
            pltpu.VMEM((NIDX, CHUNK), jnp.int32),
            pltpu.VMEM((NIDX, CHUNK), jnp.int32),
            pltpu.VMEM((CHUNK, 128), jnp.float32),
            pltpu.VMEM((CHUNK, 128), jnp.float32),
            pltpu.VMEM_SHARED((NPAD, 128), jnp.float32),
            pltpu.SemaphoreType.DMA,
            pltpu.SemaphoreType.DMA,
            pltpu.SemaphoreType.DMA,
            pltpu.SemaphoreType.DMA,
        ],
    )
    def k(g_hbm, src_hbm, dst_hbm, out_hbm, idxs, idxd, rows0, rows1,
          acc, semg0, semg1, sems0, sems1):
        cid = lax.axis_index("c")
        sid = lax.axis_index("s")
        wid = sid * NC + cid
        q0 = wid * WIN

        _zero_rows(rows0, CHUNK)

        @pl.loop(0, ROWS_PER_TILE // CHUNK)
        def _(j):
            pltpu.async_copy(
                rows0, acc.at[pl.ds(sid * ROWS_PER_TILE + j * CHUNK, CHUNK)],
                sems0,
            )

        @pl.loop(0, ROWS_PER_TILE // CHUNK)
        def _(j):
            pltpu.make_async_copy(
                rows0, acc.at[pl.ds(sid * ROWS_PER_TILE + j * CHUNK, CHUNK)],
                sems0,
            ).wait()

        plsc.subcore_barrier()

        npairs = PHASE // 2

        @pl.loop(0, WIN // PHASE)
        def _(p):
            qp = q0 + PHASE * p
            pltpu.async_copy(src_hbm.at[pl.ds(qp, NIDX)], idxs, semg0)
            pltpu.async_copy(dst_hbm.at[pl.ds(qp, NIDX)], idxd, semg1)
            pltpu.make_async_copy(src_hbm.at[pl.ds(qp, NIDX)], idxs, semg0).wait()
            pltpu.make_async_copy(dst_hbm.at[pl.ds(qp, NIDX)], idxd, semg1).wait()

            pltpu.async_copy(g_hbm.at[idxs.at[0]], rows0, semg0)
            pltpu.async_copy(g_hbm.at[idxs.at[1]], rows1, semg1)

            @pl.loop(0, npairs, unroll=2)
            def _(kk):
                c0 = 2 * kk
                c1 = c0 + 1
                pltpu.make_async_copy(g_hbm.at[idxs.at[c0]], rows0, semg0).wait()
                pltpu.async_copy(rows0, acc.at[idxd.at[c0]], sems0, add=True)
                pltpu.make_async_copy(g_hbm.at[idxs.at[c1]], rows1, semg1).wait()
                pltpu.async_copy(rows1, acc.at[idxd.at[c1]], sems1, add=True)
                pltpu.make_async_copy(rows0, acc.at[idxd.at[c0]], sems0).wait()
                pltpu.async_copy(g_hbm.at[idxs.at[c0 + 2]], rows0, semg0)
                pltpu.make_async_copy(rows1, acc.at[idxd.at[c1]], sems1).wait()
                pltpu.async_copy(g_hbm.at[idxs.at[c1 + 2]], rows1, semg1)

            pltpu.make_async_copy(
                g_hbm.at[idxs.at[2 * npairs]], rows0, semg0).wait()
            pltpu.make_async_copy(
                g_hbm.at[idxs.at[2 * npairs + 1]], rows1, semg1).wait()

        plsc.subcore_barrier()

        nrounds = ROWS_PER_TILE // CHUNK
        bufs = (rows0, rows1)
        gsems = (semg0, semg1)
        ssems = (sems0, sems1)

        def _rd(j):
            r0 = sid * ROWS_PER_TILE + j * CHUNK
            return acc.at[pl.ds(r0, CHUNK)], bufs[j % 2], gsems[j % 2]

        def _wr(j):
            r0 = sid * ROWS_PER_TILE + j * CHUNK
            return bufs[j % 2], out_hbm.at[cid, pl.ds(r0, CHUNK)], ssems[j % 2]

        pltpu.async_copy(*_rd(0))
        for j in range(nrounds):
            pltpu.make_async_copy(*_rd(j)).wait()
            pltpu.async_copy(*_wr(j))
            if j + 1 < nrounds:
                if j >= 1:
                    pltpu.make_async_copy(*_wr(j - 1)).wait()
                pltpu.async_copy(*_rd(j + 1))
        pltpu.make_async_copy(*_wr(nrounds - 2)).wait()
        pltpu.make_async_copy(*_wr(nrounds - 1)).wait()

    return k(g, src2d, dst2d)


def _tc_scale_input(d0, d1, x):

    def body(d0_ref, d1_ref, x_ref, o_ref):
        dinv = lax.rsqrt(d0_ref[...] + d1_ref[...] + 1.0)
        o_ref[...] = x_ref[...] * dinv

    return pl.pallas_call(
        body,
        grid=(N // BLK,),
        in_specs=[
            pl.BlockSpec((BLK, 1), lambda i: (i, 0)),
            pl.BlockSpec((BLK, 1), lambda i: (i, 0)),
            pl.BlockSpec((BLK, D_IN), lambda i: (i, 0)),
        ],
        out_specs=pl.BlockSpec((BLK, D_IN), lambda i: (i, 0)),
        out_shape=jax.ShapeDtypeStruct((N, D_IN), jnp.float32),
    )(d0, d1, x)


def _tc_layer1(d0, d1, p, g1, W1, b1, W2):

    def body(d0_ref, d1_ref, pa_ref, pb_ref, g1_ref, w1, b1r, w2, o_ref):
        dinv = lax.rsqrt(d0_ref[...] + d1_ref[...] + 1.0)
        t = dinv * (pa_ref[0] + pb_ref[0] + g1_ref[...])
        h = jnp.dot(t, w1[...], preferred_element_type=jnp.float32) + b1r[...]
        h = jnp.maximum(h, 0.0)
        o_ref[...] = dinv * jnp.dot(h, w2[...], preferred_element_type=jnp.float32)

    return pl.pallas_call(
        body,
        grid=(N // BLK,),
        in_specs=[
            pl.BlockSpec((BLK, 1), lambda i: (i, 0)),
            pl.BlockSpec((BLK, 1), lambda i: (i, 0)),
            pl.BlockSpec((1, BLK, D_IN), lambda i: (0, i, 0)),
            pl.BlockSpec((1, BLK, D_IN), lambda i: (1, i, 0)),
            pl.BlockSpec((BLK, D_IN), lambda i: (i, 0)),
            pl.BlockSpec((D_IN, D_HID), lambda i: (0, 0)),
            pl.BlockSpec((1, D_HID), lambda i: (0, 0)),
            pl.BlockSpec((D_HID, D_OUT), lambda i: (0, 0)),
        ],
        out_specs=pl.BlockSpec((BLK, D_OUT), lambda i: (i, 0)),
        out_shape=jax.ShapeDtypeStruct((N, D_OUT), jnp.float32),
    )(d0, d1, p, p, g1, W1, b1, W2)


def _tc_layer2(d0, d1, p, g2, b2):

    def body(d0_ref, d1_ref, pa_ref, pb_ref, g2_ref, b2r, o_ref):
        dinv = lax.rsqrt(d0_ref[...] + d1_ref[...] + 1.0)
        t = dinv * (pa_ref[0] + pb_ref[0] + g2_ref[...]) + b2r[...]
        o_ref[...] = jnp.maximum(t, 0.0)

    return pl.pallas_call(
        body,
        grid=(N // BLK,),
        in_specs=[
            pl.BlockSpec((BLK, 1), lambda i: (i, 0)),
            pl.BlockSpec((BLK, 1), lambda i: (i, 0)),
            pl.BlockSpec((1, BLK, D_OUT), lambda i: (0, i, 0)),
            pl.BlockSpec((1, BLK, D_OUT), lambda i: (1, i, 0)),
            pl.BlockSpec((BLK, D_OUT), lambda i: (i, 0)),
            pl.BlockSpec((1, D_OUT), lambda i: (0, 0)),
        ],
        out_specs=pl.BlockSpec((BLK, D_OUT), lambda i: (i, 0)),
        out_shape=jax.ShapeDtypeStruct((N, D_OUT), jnp.float32),
    )(d0, d1, p, p, g2, b2)


def kernel(x, edge_index, W1, b1, W2, b2):
    src = edge_index[0].astype(jnp.int32)
    dst = edge_index[1].astype(jnp.int32)
    pad = NPADROWS * CHUNK - src.shape[0]
    srcpad = jnp.arange(pad, dtype=jnp.int32) % N
    src2d = jnp.concatenate([src, srcpad]).reshape(NPADROWS, CHUNK)
    trash = N + jnp.arange(pad, dtype=jnp.int32) % (NPAD - N)
    dst2d = jnp.concatenate([dst, trash]).reshape(NPADROWS, CHUNK)

    degp = _sc_degree(dst2d)
    d0 = degp[0, 0, :N].reshape(N, 1)
    d1 = degp[1, 0, :N].reshape(N, 1)

    g1 = _tc_scale_input(d0, d1, x)
    p1 = _sc_aggregate(g1, src2d, dst2d)
    g2 = _tc_layer1(d0, d1, p1, g1,
                    W1, b1.reshape(1, -1), W2)
    p2 = _sc_aggregate(g2, src2d, dst2d)
    out = _tc_layer2(d0, d1, p2, g2, b2.reshape(1, -1))
    return out

# --- scband reference (transcript-rebuilt; emitter-appended) ---
"""Pipeline reference for scband-encoder-67912022884450 (READ-ONLY COPY).

The authoritative reference and input builder live on the scoring server;
editing this copy changes nothing except your own understanding.
"""

import jax, jax.numpy as jnp
import numpy as np

N_NODES = 10000
N_EDGES = 320000
D_IN = 128
D_OUT = 128
FACTOR = 2
D_HID = FACTOR * D_OUT  # 256


def setup_inputs(seed: int = 0) -> dict:
    key = jax.random.key(seed)
    ks = jax.random.split(key, 7)
    x = jax.random.normal(ks[0], (N_NODES, D_IN), dtype=jnp.float32)
    edge_index = jax.random.randint(ks[1], (2, N_EDGES), 0, N_NODES)
    # GCNConv layer 1: in_channels=128 -> 2*out_channels=256
    W1 = jax.random.normal(ks[2], (D_IN, D_HID), dtype=jnp.float32) * (1.0 / np.sqrt(D_IN))
    b1 = jnp.zeros((D_HID,), dtype=jnp.float32)
    # GCNConv layer 2: 256 -> out_channels=128
    W2 = jax.random.normal(ks[3], (D_HID, D_OUT), dtype=jnp.float32) * (1.0 / np.sqrt(D_HID))
    b2 = jnp.zeros((D_OUT,), dtype=jnp.float32)
    return {"x": x, "edge_index": edge_index, "W1": W1, "b1": b1, "W2": W2, "b2": b2}


def _gcn_conv(x, src, dst, W, b):
    # PyG GCNConv: x' = D^{-1/2} (A + I) D^{-1/2} (X W) + b
    # self-loops are already appended to src/dst by the caller
    N = x.shape[0]
    h = x @ W
    ones = jnp.ones(src.shape[0], dtype=h.dtype)
    deg = jnp.zeros((N,), dtype=h.dtype).at[dst].add(ones)
    dinv = jnp.where(deg > 0, jax.lax.rsqrt(jnp.maximum(deg, 1e-12)), 0.0)
    coef = dinv[src] * dinv[dst]
    msg = h[src] * coef[:, None]
    out = jnp.zeros((N, h.shape[1]), dtype=h.dtype).at[dst].add(msg)
    return out + b


def reference(x, edge_index, W1, b1, W2, b2):
    N = x.shape[0]
    loop = jnp.arange(N, dtype=edge_index.dtype)
    src = jnp.concatenate([edge_index[0], loop])
    dst = jnp.concatenate([edge_index[1], loop])
    # Encoder.forward: x = act(conv_i(x, edge_index)) for each layer; returns last x.
    # Note: the BatchNorm layers in self.bns are NOT applied in forward().
    h = jax.nn.relu(_gcn_conv(x, src, dst, W1, b1))
    out = jax.nn.relu(_gcn_conv(h, src, dst, W2, b2))
    return out

if __name__ == "__main__":
    import jax
    _d = setup_inputs()
    print(jax.jit(kernel)(*tuple(_d.values())))

</pallas_src>

<mosaic_0001>
#map = affine_map<(d0, d1) -> (0, 0)>
#map1 = affine_map<(d0, d1) -> (0, 0, 0)>
module attributes {stable_mosaic.version = 14 : i64} {
  func.func @k(%arg0: i32, %arg1: i32, %arg2: memref<2568x128xi32, #tpu.memory_space<hbm>>, %arg3: memref<2x1x10240xf32, #tpu.memory_space<hbm>>, %arg4: memref<80x128xi32, #tpu.memory_space<vmem>>, %arg5: memref<10240xf32, #tpu.memory_space<vmem>>, %arg6: memref<640xf32, #tpu.memory_space<vmem>>, %arg7: memref<16x10240xf32, #tpu.memory_space<vmem_shared>>) attributes {dimension_semantics = [#tpu.dimension_semantics<core_parallel>, #tpu.dimension_semantics<subcore_parallel>], iteration_bounds = array<i64: 2, 16>, scalar_prefetch = 0 : i64, scratch_operands = 4 : i64, tpu.core_type = #tpu.core_type<sc_vector_subcore>, window_params = [{transform_indices = #map}, {transform_indices = #map1}]} {
    %mul3A = arith.constant 2 : i32
    %mul3A_0 = arith.muli %arg1, %mul3A : i32
    %add3A = arith.addi %mul3A_0, %arg0 : i32
    %mul3A_1 = arith.constant 80 : i32
    %mul3A_2 = arith.muli %add3A, %mul3A_1 : i32
    "tpu.region"() ({
      %run_scoped3A_23 = tpu.sem_alloc : memref<!tpu.dma_semaphore, #tpu.memory_space<semaphore_mem>>
      %dma_start3A = arith.constant 0 : i32
      %dma_start3A_24 = tpu.memref_slice %arg2[%mul3A_2, %dma_start3A] : memref<2568x128xi32, #tpu.memory_space<hbm>> -> memref<80x128xi32, #tpu.memory_space<hbm>>
      %dma_start3A_25 = arith.constant 0 : i32
      %dma_start3A_26 = tpu.memref_slice %arg2[%mul3A_2, %dma_start3A_25] : memref<2568x128xi32, #tpu.memory_space<hbm>> -> memref<80x128xi32, #tpu.memory_space<hbm>>
      tpu.enqueue_dma source(%dma_start3A_26 : memref<80x128xi32, #tpu.memory_space<hbm>>) target(%arg4 : memref<80x128xi32, #tpu.memory_space<vmem>>) target_semaphore(%run_scoped3A_23 : memref<!tpu.dma_semaphore, #tpu.memory_space<semaphore_mem>>)
      %dma_wait3A = arith.constant 0 : i32
      %dma_wait3A_27 = tpu.memref_slice %arg2[%mul3A_2, %dma_wait3A] : memref<2568x128xi32, #tpu.memory_space<hbm>> -> memref<80x128xi32, #tpu.memory_space<hbm>>
      %dma_wait3A_28 = arith.constant 0 : i32
      %dma_wait3A_29 = tpu.memref_slice %arg2[%mul3A_2, %dma_wait3A_28] : memref<2568x128xi32, #tpu.memory_space<hbm>> -> memref<80x128xi32, #tpu.memory_space<hbm>>
      tpu.wait_dma2 semaphore(%run_scoped3A_23 : memref<!tpu.dma_semaphore, #tpu.memory_space<semaphore_mem>>) src(%dma_wait3A_29 : memref<80x128xi32, #tpu.memory_space<hbm>>) dst(%arg4 : memref<80x128xi32, #tpu.memory_space<vmem>>)
      tpu.yield
    }) : () -> ()
    %broadcast_in_dim3A = arith.constant 0.000000e+00 : f32
    %broadcast_in_dim3A_3 = vector.broadcast %broadcast_in_dim3A : f32 to vector<16xf32>
    %scan3A = arith.constant 0 : i32
    %scan3A_4 = arith.constant 640 : i32
    %scan3A_5 = arith.addi %scan3A, %scan3A_4 : i32
    %scan3A_6 = arith.constant 1 : i32
    scf.for %scan3A_23 = %scan3A to %scan3A_5 step %scan3A_6  : i32 {
      %mul3A_24 = arith.constant 1 : i32
      %mul3A_25 = arith.muli %scan3A_23, %mul3A_24 : i32
      %add3A_26 = arith.constant 0 : i32
      %add3A_27 = arith.addi %add3A_26, %mul3A_25 : i32
      %mul3A_28 = arith.constant 16 : i32
      %mul3A_29 = arith.muli %add3A_27, %mul3A_28 : i32
      %swap3A = arith.index_cast %mul3A_29 : i32 to index
      %swap3A_30 = tpu.vector_load %arg5[%swap3A] {strides = array<i32>} : memref<10240xf32, #tpu.memory_space<vmem>>, vector<16xf32>,
      tpu.vector_store %arg5[%swap3A], %broadcast_in_dim3A_3 {strides = array<i32>} : memref<10240xf32, #tpu.memory_space<vmem>>, vector<16xf32>,
    }
    %scan3A_7 = arith.constant 640 : i32
    %broadcast_in_dim3A_8 = arith.constant 1.000000e+00 : f32
    %broadcast_in_dim3A_9 = vector.broadcast %broadcast_in_dim3A_8 : f32 to vector<16xf32>
    %scan3A_10 = arith.constant 0 : i32
    %scan3A_11 = arith.constant 80 : i32
    %scan3A_12 = arith.addi %scan3A_10, %scan3A_11 : i32
    %scan3A_13 = arith.constant 1 : i32
    scf.for %scan3A_23 = %scan3A_10 to %scan3A_12 step %scan3A_13  : i32 {
      %mul3A_24 = arith.constant 1 : i32
      %mul3A_25 = arith.muli %scan3A_23, %mul3A_24 : i32
      %add3A_26 = arith.constant 0 : i32
      %add3A_27 = arith.addi %add3A_26, %mul3A_25 : i32
      %scan3A_28 = arith.constant 0 : i32
      %scan3A_29 = arith.constant 8 : i32
      %scan3A_30 = arith.addi %scan3A_28, %scan3A_29 : i32
      %scan3A_31 = arith.constant 1 : i32
      scf.for %scan3A_33 = %scan3A_28 to %scan3A_30 step %scan3A_31  : i32 {
        %mul3A_34 = arith.constant 1 : i32
        %mul3A_35 = arith.muli %scan3A_33, %mul3A_34 : i32
        %add3A_36 = arith.constant 0 : i32
        %add3A_37 = arith.addi %add3A_36, %mul3A_35 : i32
        %mul3A_38 = arith.constant 16 : i32
        %mul3A_39 = arith.muli %add3A_37, %mul3A_38 : i32
        %get3A = arith.index_cast %add3A_27 : i32 to index
        %get3A_40 = arith.index_cast %mul3A_39 : i32 to index
        %get3A_41 = tpu.vector_load %arg4[%get3A, %get3A_40] {strides = array<i32>} : memref<80x128xi32, #tpu.memory_space<vmem>>, vector<16xi32>,
        tpu.vector_store_idx %arg5[%get3A_41], %broadcast_in_dim3A_9 {add = true} : memref<10240xf32, #tpu.memory_space<vmem>>[vector<16xi32>], vector<16xf32>,
      }
      %scan3A_32 = arith.constant 8 : i32
    }
    %scan3A_14 = arith.constant 80 : i32
    "tpu.region"() ({
      %run_scoped3A_23 = tpu.sem_alloc : memref<!tpu.dma_semaphore, #tpu.memory_space<semaphore_mem>>
      %dma_start3A = arith.constant 0 : i32
      %dma_start3A_24 = tpu.memref_slice %arg7[%arg1, %dma_start3A] : memref<16x10240xf32, #tpu.memory_space<vmem_shared>> -> memref<1x10240xf32, #tpu.memory_space<vmem_shared>>
      %dma_start3A_25 = tpu.memref_squeeze %dma_start3A_24 : memref<1x10240xf32, #tpu.memory_space<vmem_shared>> -> memref<10240xf32, #tpu.memory_space<vmem_shared>>
      %dma_start3A_26 = arith.constant 0 : i32
      %dma_start3A_27 = tpu.memref_slice %arg7[%arg1, %dma_start3A_26] : memref<16x10240xf32, #tpu.memory_space<vmem_shared>> -> memref<1x10240xf32, #tpu.memory_space<vmem_shared>>
      %dma_start3A_28 = tpu.memref_squeeze %dma_start3A_27 : memref<1x10240xf32, #tpu.memory_space<vmem_shared>> -> memref<10240xf32, #tpu.memory_space<vmem_shared>>
      tpu.enqueue_dma source(%arg5 : memref<10240xf32, #tpu.memory_space<vmem>>) target(%dma_start3A_28 : memref<10240xf32, #tpu.memory_space<vmem_shared>>) target_semaphore(%run_scoped3A_23 : memref<!tpu.dma_semaphore, #tpu.memory_space<semaphore_mem>>)
      %dma_wait3A = arith.constant 0 : i32
      %dma_wait3A_29 = tpu.memref_slice %arg7[%arg1, %dma_wait3A] : memref<16x10240xf32, #tpu.memory_space<vmem_shared>> -> memref<1x10240xf32, #tpu.memory_space<vmem_shared>>
      %dma_wait3A_30 = tpu.memref_squeeze %dma_wait3A_29 : memref<1x10240xf32, #tpu.memory_space<vmem_shared>> -> memref<10240xf32, #tpu.memory_space<vmem_shared>>
      %dma_wait3A_31 = arith.constant 0 : i32
      %dma_wait3A_32 = tpu.memref_slice %arg7[%arg1, %dma_wait3A_31] : memref<16x10240xf32, #tpu.memory_space<vmem_shared>> -> memref<1x10240xf32, #tpu.memory_space<vmem_shared>>
      %dma_wait3A_33 = tpu.memref_squeeze %dma_wait3A_32 : memref<1x10240xf32, #tpu.memory_space<vmem_shared>> -> memref<10240xf32, #tpu.memory_space<vmem_shared>>
      tpu.wait_dma2 semaphore(%run_scoped3A_23 : memref<!tpu.dma_semaphore, #tpu.memory_space<semaphore_mem>>) src(%arg5 : memref<10240xf32, #tpu.memory_space<vmem>>) dst(%dma_wait3A_33 : memref<10240xf32, #tpu.memory_space<vmem_shared>>)
      tpu.yield
    }) : () -> ()
    %barrier3A = arith.constant 0 : index
    tpu.barrier barrier_id(%barrier3A)
    %mul3A_15 = arith.constant 640 : i32
    %mul3A_16 = arith.muli %arg1, %mul3A_15 : i32
    %run_scoped3A = arith.constant 0 : i32
    "tpu.region"() ({
      %run_scoped3A_23 = tpu.sem_alloc : memref<!tpu.dma_semaphore, #tpu.memory_space<semaphore_mem>>
      %dma_start3A = tpu.memref_slice %arg7[%run_scoped3A, %mul3A_16] : memref<16x10240xf32, #tpu.memory_space<vmem_shared>> -> memref<1x640xf32, #tpu.memory_space<vmem_shared>>
      %dma_start3A_24 = tpu.memref_squeeze %dma_start3A : memref<1x640xf32, #tpu.memory_space<vmem_shared>> -> memref<640xf32, #tpu.memory_space<vmem_shared>>
      %dma_start3A_25 = tpu.memref_slice %arg7[%run_scoped3A, %mul3A_16] : memref<16x10240xf32, #tpu.memory_space<vmem_shared>> -> memref<1x640xf32, #tpu.memory_space<vmem_shared>>
      %dma_start3A_26 = tpu.memref_squeeze %dma_start3A_25 : memref<1x640xf32, #tpu.memory_space<vmem_shared>> -> memref<640xf32, #tpu.memory_space<vmem_shared>>
      tpu.enqueue_dma source(%dma_start3A_26 : memref<640xf32, #tpu.memory_space<vmem_shared>>) target(%arg6 : memref<640xf32, #tpu.memory_space<vmem>>) target_semaphore(%run_scoped3A_23 : memref<!tpu.dma_semaphore, #tpu.memory_space<semaphore_mem>>)
      %dma_wait3A = tpu.memref_slice %arg7[%run_scoped3A, %mul3A_16] : memref<16x10240xf32, #tpu.memory_space<vmem_shared>> -> memref<1x640xf32, #tpu.memory_space<vmem_shared>>
      %dma_wait3A_27 = tpu.memref_squeeze %dma_wait3A : memref<1x640xf32, #tpu.memory_space<vmem_shared>> -> memref<640xf32, #tpu.memory_space<vmem_shared>>
      %dma_wait3A_28 = tpu.memref_slice %arg7[%run_scoped3A, %mul3A_16] : memref<16x10240xf32, #tpu.memory_space<vmem_shared>> -> memref<1x640xf32, #tpu.memory_space<vmem_shared>>
      %dma_wait3A_29 = tpu.memref_squeeze %dma_wait3A_28 : memref<1x640xf32, #tpu.memory_space<vmem_shared>> -> memref<640xf32, #tpu.memory_space<vmem_shared>>
      tpu.wait_dma2 semaphore(%run_scoped3A_23 : memref<!tpu.dma_semaphore, #tpu.memory_space<semaphore_mem>>) src(%dma_wait3A_29 : memref<640xf32, #tpu.memory_space<vmem_shared>>) dst(%arg6 : memref<640xf32, #tpu.memory_space<vmem>>)
      tpu.yield
    }) : () -> ()
    %scan3A_17 = arith.constant 0 : i32
    %scan3A_18 = arith.constant 15 : i32
    %scan3A_19 = arith.addi %scan3A_17, %scan3A_18 : i32
    %scan3A_20 = arith.constant 1 : i32
    scf.for %scan3A_23 = %scan3A_17 to %scan3A_19 step %scan3A_20  : i32 {
      %mul3A_24 = arith.constant 1 : i32
      %mul3A_25 = arith.muli %scan3A_23, %mul3A_24 : i32
      %add3A_26 = arith.constant 1 : i32
      %add3A_27 = arith.addi %add3A_26, %mul3A_25 : i32
      "tpu.region"() ({
        %run_scoped3A_33 = tpu.sem_alloc : memref<!tpu.dma_semaphore, #tpu.memory_space<semaphore_mem>>
        %dma_start3A = arith.constant 0 : i32
        %dma_start3A_34 = tpu.memref_slice %arg5[%dma_start3A] : memref<10240xf32, #tpu.memory_space<vmem>> -> memref<640xf32, #tpu.memory_space<vmem>>
        %dma_start3A_35 = tpu.memref_slice %arg7[%add3A_27, %mul3A_16] : memref<16x10240xf32, #tpu.memory_space<vmem_shared>> -> memref<1x640xf32, #tpu.memory_space<vmem_shared>>
        %dma_start3A_36 = tpu.memref_squeeze %dma_start3A_35 : memref<1x640xf32, #tpu.memory_space<vmem_shared>> -> memref<640xf32, #tpu.memory_space<vmem_shared>>
        %dma_start3A_37 = arith.constant 0 : i32
        %dma_start3A_38 = tpu.memref_slice %arg5[%dma_start3A_37] : memref<10240xf32, #tpu.memory_space<vmem>> -> memref<640xf32, #tpu.memory_space<vmem>>
        %dma_start3A_39 = tpu.memref_slice %arg7[%add3A_27, %mul3A_16] : memref<16x10240xf32, #tpu.memory_space<vmem_shared>> -> memref<1x640xf32, #tpu.memory_space<vmem_shared>>
        %dma_start3A_40 = tpu.memref_squeeze %dma_start3A_39 : memref<1x640xf32, #tpu.memory_space<vmem_shared>> -> memref<640xf32, #tpu.memory_space<vmem_shared>>
        tpu.enqueue_dma source(%dma_start3A_40 : memref<640xf32, #tpu.memory_space<vmem_shared>>) target(%dma_start3A_38 : memref<640xf32, #tpu.memory_space<vmem>>) target_semaphore(%run_scoped3A_33 : memref<!tpu.dma_semaphore, #tpu.memory_space<semaphore_mem>>)
        %dma_wait3A = arith.constant 0 : i32
        %dma_wait3A_41 = tpu.memref_slice %arg5[%dma_wait3A] : memref<10240xf32, #tpu.memory_space<vmem>> -> memref<640xf32, #tpu.memory_space<vmem>>
        %dma_wait3A_42 = tpu.memref_slice %arg7[%add3A_27, %mul3A_16] : memref<16x10240xf32, #tpu.memory_space<vmem_shared>> -> memref<1x640xf32, #tpu.memory_space<vmem_shared>>
        %dma_wait3A_43 = tpu.memref_squeeze %dma_wait3A_42 : memref<1x640xf32, #tpu.memory_space<vmem_shared>> -> memref<640xf32, #tpu.memory_space<vmem_shared>>
        %dma_wait3A_44 = arith.constant 0 : i32
        %dma_wait3A_45 = tpu.memref_slice %arg5[%dma_wait3A_44] : memref<10240xf32, #tpu.memory_space<vmem>> -> memref<640xf32, #tpu.memory_space<vmem>>
        %dma_wait3A_46 = tpu.memref_slice %arg7[%add3A_27, %mul3A_16] : memref<16x10240xf32, #tpu.memory_space<vmem_shared>> -> memref<1x640xf32, #tpu.memory_space<vmem_shared>>
        %dma_wait3A_47 = tpu.memref_squeeze %dma_wait3A_46 : memref<1x640xf32, #tpu.memory_space<vmem_shared>> -> memref<640xf32, #tpu.memory_space<vmem_shared>>
        tpu.wait_dma2 semaphore(%run_scoped3A_33 : memref<!tpu.dma_semaphore, #tpu.memory_space<semaphore_mem>>) src(%dma_wait3A_47 : memref<640xf32, #tpu.memory_space<vmem_shared>>) dst(%dma_wait3A_45 : memref<640xf32, #tpu.memory_space<vmem>>)
        tpu.yield
      }) : () -> ()
      %scan3A_28 = arith.constant 0 : i32
      %scan3A_29 = arith.constant 40 : i32
      %scan3A_30 = arith.addi %scan3A_28, %scan3A_29 : i32
      %scan3A_31 = arith.constant 1 : i32
      scf.for %scan3A_33 = %scan3A_28 to %scan3A_30 step %scan3A_31  : i32 {
        %mul3A_34 = arith.constant 1 : i32
        %mul3A_35 = arith.muli %scan3A_33, %mul3A_34 : i32
        %add3A_36 = arith.constant 0 : i32
        %add3A_37 = arith.addi %add3A_36, %mul3A_35 : i32
        %mul3A_38 = arith.constant 16 : i32
        %mul3A_39 = arith.muli %add3A_37, %mul3A_38 : i32
        %get3A = arith.index_cast %mul3A_39 : i32 to index
        %get3A_40 = tpu.vector_load %arg6[%get3A] {strides = array<i32>} : memref<640xf32, #tpu.memory_space<vmem>>, vector<16xf32>,
        %get3A_41 = arith.index_cast %mul3A_39 : i32 to index
        %get3A_42 = tpu.vector_load %arg5[%get3A_41] {strides = array<i32>} : memref<10240xf32, #tpu.memory_space<vmem>>, vector<16xf32>,
        %add3A_43 = arith.addf %get3A_40, %get3A_42 : vector<16xf32>
        %swap3A = arith.index_cast %mul3A_39 : i32 to index
        %swap3A_44 = tpu.vector_load %arg6[%swap3A] {strides = array<i32>} : memref<640xf32, #tpu.memory_space<vmem>>, vector<16xf32>,
        tpu.vector_store %arg6[%swap3A], %add3A_43 {strides = array<i32>} : memref<640xf32, #tpu.memory_space<vmem>>, vector<16xf32>,
      }
      %scan3A_32 = arith.constant 40 : i32
    }
    %scan3A_21 = arith.constant 15 : i32
    %run_scoped3A_22 = arith.constant 0 : i32
    "tpu.region"() ({
      %run_scoped3A_23 = tpu.sem_alloc : memref<!tpu.dma_semaphore, #tpu.memory_space<semaphore_mem>>
      %dma_start3A = tpu.memref_slice %arg3[%arg0, %run_scoped3A_22, %mul3A_16] : memref<2x1x10240xf32, #tpu.memory_space<hbm>> -> memref<1x1x640xf32, #tpu.memory_space<hbm>>
      %dma_start3A_24 = tpu.memref_squeeze %dma_start3A : memref<1x1x640xf32, #tpu.memory_space<hbm>> -> memref<640xf32, #tpu.memory_space<hbm>>
      %dma_start3A_25 = tpu.memref_slice %arg3[%arg0, %run_scoped3A_22, %mul3A_16] : memref<2x1x10240xf32, #tpu.memory_space<hbm>> -> memref<1x1x640xf32, #tpu.memory_space<hbm>>
      %dma_start3A_26 = tpu.memref_squeeze %dma_start3A_25 : memref<1x1x640xf32, #tpu.memory_space<hbm>> -> memref<640xf32, #tpu.memory_space<hbm>>
      tpu.enqueue_dma source(%arg6 : memref<640xf32, #tpu.memory_space<vmem>>) target(%dma_start3A_26 : memref<640xf32, #tpu.memory_space<hbm>>) target_semaphore(%run_scoped3A_23 : memref<!tpu.dma_semaphore, #tpu.memory_space<semaphore_mem>>)
      %dma_wait3A = tpu.memref_slice %arg3[%arg0, %run_scoped3A_22, %mul3A_16] : memref<2x1x10240xf32, #tpu.memory_space<hbm>> -> memref<1x1x640xf32, #tpu.memory_space<hbm>>
      %dma_wait3A_27 = tpu.memref_squeeze %dma_wait3A : memref<1x1x640xf32, #tpu.memory_space<hbm>> -> memref<640xf32, #tpu.memory_space<hbm>>
      %dma_wait3A_28 = tpu.memref_slice %arg3[%arg0, %run_scoped3A_22, %mul3A_16] : memref<2x1x10240xf32, #tpu.memory_space<hbm>> -> memref<1x1x640xf32, #tpu.memory_space<hbm>>
      %dma_wait3A_29 = tpu.memref_squeeze %dma_wait3A_28 : memref<1x1x640xf32, #tpu.memory_space<hbm>> -> memref<640xf32, #tpu.memory_space<hbm>>
      tpu.wait_dma2 semaphore(%run_scoped3A_23 : memref<!tpu.dma_semaphore, #tpu.memory_space<semaphore_mem>>) src(%arg6 : memref<640xf32, #tpu.memory_space<vmem>>) dst(%dma_wait3A_29 : memref<640xf32, #tpu.memory_space<hbm>>)
      tpu.yield
    }) : () -> ()
    return
  }
}

#map = affine_map<(d0, d1) -> (0, 0)>
#map1 = affine_map<(d0, d1) -> (0, 0, 0)>
module attributes {stable_mosaic.version = 14 : i64} {
  func.func @k(%arg0: i32, %arg1: i32, %arg2: memref<10000x128xf32, #tpu.memory_space<hbm>>, %arg3: memref<2568x128xi32, #tpu.memory_space<hbm>>, %arg4: memref<2568x128xi32, #tpu.memory_space<hbm>>, %arg5: memref<2x10240x128xf32, #tpu.memory_space<hbm>>, %arg6: memref<48x128xi32, #tpu.memory_space<vmem>>, %arg7: memref<48x128xi32, #tpu.memory_space<vmem>>, %arg8: memref<128x128xf32, #tpu.memory_space<vmem>>, %arg9: memref<128x128xf32, #tpu.memory_space<vmem>>, %arg10: memref<10240x128xf32, #tpu.memory_space<vmem_shared>>, %arg11: memref<!tpu.dma_semaphore, #tpu.memory_space<semaphore_mem>>, %arg12: memref<!tpu.dma_semaphore, #tpu.memory_space<semaphore_mem>>, %arg13: memref<!tpu.dma_semaphore, #tpu.memory_space<semaphore_mem>>, %arg14: memref<!tpu.dma_semaphore, #tpu.memory_space<semaphore_mem>>) attributes {dimension_semantics = [#tpu.dimension_semantics<core_parallel>, #tpu.dimension_semantics<subcore_parallel>], iteration_bounds = array<i64: 2, 16>, scalar_prefetch = 0 : i64, scratch_operands = 9 : i64, tpu.core_type = #tpu.core_type<sc_vector_subcore>, window_params = [{transform_indices = #map}, {transform_indices = #map}, {transform_indices = #map}, {transform_indices = #map1}]} {
    %mul3A = arith.constant 2 : i32
    %mul3A_0 = arith.muli %arg1, %mul3A : i32
    %add3A = arith.addi %mul3A_0, %arg0 : i32
    %mul3A_1 = arith.constant 80 : i32
    %mul3A_2 = arith.muli %add3A, %mul3A_1 : i32
    %broadcast_in_dim3A = arith.constant 0.000000e+00 : f32
    %broadcast_in_dim3A_3 = vector.broadcast %broadcast_in_dim3A : f32 to vector<16xf32>
    %scan3A = arith.constant 0 : i32
    %scan3A_4 = arith.constant 128 : i32
    %scan3A_5 = arith.addi %scan3A, %scan3A_4 : i32
    %scan3A_6 = arith.constant 1 : i32
    scf.for %scan3A_202 = %scan3A to %scan3A_5 step %scan3A_6  : i32 {
      %mul3A_203 = arith.constant 1 : i32
      %mul3A_204 = arith.muli %scan3A_202, %mul3A_203 : i32
      %add3A_205 = arith.constant 0 : i32
      %add3A_206 = arith.addi %add3A_205, %mul3A_204 : i32
      %scan3A_207 = arith.constant 0 : i32
      %scan3A_208 = arith.constant 8 : i32
      %scan3A_209 = arith.addi %scan3A_207, %scan3A_208 : i32
      %scan3A_210 = arith.constant 1 : i32
      scf.for %scan3A_212 = %scan3A_207 to %scan3A_209 step %scan3A_210  : i32 {
        %mul3A_213 = arith.constant 1 : i32
        %mul3A_214 = arith.muli %scan3A_212, %mul3A_213 : i32
        %add3A_215 = arith.constant 0 : i32
        %add3A_216 = arith.addi %add3A_215, %mul3A_214 : i32
        %mul3A_217 = arith.constant 16 : i32
        %mul3A_218 = arith.muli %add3A_216, %mul3A_217 : i32
        %swap3A = arith.index_cast %add3A_206 : i32 to index
        %swap3A_219 = arith.index_cast %mul3A_218 : i32 to index
        %swap3A_220 = tpu.vector_load %arg8[%swap3A, %swap3A_219] {strides = array<i32>} : memref<128x128xf32, #tpu.memory_space<vmem>>, vector<1x16xf32>,
        %swap3A_221 = vector.shape_cast %swap3A_220 : vector<1x16xf32> to vector<16xf32>
        %swap3A_222 = vector.shape_cast %broadcast_in_dim3A_3 : vector<16xf32> to vector<1x16xf32>
        tpu.vector_store %arg8[%swap3A, %swap3A_219], %swap3A_222 {strides = array<i32>} : memref<128x128xf32, #tpu.memory_space<vmem>>, vector<1x16xf32>,
      }
      %scan3A_211 = arith.constant 8 : i32
    }
    %scan3A_7 = arith.constant 128 : i32
    %scan3A_8 = arith.constant 0 : i32
    %scan3A_9 = arith.constant 5 : i32
    %scan3A_10 = arith.addi %scan3A_8, %scan3A_9 : i32
    %scan3A_11 = arith.constant 1 : i32
    scf.for %scan3A_202 = %scan3A_8 to %scan3A_10 step %scan3A_11  : i32 {
      %mul3A_203 = arith.constant 1 : i32
      %mul3A_204 = arith.muli %scan3A_202, %mul3A_203 : i32
      %add3A_205 = arith.constant 0 : i32
      %add3A_206 = arith.addi %add3A_205, %mul3A_204 : i32
      %mul3A_207 = arith.constant 640 : i32
      %mul3A_208 = arith.muli %arg1, %mul3A_207 : i32
      %mul3A_209 = arith.constant 128 : i32
      %mul3A_210 = arith.muli %add3A_206, %mul3A_209 : i32
      %add3A_211 = arith.addi %mul3A_208, %mul3A_210 : i32
      %dma_start3A_212 = arith.constant 0 : i32
      %dma_start3A_213 = tpu.memref_slice %arg10[%add3A_211, %dma_start3A_212] : memref<10240x128xf32, #tpu.memory_space<vmem_shared>> -> memref<128x128xf32, #tpu.memory_space<vmem_shared>>
      %dma_start3A_214 = arith.constant 0 : i32
      %dma_start3A_215 = tpu.memref_slice %arg10[%add3A_211, %dma_start3A_214] : memref<10240x128xf32, #tpu.memory_space<vmem_shared>> -> memref<128x128xf32, #tpu.memory_space<vmem_shared>>
      tpu.enqueue_dma source(%arg8 : memref<128x128xf32, #tpu.memory_space<vmem>>) target(%dma_start3A_215 : memref<128x128xf32, #tpu.memory_space<vmem_shared>>) target_semaphore(%arg13 : memref<!tpu.dma_semaphore, #tpu.memory_space<semaphore_mem>>)
    }
    %scan3A_12 = arith.constant 5 : i32
    %scan3A_13 = arith.constant 0 : i32
    %scan3A_14 = arith.constant 5 : i32
    %scan3A_15 = arith.addi %scan3A_13, %scan3A_14 : i32
    %scan3A_16 = arith.constant 1 : i32
    scf.for %scan3A_202 = %scan3A_13 to %scan3A_15 step %scan3A_16  : i32 {
      %mul3A_203 = arith.constant 1 : i32
      %mul3A_204 = arith.muli %scan3A_202, %mul3A_203 : i32
      %add3A_205 = arith.constant 0 : i32
      %add3A_206 = arith.addi %add3A_205, %mul3A_204 : i32
      %mul3A_207 = arith.constant 640 : i32
      %mul3A_208 = arith.muli %arg1, %mul3A_207 : i32
      %mul3A_209 = arith.constant 128 : i32
      %mul3A_210 = arith.muli %add3A_206, %mul3A_209 : i32
      %add3A_211 = arith.addi %mul3A_208, %mul3A_210 : i32
      %dma_wait3A_212 = arith.constant 0 : i32
      %dma_wait3A_213 = tpu.memref_slice %arg10[%add3A_211, %dma_wait3A_212] : memref<10240x128xf32, #tpu.memory_space<vmem_shared>> -> memref<128x128xf32, #tpu.memory_space<vmem_shared>>
      %dma_wait3A_214 = arith.constant 0 : i32
      %dma_wait3A_215 = tpu.memref_slice %arg10[%add3A_211, %dma_wait3A_214] : memref<10240x128xf32, #tpu.memory_space<vmem_shared>> -> memref<128x128xf32, #tpu.memory_space<vmem_shared>>
      tpu.wait_dma2 semaphore(%arg13 : memref<!tpu.dma_semaphore, #tpu.memory_space<semaphore_mem>>) src(%arg8 : memref<128x128xf32, #tpu.memory_space<vmem>>) dst(%dma_wait3A_215 : memref<128x128xf32, #tpu.memory_space<vmem_shared>>)
    }
    %scan3A_17 = arith.constant 5 : i32
    %barrier3A = arith.constant 0 : index
    tpu.barrier barrier_id(%barrier3A)
    %scan3A_18 = arith.constant 0 : i32
    %scan3A_19 = arith.constant 2 : i32
    %scan3A_20 = arith.addi %scan3A_18, %scan3A_19 : i32
    %scan3A_21 = arith.constant 1 : i32
    scf.for %scan3A_202 = %scan3A_18 to %scan3A_20 step %scan3A_21  : i32 {
      %mul3A_203 = arith.constant 1 : i32
      %mul3A_204 = arith.muli %scan3A_202, %mul3A_203 : i32
      %add3A_205 = arith.constant 0 : i32
      %add3A_206 = arith.addi %add3A_205, %mul3A_204 : i32
      %mul3A_207 = arith.constant 40 : i32
      %mul3A_208 = arith.muli %mul3A_207, %add3A_206 : i32
      %add3A_209 = arith.addi %mul3A_2, %mul3A_208 : i32
      %dma_start3A_210 = arith.constant 0 : i32
      %dma_start3A_211 = tpu.memref_slice %arg3[%add3A_209, %dma_start3A_210] : memref<2568x128xi32, #tpu.memory_space<hbm>> -> memref<48x128xi32, #tpu.memory_space<hbm>>
      %dma_start3A_212 = arith.constant 0 : i32
      %dma_start3A_213 = tpu.memref_slice %arg3[%add3A_209, %dma_start3A_212] : memref<2568x128xi32, #tpu.memory_space<hbm>> -> memref<48x128xi32, #tpu.memory_space<hbm>>
      tpu.enqueue_dma source(%dma_start3A_213 : memref<48x128xi32, #tpu.memory_space<hbm>>) target(%arg6 : memref<48x128xi32, #tpu.memory_space<vmem>>) target_semaphore(%arg11 : memref<!tpu.dma_semaphore, #tpu.memory_space<semaphore_mem>>)
      %dma_start3A_214 = arith.constant 0 : i32
      %dma_start3A_215 = tpu.memref_slice %arg4[%add3A_209, %dma_start3A_214] : memref<2568x128xi32, #tpu.memory_space<hbm>> -> memref<48x128xi32, #tpu.memory_space<hbm>>
      %dma_start3A_216 = arith.constant 0 : i32
      %dma_start3A_217 = tpu.memref_slice %arg4[%add3A_209, %dma_start3A_216] : memref<2568x128xi32, #tpu.memory_space<hbm>> -> memref<48x128xi32, #tpu.memory_space<hbm>>
      tpu.enqueue_dma source(%dma_start3A_217 : memref<48x128xi32, #tpu.memory_space<hbm>>) target(%arg7 : memref<48x128xi32, #tpu.memory_space<vmem>>) target_semaphore(%arg12 : memref<!tpu.dma_semaphore, #tpu.memory_space<semaphore_mem>>)
      %dma_wait3A_218 = arith.constant 0 : i32
      %dma_wait3A_219 = tpu.memref_slice %arg3[%add3A_209, %dma_wait3A_218] : memref<2568x128xi32, #tpu.memory_space<hbm>> -> memref<48x128xi32, #tpu.memory_space<hbm>>
      %dma_wait3A_220 = arith.constant 0 : i32
      %dma_wait3A_221 = tpu.memref_slice %arg3[%add3A_209, %dma_wait3A_220] : memref<2568x128xi32, #tpu.memory_space<hbm>> -> memref<48x128xi32, #tpu.memory_space<hbm>>
      tpu.wait_dma2 semaphore(%arg11 : memref<!tpu.dma_semaphore, #tpu.memory_space<semaphore_mem>>) src(%dma_wait3A_221 : memref<48x128xi32, #tpu.memory_space<hbm>>) dst(%arg6 : memref<48x128xi32, #tpu.memory_space<vmem>>)
      %dma_wait3A_222 = arith.constant 0 : i32
      %dma_wait3A_223 = tpu.memref_slice %arg4[%add3A_209, %dma_wait3A_222] : memref<2568x128xi32, #tpu.memory_space<hbm>> -> memref<48x128xi32, #tpu.memory_space<hbm>>
      %dma_wait3A_224 = arith.constant 0 : i32
      %dma_wait3A_225 = tpu.memref_slice %arg4[%add3A_209, %dma_wait3A_224] : memref<2568x128xi32, #tpu.memory_space<hbm>> -> memref<48x128xi32, #tpu.memory_space<hbm>>
      tpu.wait_dma2 semaphore(%arg12 : memref<!tpu.dma_semaphore, #tpu.memory_space<semaphore_mem>>) src(%dma_wait3A_225 : memref<48x128xi32, #tpu.memory_space<hbm>>) dst(%arg7 : memref<48x128xi32, #tpu.memory_space<vmem>>)
      %dma_start3A_226 = arith.constant 0 : i32
      %dma_start3A_227 = arith.constant 0 : i32
      %dma_start3A_228 = tpu.memref_slice %arg6[%dma_start3A_226, %dma_start3A_227] : memref<48x128xi32, #tpu.memory_space<vmem>> -> memref<1x128xi32, #tpu.memory_space<vmem>>
      %dma_start3A_229 = tpu.memref_squeeze %dma_start3A_228 : memref<1x128xi32, #tpu.memory_space<vmem>> -> memref<128xi32, #tpu.memory_space<vmem>>
      %dma_start3A_230 = arith.constant 0 : i32
      %dma_start3A_231 = arith.constant 0 : i32
      %dma_start3A_232 = tpu.memref_slice %arg2[%dma_start3A_230, %dma_start3A_231] : memref<10000x128xf32, #tpu.memory_space<hbm>> -> memref<10000x128xf32, #tpu.memory_space<hbm>>
      tpu.enqueue_indirect_dma source(%dma_start3A_232 : memref<10000x128xf32, #tpu.memory_space<hbm>>) target(%arg8 : memref<128x128xf32, #tpu.memory_space<vmem>>) offsets(%dma_start3A_229 : memref<128xi32, #tpu.memory_space<vmem>>) semaphore(%arg11 : memref<!tpu.dma_semaphore, #tpu.memory_space<semaphore_mem>>)
      %dma_start3A_233 = arith.constant 1 : i32
      %dma_start3A_234 = arith.constant 0 : i32
      %dma_start3A_235 = tpu.memref_slice %arg6[%dma_start3A_233, %dma_start3A_234] : memref<48x128xi32, #tpu.memory_space<vmem>> -> memref<1x128xi32, #tpu.memory_space<vmem>>
      %dma_start3A_236 = tpu.memref_squeeze %dma_start3A_235 : memref<1x128xi32, #tpu.memory_space<vmem>> -> memref<128xi32, #tpu.memory_space<vmem>>
      %dma_start3A_237 = arith.constant 0 : i32
      %dma_start3A_238 = arith.constant 0 : i32
      %dma_start3A_239 = tpu.memref_slice %arg2[%dma_start3A_237, %dma_start3A_238] : memref<10000x128xf32, #tpu.memory_space<hbm>> -> memref<10000x128xf32, #tpu.memory_space<hbm>>
      tpu.enqueue_indirect_dma source(%dma_start3A_239 : memref<10000x128xf32, #tpu.memory_space<hbm>>) target(%arg9 : memref<128x128xf32, #tpu.memory_space<vmem>>) offsets(%dma_start3A_236 : memref<128xi32, #tpu.memory_space<vmem>>) semaphore(%arg12 : memref<!tpu.dma_semaphore, #tpu.memory_space<semaphore_mem>>)
      %scan3A_240 = arith.constant 0 : i32
      %scan3A_241 = arith.constant 20 : i32
      %scan3A_242 = arith.addi %scan3A_240, %scan3A_241 : i32
      %scan3A_243 = arith.constant 2 : i32
      scf.for %scan3A_259 = %scan3A_240 to %scan3A_242 step %scan3A_243  : i32 {
        %mul3A_260 = arith.constant 1 : i32
        %mul3A_261 = arith.muli %scan3A_259, %mul3A_260 : i32
        %add3A_262 = arith.constant 0 : i32
        %add3A_263 = arith.addi %add3A_262, %mul3A_261 : i32
        %mul3A_264 = arith.constant 2 : i32
        %mul3A_265 = arith.muli %mul3A_264, %add3A_263 : i32
        %add3A_266 = arith.constant 1 : i32
        %add3A_267 = arith.addi %mul3A_265, %add3A_266 : i32
        %dma_wait3A_268 = arith.constant 0 : i32
        %dma_wait3A_269 = tpu.memref_slice %arg6[%mul3A_265, %dma_wait3A_268] : memref<48x128xi32, #tpu.memory_space<vmem>> -> memref<1x128xi32, #tpu.memory_space<vmem>>
        %dma_wait3A_270 = tpu.memref_squeeze %dma_wait3A_269 : memref<1x128xi32, #tpu.memory_space<vmem>> -> memref<128xi32, #tpu.memory_space<vmem>>
        %dma_wait3A_271 = arith.constant 0 : i32
        %dma_wait3A_272 = arith.constant 0 : i32
        %dma_wait3A_273 = tpu.memref_slice %arg2[%dma_wait3A_271, %dma_wait3A_272] : memref<10000x128xf32, #tpu.memory_space<hbm>> -> memref<10000x128xf32, #tpu.memory_space<hbm>>
        tpu.wait_indirect_dma semaphore(%arg11 : memref<!tpu.dma_semaphore, #tpu.memory_space<semaphore_mem>>) src(%dma_wait3A_273 : memref<10000x128xf32, #tpu.memory_space<hbm>>) dst(%arg8 : memref<128x128xf32, #tpu.memory_space<vmem>>)
        %dma_start3A_274 = arith.constant 0 : i32
        %dma_start3A_275 = tpu.memref_slice %arg7[%mul3A_265, %dma_start3A_274] : memref<48x128xi32, #tpu.memory_space<vmem>> -> memref<1x128xi32, #tpu.memory_space<vmem>>
        %dma_start3A_276 = tpu.memref_squeeze %dma_start3A_275 : memref<1x128xi32, #tpu.memory_space<vmem>> -> memref<128xi32, #tpu.memory_space<vmem>>
        %dma_start3A_277 = arith.constant 0 : i32
        %dma_start3A_278 = arith.constant 0 : i32
        %dma_start3A_279 = tpu.memref_slice %arg10[%dma_start3A_277, %dma_start3A_278] : memref<10240x128xf32, #tpu.memory_space<vmem_shared>> -> memref<10240x128xf32, #tpu.memory_space<vmem_shared>>
        tpu.enqueue_indirect_dma source(%arg8 : memref<128x128xf32, #tpu.memory_space<vmem>>) target(%dma_start3A_279 : memref<10240x128xf32, #tpu.memory_space<vmem_shared>>) offsets(%dma_start3A_276 : memref<128xi32, #tpu.memory_space<vmem>>) semaphore(%arg13 : memref<!tpu.dma_semaphore, #tpu.memory_space<semaphore_mem>>) {add = true}
        %dma_wait3A_280 = arith.constant 0 : i32
        %dma_wait3A_281 = tpu.memref_slice %arg6[%add3A_267, %dma_wait3A_280] : memref<48x128xi32, #tpu.memory_space<vmem>> -> memref<1x128xi32, #tpu.memory_space<vmem>>
        %dma_wait3A_282 = tpu.memref_squeeze %dma_wait3A_281 : memref<1x128xi32, #tpu.memory_space<vmem>> -> memref<128xi32, #tpu.memory_space<vmem>>
        %dma_wait3A_283 = arith.constant 0 : i32
        %dma_wait3A_284 = arith.constant 0 : i32
        %dma_wait3A_285 = tpu.memref_slice %arg2[%dma_wait3A_283, %dma_wait3A_284] : memref<10000x128xf32, #tpu.memory_space<hbm>> -> memref<10000x128xf32, #tpu.memory_space<hbm>>
        tpu.wait_indirect_dma semaphore(%arg12 : memref<!tpu.dma_semaphore, #tpu.memory_space<semaphore_mem>>) src(%dma_wait3A_285 : memref<10000x128xf32, #tpu.memory_space<hbm>>) dst(%arg9 : memref<128x128xf32, #tpu.memory_space<vmem>>)
        %dma_start3A_286 = arith.constant 0 : i32
        %dma_start3A_287 = tpu.memref_slice %arg7[%add3A_267, %dma_start3A_286] : memref<48x128xi32, #tpu.memory_space<vmem>> -> memref<1x128xi32, #tpu.memory_space<vmem>>
        %dma_start3A_288 = tpu.memref_squeeze %dma_start3A_287 : memref<1x128xi32, #tpu.memory_space<vmem>> -> memref<128xi32, #tpu.memory_space<vmem>>
        %dma_start3A_289 = arith.constant 0 : i32
        %dma_start3A_290 = arith.constant 0 : i32
        %dma_start3A_291 = tpu.memref_slice %arg10[%dma_start3A_289, %dma_start3A_290] : memref<10240x128xf32, #tpu.memory_space<vmem_shared>> -> memref<10240x128xf32, #tpu.memory_space<vmem_shared>>
        tpu.enqueue_indirect_dma source(%arg9 : memref<128x128xf32, #tpu.memory_space<vmem>>) target(%dma_start3A_291 : memref<10240x128xf32, #tpu.memory_space<vmem_shared>>) offsets(%dma_start3A_288 : memref<128xi32, #tpu.memory_space<vmem>>) semaphore(%arg14 : memref<!tpu.dma_semaphore, #tpu.memory_space<semaphore_mem>>) {add = true}
        %dma_wait3A_292 = arith.constant 0 : i32
        %dma_wait3A_293 = tpu.memref_slice %arg7[%mul3A_265, %dma_wait3A_292] : memref<48x128xi32, #tpu.memory_space<vmem>> -> memref<1x128xi32, #tpu.memory_space<vmem>>
        %dma_wait3A_294 = tpu.memref_squeeze %dma_wait3A_293 : memref<1x128xi32, #tpu.memory_space<vmem>> -> memref<128xi32, #tpu.memory_space<vmem>>
        %dma_wait3A_295 = arith.constant 0 : i32
        %dma_wait3A_296 = arith.constant 0 : i32
        %dma_wait3A_297 = tpu.memref_slice %arg10[%dma_wait3A_295, %dma_wait3A_296] : memref<10240x128xf32, #tpu.memory_space<vmem_shared>> -> memref<10240x128xf32, #tpu.memory_space<vmem_shared>>
        tpu.wait_indirect_dma semaphore(%arg13 : memref<!tpu.dma_semaphore, #tpu.memory_space<semaphore_mem>>) src(%arg8 : memref<128x128xf32, #tpu.memory_space<vmem>>) dst(%dma_wait3A_297 : memref<10240x128xf32, #tpu.memory_space<vmem_shared>>)
        %add3A_298 = arith.constant 2 : i32
        %add3A_299 = arith.addi %mul3A_265, %add3A_298 : i32
        %dma_start3A_300 = arith.constant 0 : i32
        %dma_start3A_301 = tpu.memref_slice %arg6[%add3A_299, %dma_start3A_300] : memref<48x128xi32, #tpu.memory_space<vmem>> -> memref<1x128xi32, #tpu.memory_space<vmem>>
        %dma_start3A_302 = tpu.memref_squeeze %dma_start3A_301 : memref<1x128xi32, #tpu.memory_space<vmem>> -> memref<128xi32, #tpu.memory_space<vmem>>
        %dma_start3A_303 = arith.constant 0 : i32
        %dma_start3A_304 = arith.constant 0 : i32
        %dma_start3A_305 = tpu.memref_slice %arg2[%dma_start3A_303, %dma_start3A_304] : memref<10000x128xf32, #tpu.memory_space<hbm>> -> memref<10000x128xf32, #tpu.memory_space<hbm>>
        tpu.enqueue_indirect_dma source(%dma_start3A_305 : memref<10000x128xf32, #tpu.memory_space<hbm>>) target(%arg8 : memref<128x128xf32, #tpu.memory_space<vmem>>) offsets(%dma_start3A_302 : memref<128xi32, #tpu.memory_space<vmem>>) semaphore(%arg11 : memref<!tpu.dma_semaphore, #tpu.memory_space<semaphore_mem>>)
        %dma_wait3A_306 = arith.constant 0 : i32
        %dma_wait3A_307 = tpu.memref_slice %arg7[%add3A_267, %dma_wait3A_306] : memref<48x128xi32, #tpu.memory_space<vmem>> -> memref<1x128xi32, #tpu.memory_space<vmem>>
        %dma_wait3A_308 = tpu.memref_squeeze %dma_wait3A_307 : memref<1x128xi32, #tpu.memory_space<vmem>> -> memref<128xi32, #tpu.memory_space<vmem>>
        %dma_wait3A_309 = arith.constant 0 : i32
        %dma_wait3A_310 = arith.constant 0 : i32
        %dma_wait3A_311 = tpu.memref_slice %arg10[%dma_wait3A_309, %dma_wait3A_310] : memref<10240x128xf32, #tpu.memory_space<vmem_shared>> -> memref<10240x128xf32, #tpu.memory_space<vmem_shared>>
        tpu.wait_indirect_dma semaphore(%arg14 : memref<!tpu.dma_semaphore, #tpu.memory_space<semaphore_mem>>) src(%arg9 : memref<128x128xf32, #tpu.memory_space<vmem>>) dst(%dma_wait3A_311 : memref<10240x128xf32, #tpu.memory_space<vmem_shared>>)
        %add3A_312 = arith.constant 2 : i32
        %add3A_313 = arith.addi %add3A_267, %add3A_312 : i32
        %dma_start3A_314 = arith.constant 0 : i32
        %dma_start3A_315 = tpu.memref_slice %arg6[%add3A_313, %dma_start3A_314] : memref<48x128xi32, #tpu.memory_space<vmem>> -> memref<1x128xi32, #tpu.memory_space<vmem>>
        %dma_start3A_316 = tpu.memref_squeeze %dma_start3A_315 : memref<1x128xi32, #tpu.memory_space<vmem>> -> memref<128xi32, #tpu.memory_space<vmem>>
        %dma_start3A_317 = arith.constant 0 : i32
        %dma_start3A_318 = arith.constant 0 : i32
        %dma_start3A_319 = tpu.memref_slice %arg2[%dma_start3A_317, %dma_start3A_318] : memref<10000x128xf32, #tpu.memory_space<hbm>> -> memref<10000x128xf32, #tpu.memory_space<hbm>>
        tpu.enqueue_indirect_dma source(%dma_start3A_319 : memref<10000x128xf32, #tpu.memory_space<hbm>>) target(%arg9 : memref<128x128xf32, #tpu.memory_space<vmem>>) offsets(%dma_start3A_316 : memref<128xi32, #tpu.memory_space<vmem>>) semaphore(%arg12 : memref<!tpu.dma_semaphore, #tpu.memory_space<semaphore_mem>>)
        %scan3A_320 = arith.constant 1 : i32
        %scan3A_321 = arith.addi %scan3A_259, %scan3A_320 : i32
        %mul3A_322 = arith.constant 1 : i32
        %mul3A_323 = arith.muli %scan3A_321, %mul3A_322 : i32
        %add3A_324 = arith.constant 0 : i32
        %add3A_325 = arith.addi %add3A_324, %mul3A_323 : i32
        %mul3A_326 = arith.constant 2 : i32
        %mul3A_327 = arith.muli %mul3A_326, %add3A_325 : i32
        %add3A_328 = arith.constant 1 : i32
        %add3A_329 = arith.addi %mul3A_327, %add3A_328 : i32
        %dma_wait3A_330 = arith.constant 0 : i32
        %dma_wait3A_331 = tpu.memref_slice %arg6[%mul3A_327, %dma_wait3A_330] : memref<48x128xi32, #tpu.memory_space<vmem>> -> memref<1x128xi32, #tpu.memory_space<vmem>>
        %dma_wait3A_332 = tpu.memref_squeeze %dma_wait3A_331 : memref<1x128xi32, #tpu.memory_space<vmem>> -> memref<128xi32, #tpu.memory_space<vmem>>
        %dma_wait3A_333 = arith.constant 0 : i32
        %dma_wait3A_334 = arith.constant 0 : i32
        %dma_wait3A_335 = tpu.memref_slice %arg2[%dma_wait3A_333, %dma_wait3A_334] : memref<10000x128xf32, #tpu.memory_space<hbm>> -> memref<10000x128xf32, #tpu.memory_space<hbm>>
        tpu.wait_indirect_dma semaphore(%arg11 : memref<!tpu.dma_semaphore, #tpu.memory_space<semaphore_mem>>) src(%dma_wait3A_335 : memref<10000x128xf32, #tpu.memory_space<hbm>>) dst(%arg8 : memref<128x128xf32, #tpu.memory_space<vmem>>)
        %dma_start3A_336 = arith.constant 0 : i32
        %dma_start3A_337 = tpu.memref_slice %arg7[%mul3A_327, %dma_start3A_336] : memref<48x128xi32, #tpu.memory_space<vmem>> -> memref<1x128xi32, #tpu.memory_space<vmem>>
        %dma_start3A_338 = tpu.memref_squeeze %dma_start3A_337 : memref<1x128xi32, #tpu.memory_space<vmem>> -> memref<128xi32, #tpu.memory_space<vmem>>
        %dma_start3A_339 = arith.constant 0 : i32
        %dma_start3A_340 = arith.constant 0 : i32
        %dma_start3A_341 = tpu.memref_slice %arg10[%dma_start3A_339, %dma_start3A_340] : memref<10240x128xf32, #tpu.memory_space<vmem_shared>> -> memref<10240x128xf32, #tpu.memory_space<vmem_shared>>
        tpu.enqueue_indirect_dma source(%arg8 : memref<128x128xf32, #tpu.memory_space<vmem>>) target(%dma_start3A_341 : memref<10240x128xf32, #tpu.memory_space<vmem_shared>>) offsets(%dma_start3A_338 : memref<128xi32, #tpu.memory_space<vmem>>) semaphore(%arg13 : memref<!tpu.dma_semaphore, #tpu.memory_space<semaphore_mem>>) {add = true}
        %dma_wait3A_342 = arith.constant 0 : i32
        %dma_wait3A_343 = tpu.memref_slice %arg6[%add3A_329, %dma_wait3A_342] : memref<48x128xi32, #tpu.memory_space<vmem>> -> memref<1x128xi32, #tpu.memory_space<vmem>>
        %dma_wait3A_344 = tpu.memref_squeeze %dma_wait3A_343 : memref<1x128xi32, #tpu.memory_space<vmem>> -> memref<128xi32, #tpu.memory_space<vmem>>
        %dma_wait3A_345 = arith.constant 0 : i32
        %dma_wait3A_346 = arith.constant 0 : i32
        %dma_wait3A_347 = tpu.memref_slice %arg2[%dma_wait3A_345, %dma_wait3A_346] : memref<10000x128xf32, #tpu.memory_space<hbm>> -> memref<10000x128xf32, #tpu.memory_space<hbm>>
        tpu.wait_indirect_dma semaphore(%arg12 : memref<!tpu.dma_semaphore, #tpu.memory_space<semaphore_mem>>) src(%dma_wait3A_347 : memref<10000x128xf32, #tpu.memory_space<hbm>>) dst(%arg9 : memref<128x128xf32, #tpu.memory_space<vmem>>)
        %dma_start3A_348 = arith.constant 0 : i32
        %dma_start3A_349 = tpu.memref_slice %arg7[%add3A_329, %dma_start3A_348] : memref<48x128xi32, #tpu.memory_space<vmem>> -> memref<1x128xi32, #tpu.memory_space<vmem>>
        %dma_start3A_350 = tpu.memref_squeeze %dma_start3A_349 : memref<1x128xi32, #tpu.memory_space<vmem>> -> memref<128xi32, #tpu.memory_space<vmem>>
        %dma_start3A_351 = arith.constant 0 : i32
        %dma_start3A_352 = arith.constant 0 : i32
        %dma_start3A_353 = tpu.memref_slice %arg10[%dma_start3A_351, %dma_start3A_352] : memref<10240x128xf32, #tpu.memory_space<vmem_shared>> -> memref<10240x128xf32, #tpu.memory_space<vmem_shared>>
        tpu.enqueue_indirect_dma source(%arg9 : memref<128x128xf32, #tpu.memory_space<vmem>>) target(%dma_start3A_353 : memref<10240x128xf32, #tpu.memory_space<vmem_shared>>) offsets(%dma_start3A_350 : memref<128xi32, #tpu.memory_space<vmem>>) semaphore(%arg14 : memref<!tpu.dma_semaphore, #tpu.memory_space<semaphore_mem>>) {add = true}
        %dma_wait3A_354 = arith.constant 0 : i32
        %dma_wait3A_355 = tpu.memref_slice %arg7[%mul3A_327, %dma_wait3A_354] : memref<48x128xi32, #tpu.memory_space<vmem>> -> memref<1x128xi32, #tpu.memory_space<vmem>>
        %dma_wait3A_356 = tpu.memref_squeeze %dma_wait3A_355 : memref<1x128xi32, #tpu.memory_space<vmem>> -> memref<128xi32, #tpu.memory_space<vmem>>
        %dma_wait3A_357 = arith.constant 0 : i32
        %dma_wait3A_358 = arith.constant 0 : i32
        %dma_wait3A_359 = tpu.memref_slice %arg10[%dma_wait3A_357, %dma_wait3A_358] : memref<10240x128xf32, #tpu.memory_space<vmem_shared>> -> memref<10240x128xf32, #tpu.memory_space<vmem_shared>>
        tpu.wait_indirect_dma semaphore(%arg13 : memref<!tpu.dma_semaphore, #tpu.memory_space<semaphore_mem>>) src(%arg8 : memref<128x128xf32, #tpu.memory_space<vmem>>) dst(%dma_wait3A_359 : memref<10240x128xf32, #tpu.memory_space<vmem_shared>>)
        %add3A_360 = arith.constant 2 : i32
        %add3A_361 = arith.addi %mul3A_327, %add3A_360 : i32
        %dma_start3A_362 = arith.constant 0 : i32
        %dma_start3A_363 = tpu.memref_slice %arg6[%add3A_361, %dma_start3A_362] : memref<48x128xi32, #tpu.memory_space<vmem>> -> memref<1x128xi32, #tpu.memory_space<vmem>>
        %dma_start3A_364 = tpu.memref_squeeze %dma_start3A_363 : memref<1x128xi32, #tpu.memory_space<vmem>> -> memref<128xi32, #tpu.memory_space<vmem>>
        %dma_start3A_365 = arith.constant 0 : i32
        %dma_start3A_366 = arith.constant 0 : i32
        %dma_start3A_367 = tpu.memref_slice %arg2[%dma_start3A_365, %dma_start3A_366] : memref<10000x128xf32, #tpu.memory_space<hbm>> -> memref<10000x128xf32, #tpu.memory_space<hbm>>
        tpu.enqueue_indirect_dma source(%dma_start3A_367 : memref<10000x128xf32, #tpu.memory_space<hbm>>) target(%arg8 : memref<128x128xf32, #tpu.memory_space<vmem>>) offsets(%dma_start3A_364 : memref<128xi32, #tpu.memory_space<vmem>>) semaphore(%arg11 : memref<!tpu.dma_semaphore, #tpu.memory_space<semaphore_mem>>)
        %dma_wait3A_368 = arith.constant 0 : i32
        %dma_wait3A_369 = tpu.memref_slice %arg7[%add3A_329, %dma_wait3A_368] : memref<48x128xi32, #tpu.memory_space<vmem>> -> memref<1x128xi32, #tpu.memory_space<vmem>>
        %dma_wait3A_370 = tpu.memref_squeeze %dma_wait3A_369 : memref<1x128xi32, #tpu.memory_space<vmem>> -> memref<128xi32, #tpu.memory_space<vmem>>
        %dma_wait3A_371 = arith.constant 0 : i32
        %dma_wait3A_372 = arith.constant 0 : i32
        %dma_wait3A_373 = tpu.memref_slice %arg10[%dma_wait3A_371, %dma_wait3A_372] : memref<10240x128xf32, #tpu.memory_space<vmem_shared>> -> memref<10240x128xf32, #tpu.memory_space<vmem_shared>>
        tpu.wait_indirect_dma semaphore(%arg14 : memref<!tpu.dma_semaphore, #tpu.memory_space<semaphore_mem>>) src(%arg9 : memref<128x128xf32, #tpu.memory_space<vmem>>) dst(%dma_wait3A_373 : memref<10240x128xf32, #tpu.memory_space<vmem_shared>>)
        %add3A_374 = arith.constant 2 : i32
        %add3A_375 = arith.addi %add3A_329, %add3A_374 : i32
        %dma_start3A_376 = arith.constant 0 : i32
        %dma_start3A_377 = tpu.memref_slice %arg6[%add3A_375, %dma_start3A_376] : memref<48x128xi32, #tpu.memory_space<vmem>> -> memref<1x128xi32, #tpu.memory_space<vmem>>
        %dma_start3A_378 = tpu.memref_squeeze %dma_start3A_377 : memref<1x128xi32, #tpu.memory_space<vmem>> -> memref<128xi32, #tpu.memory_space<vmem>>
        %dma_start3A_379 = arith.constant 0 : i32
        %dma_start3A_380 = arith.constant 0 : i32
        %dma_start3A_381 = tpu.memref_slice %arg2[%dma_start3A_379, %dma_start3A_380] : memref<10000x128xf32, #tpu.memory_space<hbm>> -> memref<10000x128xf32, #tpu.memory_space<hbm>>
        tpu.enqueue_indirect_dma source(%dma_start3A_381 : memref<10000x128xf32, #tpu.memory_space<hbm>>) target(%arg9 : memref<128x128xf32, #tpu.memory_space<vmem>>) offsets(%dma_start3A_378 : memref<128xi32, #tpu.memory_space<vmem>>) semaphore(%arg12 : memref<!tpu.dma_semaphore, #tpu.memory_space<semaphore_mem>>)
      }
      %scan3A_244 = arith.constant 20 : i32
      %dma_wait3A_245 = arith.constant 40 : i32
      %dma_wait3A_246 = arith.constant 0 : i32
      %dma_wait3A_247 = tpu.memref_slice %arg6[%dma_wait3A_245, %dma_wait3A_246] : memref<48x128xi32, #tpu.memory_space<vmem>> -> memref<1x128xi32, #tpu.memory_space<vmem>>
      %dma_wait3A_248 = tpu.memref_squeeze %dma_wait3A_247 : memref<1x128xi32, #tpu.memory_space<vmem>> -> memref<128xi32, #tpu.memory_space<vmem>>
      %dma_wait3A_249 = arith.constant 0 : i32
      %dma_wait3A_250 = arith.constant 0 : i32
      %dma_wait3A_251 = tpu.memref_slice %arg2[%dma_wait3A_249, %dma_wait3A_250] : memref<10000x128xf32, #tpu.memory_space<hbm>> -> memref<10000x128xf32, #tpu.memory_space<hbm>>
      tpu.wait_indirect_dma semaphore(%arg11 : memref<!tpu.dma_semaphore, #tpu.memory_space<semaphore_mem>>) src(%dma_wait3A_251 : memref<10000x128xf32, #tpu.memory_space<hbm>>) dst(%arg8 : memref<128x128xf32, #tpu.memory_space<vmem>>)
      %dma_wait3A_252 = arith.constant 41 : i32
      %dma_wait3A_253 = arith.constant 0 : i32
      %dma_wait3A_254 = tpu.memref_slice %arg6[%dma_wait3A_252, %dma_wait3A_253] : memref<48x128xi32, #tpu.memory_space<vmem>> -> memref<1x128xi32, #tpu.memory_space<vmem>>
      %dma_wait3A_255 = tpu.memref_squeeze %dma_wait3A_254 : memref<1x128xi32, #tpu.memory_space<vmem>> -> memref<128xi32, #tpu.memory_space<vmem>>
      %dma_wait3A_256 = arith.constant 0 : i32
      %dma_wait3A_257 = arith.constant 0 : i32
      %dma_wait3A_258 = tpu.memref_slice %arg2[%dma_wait3A_256, %dma_wait3A_257] : memref<10000x128xf32, #tpu.memory_space<hbm>> -> memref<10000x128xf32, #tpu.memory_space<hbm>>
      tpu.wait_indirect_dma semaphore(%arg12 : memref<!tpu.dma_semaphore, #tpu.memory_space<semaphore_mem>>) src(%dma_wait3A_258 : memref<10000x128xf32, #tpu.memory_space<hbm>>) dst(%arg9 : memref<128x128xf32, #tpu.memory_space<vmem>>)
    }
    %scan3A_22 = arith.constant 2 : i32
    %barrier3A_23 = arith.constant 0 : index
    tpu.barrier barrier_id(%barrier3A_23)
    %mul3A_24 = arith.constant 640 : i32
    %mul3A_25 = arith.muli %arg1, %mul3A_24 : i32
    %add3A_26 = arith.constant 0 : i32
    %add3A_27 = arith.addi %mul3A_25, %add3A_26 : i32
    %dma_start3A = arith.constant 0 : i32
    %dma_start3A_28 = tpu.memref_slice %arg10[%add3A_27, %dma_start3A] : memref<10240x128xf32, #tpu.memory_space<vmem_shared>> -> memref<128x128xf32, #tpu.memory_space<vmem_shared>>
    %dma_start3A_29 = arith.constant 0 : i32
    %dma_start3A_30 = tpu.memref_slice %arg10[%add3A_27, %dma_start3A_29] : memref<10240x128xf32, #tpu.memory_space<vmem_shared>> -> memref<128x128xf32, #tpu.memory_space<vmem_shared>>
    tpu.enqueue_dma source(%dma_start3A_30 : memref<128x128xf32, #tpu.memory_space<vmem_shared>>) target(%arg8 : memref<128x128xf32, #tpu.memory_space<vmem>>) target_semaphore(%arg11 : memref<!tpu.dma_semaphore, #tpu.memory_space<semaphore_mem>>)
    %mul3A_31 = arith.constant 640 : i32
    %mul3A_32 = arith.muli %arg1, %mul3A_31 : i32
    %add3A_33 = arith.constant 0 : i32
    %add3A_34 = arith.addi %mul3A_32, %add3A_33 : i32
    %dma_wait3A = arith.constant 0 : i32
    %dma_wait3A_35 = tpu.memref_slice %arg10[%add3A_34, %dma_wait3A] : memref<10240x128xf32, #tpu.memory_space<vmem_shared>> -> memref<128x128xf32, #tpu.memory_space<vmem_shared>>
    %dma_wait3A_36 = arith.constant 0 : i32
    %dma_wait3A_37 = tpu.memref_slice %arg10[%add3A_34, %dma_wait3A_36] : memref<10240x128xf32, #tpu.memory_space<vmem_shared>> -> memref<128x128xf32, #tpu.memory_space<vmem_shared>>
    tpu.wait_dma2 semaphore(%arg11 : memref<!tpu.dma_semaphore, #tpu.memory_space<semaphore_mem>>) src(%dma_wait3A_37 : memref<128x128xf32, #tpu.memory_space<vmem_shared>>) dst(%arg8 : memref<128x128xf32, #tpu.memory_space<vmem>>)
    %mul3A_38 = arith.constant 640 : i32
    %mul3A_39 = arith.muli %arg1, %mul3A_38 : i32
    %add3A_40 = arith.constant 0 : i32
    %add3A_41 = arith.addi %mul3A_39, %add3A_40 : i32
    %dma_start3A_42 = arith.constant 0 : i32
    %dma_start3A_43 = tpu.memref_slice %arg5[%arg0, %add3A_41, %dma_start3A_42] : memref<2x10240x128xf32, #tpu.memory_space<hbm>> -> memref<1x128x128xf32, #tpu.memory_space<hbm>>
    %dma_start3A_44 = tpu.memref_squeeze %dma_start3A_43 : memref<1x128x128xf32, #tpu.memory_space<hbm>> -> memref<128x128xf32, #tpu.memory_space<hbm>>
    %dma_start3A_45 = arith.constant 0 : i32
    %dma_start3A_46 = tpu.memref_slice %arg5[%arg0, %add3A_41, %dma_start3A_45] : memref<2x10240x128xf32, #tpu.memory_space<hbm>> -> memref<1x128x128xf32, #tpu.memory_space<hbm>>
    %dma_start3A_47 = tpu.memref_squeeze %dma_start3A_46 : memref<1x128x128xf32, #tpu.memory_space<hbm>> -> memref<128x128xf32, #tpu.memory_space<hbm>>
    tpu.enqueue_dma source(%arg8 : memref<128x128xf32, #tpu.memory_space<vmem>>) target(%dma_start3A_47 : memref<128x128xf32, #tpu.memory_space<hbm>>) target_semaphore(%arg13 : memref<!tpu.dma_semaphore, #tpu.memory_space<semaphore_mem>>)
    %mul3A_48 = arith.constant 640 : i32
    %mul3A_49 = arith.muli %arg1, %mul3A_48 : i32
    %add3A_50 = arith.constant 128 : i32
    %add3A_51 = arith.addi %mul3A_49, %add3A_50 : i32
    %dma_start3A_52 = arith.constant 0 : i32
    %dma_start3A_53 = tpu.memref_slice %arg10[%add3A_51, %dma_start3A_52] : memref<10240x128xf32, #tpu.memory_space<vmem_shared>> -> memref<128x128xf32, #tpu.memory_space<vmem_shared>>
    %dma_start3A_54 = arith.constant 0 : i32
    %dma_start3A_55 = tpu.memref_slice %arg10[%add3A_51, %dma_start3A_54] : memref<10240x128xf32, #tpu.memory_space<vmem_shared>> -> memref<128x128xf32, #tpu.memory_space<vmem_shared>>
    tpu.enqueue_dma source(%dma_start3A_55 : memref<128x128xf32, #tpu.memory_space<vmem_shared>>) target(%arg9 : memref<128x128xf32, #tpu.memory_space<vmem>>) target_semaphore(%arg12 : memref<!tpu.dma_semaphore, #tpu.memory_space<semaphore_mem>>)
    %mul3A_56 = arith.constant 640 : i32
    %mul3A_57 = arith.muli %arg1, %mul3A_56 : i32
    %add3A_58 = arith.constant 128 : i32
    %add3A_59 = arith.addi %mul3A_57, %add3A_58 : i32
    %dma_wait3A_60 = arith.constant 0 : i32
    %dma_wait3A_61 = tpu.memref_slice %arg10[%add3A_59, %dma_wait3A_60] : memref<10240x128xf32, #tpu.memory_space<vmem_shared>> -> memref<128x128xf32, #tpu.memory_space<vmem_shared>>
    %dma_wait3A_62 = arith.constant 0 : i32
    %dma_wait3A_63 = tpu.memref_slice %arg10[%add3A_59, %dma_wait3A_62] : memref<10240x128xf32, #tpu.memory_space<vmem_shared>> -> memref<128x128xf32, #tpu.memory_space<vmem_shared>>
    tpu.wait_dma2 semaphore(%arg12 : memref<!tpu.dma_semaphore, #tpu.memory_space<semaphore_mem>>) src(%dma_wait3A_63 : memref<128x128xf32, #tpu.memory_space<vmem_shared>>) dst(%arg9 : memref<128x128xf32, #tpu.memory_space<vmem>>)
    %mul3A_64 = arith.constant 640 : i32
    %mul3A_65 = arith.muli %arg1, %mul3A_64 : i32
    %add3A_66 = arith.constant 128 : i32
    %add3A_67 = arith.addi %mul3A_65, %add3A_66 : i32
    %dma_start3A_68 = arith.constant 0 : i32
    %dma_start3A_69 = tpu.memref_slice %arg5[%arg0, %add3A_67, %dma_start3A_68] : memref<2x10240x128xf32, #tpu.memory_space<hbm>> -> memref<1x128x128xf32, #tpu.memory_space<hbm>>
    %dma_start3A_70 = tpu.memref_squeeze %dma_start3A_69 : memref<1x128x128xf32, #tpu.memory_space<hbm>> -> memref<128x128xf32, #tpu.memory_space<hbm>>
    %dma_start3A_71 = arith.constant 0 : i32
    %dma_start3A_72 = tpu.memref_slice %arg5[%arg0, %add3A_67, %dma_start3A_71] : memref<2x10240x128xf32, #tpu.memory_space<hbm>> -> memref<1x128x128xf32, #tpu.memory_space<hbm>>
    %dma_start3A_73 = tpu.memref_squeeze %dma_start3A_72 : memref<1x128x128xf32, #tpu.memory_space<hbm>> -> memref<128x128xf32, #tpu.memory_space<hbm>>
    tpu.enqueue_dma source(%arg9 : memref<128x128xf32, #tpu.memory_space<vmem>>) target(%dma_start3A_73 : memref<128x128xf32, #tpu.memory_space<hbm>>) target_semaphore(%arg14 : memref<!tpu.dma_semaphore, #tpu.memory_space<semaphore_mem>>)
    %mul3A_74 = arith.constant 640 : i32
    %mul3A_75 = arith.muli %arg1, %mul3A_74 : i32
    %add3A_76 = arith.constant 0 : i32
    %add3A_77 = arith.addi %mul3A_75, %add3A_76 : i32
    %dma_wait3A_78 = arith.constant 0 : i32
    %dma_wait3A_79 = tpu.memref_slice %arg5[%arg0, %add3A_77, %dma_wait3A_78] : memref<2x10240x128xf32, #tpu.memory_space<hbm>> -> memref<1x128x128xf32, #tpu.memory_space<hbm>>
    %dma_wait3A_80 = tpu.memref_squeeze %dma_wait3A_79 : memref<1x128x128xf32, #tpu.memory_space<hbm>> -> memref<128x128xf32, #tpu.memory_space<hbm>>
    %dma_wait3A_81 = arith.constant 0 : i32
    %dma_wait3A_82 = tpu.memref_slice %arg5[%arg0, %add3A_77, %dma_wait3A_81] : memref<2x10240x128xf32, #tpu.memory_space<hbm>> -> memref<1x128x128xf32, #tpu.memory_space<hbm>>
    %dma_wait3A_83 = tpu.memref_squeeze %dma_wait3A_82 : memref<1x128x128xf32, #tpu.memory_space<hbm>> -> memref<128x128xf32, #tpu.memory_space<hbm>>
    tpu.wait_dma2 semaphore(%arg13 : memref<!tpu.dma_semaphore, #tpu.memory_space<semaphore_mem>>) src(%arg8 : memref<128x128xf32, #tpu.memory_space<vmem>>) dst(%dma_wait3A_83 : memref<128x128xf32, #tpu.memory_space<hbm>>)
    %mul3A_84 = arith.constant 640 : i32
    %mul3A_85 = arith.muli %arg1, %mul3A_84 : i32
    %add3A_86 = arith.constant 256 : i32
    %add3A_87 = arith.addi %mul3A_85, %add3A_86 : i32
    %dma_start3A_88 = arith.constant 0 : i32
    %dma_start3A_89 = tpu.memref_slice %arg10[%add3A_87, %dma_start3A_88] : memref<10240x128xf32, #tpu.memory_space<vmem_shared>> -> memref<128x128xf32, #tpu.memory_space<vmem_shared>>
    %dma_start3A_90 = arith.constant 0 : i32
    %dma_start3A_91 = tpu.memref_slice %arg10[%add3A_87, %dma_start3A_90] : memref<10240x128xf32, #tpu.memory_space<vmem_shared>> -> memref<128x128xf32, #tpu.memory_space<vmem_shared>>
    tpu.enqueue_dma source(%dma_start3A_91 : memref<128x128xf32, #tpu.memory_space<vmem_shared>>) target(%arg8 : memref<128x128xf32, #tpu.memory_space<vmem>>) target_semaphore(%arg11 : memref<!tpu.dma_semaphore, #tpu.memory_space<semaphore_mem>>)
    %mul3A_92 = arith.constant 640 : i32
    %mul3A_93 = arith.muli %arg1, %mul3A_92 : i32
    %add3A_94 = arith.constant 256 : i32
    %add3A_95 = arith.addi %mul3A_93, %add3A_94 : i32
    %dma_wait3A_96 = arith.constant 0 : i32
    %dma_wait3A_97 = tpu.memref_slice %arg10[%add3A_95, %dma_wait3A_96] : memref<10240x128xf32, #tpu.memory_space<vmem_shared>> -> memref<128x128xf32, #tpu.memory_space<vmem_shared>>
    %dma_wait3A_98 = arith.constant 0 : i32
    %dma_wait3A_99 = tpu.memref_slice %arg10[%add3A_95, %dma_wait3A_98] : memref<10240x128xf32, #tpu.memory_space<vmem_shared>> -> memref<128x128xf32, #tpu.memory_space<vmem_shared>>
    tpu.wait_dma2 semaphore(%arg11 : memref<!tpu.dma_semaphore, #tpu.memory_space<semaphore_mem>>) src(%dma_wait3A_99 : memref<128x128xf32, #tpu.memory_space<vmem_shared>>) dst(%arg8 : memref<128x128xf32, #tpu.memory_space<vmem>>)
    %mul3A_100 = arith.constant 640 : i32
    %mul3A_101 = arith.muli %arg1, %mul3A_100 : i32
    %add3A_102 = arith.constant 256 : i32
    %add3A_103 = arith.addi %mul3A_101, %add3A_102 : i32
    %dma_start3A_104 = arith.constant 0 : i32
    %dma_start3A_105 = tpu.memref_slice %arg5[%arg0, %add3A_103, %dma_start3A_104] : memref<2x10240x128xf32, #tpu.memory_space<hbm>> -> memref<1x128x128xf32, #tpu.memory_space<hbm>>
    %dma_start3A_106 = tpu.memref_squeeze %dma_start3A_105 : memref<1x128x128xf32, #tpu.memory_space<hbm>> -> memref<128x128xf32, #tpu.memory_space<hbm>>
    %dma_start3A_107 = arith.constant 0 : i32
    %dma_start3A_108 = tpu.memref_slice %arg5[%arg0, %add3A_103, %dma_start3A_107] : memref<2x10240x128xf32, #tpu.memory_space<hbm>> -> memref<1x128x128xf32, #tpu.memory_space<hbm>>
    %dma_start3A_109 = tpu.memref_squeeze %dma_start3A_108 : memref<1x128x128xf32, #tpu.memory_space<hbm>> -> memref<128x128xf32, #tpu.memory_space<hbm>>
    tpu.enqueue_dma source(%arg8 : memref<128x128xf32, #tpu.memory_space<vmem>>) target(%dma_start3A_109 : memref<128x128xf32, #tpu.memory_space<hbm>>) target_semaphore(%arg13 : memref<!tpu.dma_semaphore, #tpu.memory_space<semaphore_mem>>)
    %mul3A_110 = arith.constant 640 : i32
    %mul3A_111 = arith.muli %arg1, %mul3A_110 : i32
    %add3A_112 = arith.constant 128 : i32
    %add3A_113 = arith.addi %mul3A_111, %add3A_112 : i32
    %dma_wait3A_114 = arith.constant 0 : i32
    %dma_wait3A_115 = tpu.memref_slice %arg5[%arg0, %add3A_113, %dma_wait3A_114] : memref<2x10240x128xf32, #tpu.memory_space<hbm>> -> memref<1x128x128xf32, #tpu.memory_space<hbm>>
    %dma_wait3A_116 = tpu.memref_squeeze %dma_wait3A_115 : memref<1x128x128xf32, #tpu.memory_space<hbm>> -> memref<128x128xf32, #tpu.memory_space<hbm>>
    %dma_wait3A_117 = arith.constant 0 : i32
    %dma_wait3A_118 = tpu.memref_slice %arg5[%arg0, %add3A_113, %dma_wait3A_117] : memref<2x10240x128xf32, #tpu.memory_space<hbm>> -> memref<1x128x128xf32, #tpu.memory_space<hbm>>
    %dma_wait3A_119 = tpu.memref_squeeze %dma_wait3A_118 : memref<1x128x128xf32, #tpu.memory_space<hbm>> -> memref<128x128xf32, #tpu.memory_space<hbm>>
    tpu.wait_dma2 semaphore(%arg14 : memref<!tpu.dma_semaphore, #tpu.memory_space<semaphore_mem>>) src(%arg9 : memref<128x128xf32, #tpu.memory_space<vmem>>) dst(%dma_wait3A_119 : memref<128x128xf32, #tpu.memory_space<hbm>>)
    %mul3A_120 = arith.constant 640 : i32
    %mul3A_121 = arith.muli %arg1, %mul3A_120 : i32
    %add3A_122 = arith.constant 384 : i32
    %add3A_123 = arith.addi %mul3A_121, %add3A_122 : i32
    %dma_start3A_124 = arith.constant 0 : i32
    %dma_start3A_125 = tpu.memref_slice %arg10[%add3A_123, %dma_start3A_124] : memref<10240x128xf32, #tpu.memory_space<vmem_shared>> -> memref<128x128xf32, #tpu.memory_space<vmem_shared>>
    %dma_start3A_126 = arith.constant 0 : i32
    %dma_start3A_127 = tpu.memref_slice %arg10[%add3A_123, %dma_start3A_126] : memref<10240x128xf32, #tpu.memory_space<vmem_shared>> -> memref<128x128xf32, #tpu.memory_space<vmem_shared>>
    tpu.enqueue_dma source(%dma_start3A_127 : memref<128x128xf32, #tpu.memory_space<vmem_shared>>) target(%arg9 : memref<128x128xf32, #tpu.memory_space<vmem>>) target_semaphore(%arg12 : memref<!tpu.dma_semaphore, #tpu.memory_space<semaphore_mem>>)
    %mul3A_128 = arith.constant 640 : i32
    %mul3A_129 = arith.muli %arg1, %mul3A_128 : i32
    %add3A_130 = arith.constant 384 : i32
    %add3A_131 = arith.addi %mul3A_129, %add3A_130 : i32
    %dma_wait3A_132 = arith.constant 0 : i32
    %dma_wait3A_133 = tpu.memref_slice %arg10[%add3A_131, %dma_wait3A_132] : memref<10240x128xf32, #tpu.memory_space<vmem_shared>> -> memref<128x128xf32, #tpu.memory_space<vmem_shared>>
    %dma_wait3A_134 = arith.constant 0 : i32
    %dma_wait3A_135 = tpu.memref_slice %arg10[%add3A_131, %dma_wait3A_134] : memref<10240x128xf32, #tpu.memory_space<vmem_shared>> -> memref<128x128xf32, #tpu.memory_space<vmem_shared>>
    tpu.wait_dma2 semaphore(%arg12 : memref<!tpu.dma_semaphore, #tpu.memory_space<semaphore_mem>>) src(%dma_wait3A_135 : memref<128x128xf32, #tpu.memory_space<vmem_shared>>) dst(%arg9 : memref<128x128xf32, #tpu.memory_space<vmem>>)
    %mul3A_136 = arith.constant 640 : i32
    %mul3A_137 = arith.muli %arg1, %mul3A_136 : i32
    %add3A_138 = arith.constant 384 : i32
    %add3A_139 = arith.addi %mul3A_137, %add3A_138 : i32
    %dma_start3A_140 = arith.constant 0 : i32
    %dma_start3A_141 = tpu.memref_slice %arg5[%arg0, %add3A_139, %dma_start3A_140] : memref<2x10240x128xf32, #tpu.memory_space<hbm>> -> memref<1x128x128xf32, #tpu.memory_space<hbm>>
    %dma_start3A_142 = tpu.memref_squeeze %dma_start3A_141 : memref<1x128x128xf32, #tpu.memory_space<hbm>> -> memref<128x128xf32, #tpu.memory_space<hbm>>
    %dma_start3A_143 = arith.constant 0 : i32
    %dma_start3A_144 = tpu.memref_slice %arg5[%arg0, %add3A_139, %dma_start3A_143] : memref<2x10240x128xf32, #tpu.memory_space<hbm>> -> memref<1x128x128xf32, #tpu.memory_space<hbm>>
    %dma_start3A_145 = tpu.memref_squeeze %dma_start3A_144 : memref<1x128x128xf32, #tpu.memory_space<hbm>> -> memref<128x128xf32, #tpu.memory_space<hbm>>
    tpu.enqueue_dma source(%arg9 : memref<128x128xf32, #tpu.memory_space<vmem>>) target(%dma_start3A_145 : memref<128x128xf32, #tpu.memory_space<hbm>>) target_semaphore(%arg14 : memref<!tpu.dma_semaphore, #tpu.memory_space<semaphore_mem>>)
    %mul3A_146 = arith.constant 640 : i32
    %mul3A_147 = arith.muli %arg1, %mul3A_146 : i32
    %add3A_148 = arith.constant 256 : i32
    %add3A_149 = arith.addi %mul3A_147, %add3A_148 : i32
    %dma_wait3A_150 = arith.constant 0 : i32
    %dma_wait3A_151 = tpu.memref_slice %arg5[%arg0, %add3A_149, %dma_wait3A_150] : memref<2x10240x128xf32, #tpu.memory_space<hbm>> -> memref<1x128x128xf32, #tpu.memory_space<hbm>>
    %dma_wait3A_152 = tpu.memref_squeeze %dma_wait3A_151 : memref<1x128x128xf32, #tpu.memory_space<hbm>> -> memref<128x128xf32, #tpu.memory_space<hbm>>
    %dma_wait3A_153 = arith.constant 0 : i32
    %dma_wait3A_154 = tpu.memref_slice %arg5[%arg0, %add3A_149, %dma_wait3A_153] : memref<2x10240x128xf32, #tpu.memory_space<hbm>> -> memref<1x128x128xf32, #tpu.memory_space<hbm>>
    %dma_wait3A_155 = tpu.memref_squeeze %dma_wait3A_154 : memref<1x128x128xf32, #tpu.memory_space<hbm>> -> memref<128x128xf32, #tpu.memory_space<hbm>>
    tpu.wait_dma2 semaphore(%arg13 : memref<!tpu.dma_semaphore, #tpu.memory_space<semaphore_mem>>) src(%arg8 : memref<128x128xf32, #tpu.memory_space<vmem>>) dst(%dma_wait3A_155 : memref<128x128xf32, #tpu.memory_space<hbm>>)
    %mul3A_156 = arith.constant 640 : i32
    %mul3A_157 = arith.muli %arg1, %mul3A_156 : i32
    %add3A_158 = arith.constant 512 : i32
    %add3A_159 = arith.addi %mul3A_157, %add3A_158 : i32
    %dma_start3A_160 = arith.constant 0 : i32
    %dma_start3A_161 = tpu.memref_slice %arg10[%add3A_159, %dma_start3A_160] : memref<10240x128xf32, #tpu.memory_space<vmem_shared>> -> memref<128x128xf32, #tpu.memory_space<vmem_shared>>
    %dma_start3A_162 = arith.constant 0 : i32
    %dma_start3A_163 = tpu.memref_slice %arg10[%add3A_159, %dma_start3A_162] : memref<10240x128xf32, #tpu.memory_space<vmem_shared>> -> memref<128x128xf32, #tpu.memory_space<vmem_shared>>
    tpu.enqueue_dma source(%dma_start3A_163 : memref<128x128xf32, #tpu.memory_space<vmem_shared>>) target(%arg8 : memref<128x128xf32, #tpu.memory_space<vmem>>) target_semaphore(%arg11 : memref<!tpu.dma_semaphore, #tpu.memory_space<semaphore_mem>>)
    %mul3A_164 = arith.constant 640 : i32
    %mul3A_165 = arith.muli %arg1, %mul3A_164 : i32
    %add3A_166 = arith.constant 512 : i32
    %add3A_167 = arith.addi %mul3A_165, %add3A_166 : i32
    %dma_wait3A_168 = arith.constant 0 : i32
    %dma_wait3A_169 = tpu.memref_slice %arg10[%add3A_167, %dma_wait3A_168] : memref<10240x128xf32, #tpu.memory_space<vmem_shared>> -> memref<128x128xf32, #tpu.memory_space<vmem_shared>>
    %dma_wait3A_170 = arith.constant 0 : i32
    %dma_wait3A_171 = tpu.memref_slice %arg10[%add3A_167, %dma_wait3A_170] : memref<10240x128xf32, #tpu.memory_space<vmem_shared>> -> memref<128x128xf32, #tpu.memory_space<vmem_shared>>
    tpu.wait_dma2 semaphore(%arg11 : memref<!tpu.dma_semaphore, #tpu.memory_space<semaphore_mem>>) src(%dma_wait3A_171 : memref<128x128xf32, #tpu.memory_space<vmem_shared>>) dst(%arg8 : memref<128x128xf32, #tpu.memory_space<vmem>>)
    %mul3A_172 = arith.constant 640 : i32
    %mul3A_173 = arith.muli %arg1, %mul3A_172 : i32
    %add3A_174 = arith.constant 512 : i32
    %add3A_175 = arith.addi %mul3A_173, %add3A_174 : i32
    %dma_start3A_176 = arith.constant 0 : i32
    %dma_start3A_177 = tpu.memref_slice %arg5[%arg0, %add3A_175, %dma_start3A_176] : memref<2x10240x128xf32, #tpu.memory_space<hbm>> -> memref<1x128x128xf32, #tpu.memory_space<hbm>>
    %dma_start3A_178 = tpu.memref_squeeze %dma_start3A_177 : memref<1x128x128xf32, #tpu.memory_space<hbm>> -> memref<128x128xf32, #tpu.memory_space<hbm>>
    %dma_start3A_179 = arith.constant 0 : i32
    %dma_start3A_180 = tpu.memref_slice %arg5[%arg0, %add3A_175, %dma_start3A_179] : memref<2x10240x128xf32, #tpu.memory_space<hbm>> -> memref<1x128x128xf32, #tpu.memory_space<hbm>>
    %dma_start3A_181 = tpu.memref_squeeze %dma_start3A_180 : memref<1x128x128xf32, #tpu.memory_space<hbm>> -> memref<128x128xf32, #tpu.memory_space<hbm>>
    tpu.enqueue_dma source(%arg8 : memref<128x128xf32, #tpu.memory_space<vmem>>) target(%dma_start3A_181 : memref<128x128xf32, #tpu.memory_space<hbm>>) target_semaphore(%arg13 : memref<!tpu.dma_semaphore, #tpu.memory_space<semaphore_mem>>)
    %mul3A_182 = arith.constant 640 : i32
    %mul3A_183 = arith.muli %arg1, %mul3A_182 : i32
    %add3A_184 = arith.constant 384 : i32
    %add3A_185 = arith.addi %mul3A_183, %add3A_184 : i32
    %dma_wait3A_186 = arith.constant 0 : i32
    %dma_wait3A_187 = tpu.memref_slice %arg5[%arg0, %add3A_185, %dma_wait3A_186] : memref<2x10240x128xf32, #tpu.memory_space<hbm>> -> memref<1x128x128xf32, #tpu.memory_space<hbm>>
    %dma_wait3A_188 = tpu.memref_squeeze %dma_wait3A_187 : memref<1x128x128xf32, #tpu.memory_space<hbm>> -> memref<128x128xf32, #tpu.memory_space<hbm>>
    %dma_wait3A_189 = arith.constant 0 : i32
    %dma_wait3A_190 = tpu.memref_slice %arg5[%arg0, %add3A_185, %dma_wait3A_189] : memref<2x10240x128xf32, #tpu.memory_space<hbm>> -> memref<1x128x128xf32, #tpu.memory_space<hbm>>
    %dma_wait3A_191 = tpu.memref_squeeze %dma_wait3A_190 : memref<1x128x128xf32, #tpu.memory_space<hbm>> -> memref<128x128xf32, #tpu.memory_space<hbm>>
    tpu.wait_dma2 semaphore(%arg14 : memref<!tpu.dma_semaphore, #tpu.memory_space<semaphore_mem>>) src(%arg9 : memref<128x128xf32, #tpu.memory_space<vmem>>) dst(%dma_wait3A_191 : memref<128x128xf32, #tpu.memory_space<hbm>>)
    %mul3A_192 = arith.constant 640 : i32
    %mul3A_193 = arith.muli %arg1, %mul3A_192 : i32
    %add3A_194 = arith.constant 512 : i32
    %add3A_195 = arith.addi %mul3A_193, %add3A_194 : i32
    %dma_wait3A_196 = arith.constant 0 : i32
    %dma_wait3A_197 = tpu.memref_slice %arg5[%arg0, %add3A_195, %dma_wait3A_196] : memref<2x10240x128xf32, #tpu.memory_space<hbm>> -> memref<1x128x128xf32, #tpu.memory_space<hbm>>
    %dma_wait3A_198 = tpu.memref_squeeze %dma_wait3A_197 : memref<1x128x128xf32, #tpu.memory_space<hbm>> -> memref<128x128xf32, #tpu.memory_space<hbm>>
    %dma_wait3A_199 = arith.constant 0 : i32
    %dma_wait3A_200 = tpu.memref_slice %arg5[%arg0, %add3A_195, %dma_wait3A_199] : memref<2x10240x128xf32, #tpu.memory_space<hbm>> -> memref<1x128x128xf32, #tpu.memory_space<hbm>>
    %dma_wait3A_201 = tpu.memref_squeeze %dma_wait3A_200 : memref<1x128x128xf32, #tpu.memory_space<hbm>> -> memref<128x128xf32, #tpu.memory_space<hbm>>
    tpu.wait_dma2 semaphore(%arg13 : memref<!tpu.dma_semaphore, #tpu.memory_space<semaphore_mem>>) src(%arg8 : memref<128x128xf32, #tpu.memory_space<vmem>>) dst(%dma_wait3A_201 : memref<128x128xf32, #tpu.memory_space<hbm>>)
    return
  }
}

#map = affine_map<(d0, d1) -> (0, 0)>
#map1 = affine_map<(d0, d1) -> (0, 0, 0)>
module attributes {stable_mosaic.version = 14 : i64} {
  func.func @k(%arg0: i32, %arg1: i32, %arg2: memref<10000x128xf32, #tpu.memory_space<hbm>>, %arg3: memref<2568x128xi32, #tpu.memory_space<hbm>>, %arg4: memref<2568x128xi32, #tpu.memory_space<hbm>>, %arg5: memref<2x10240x128xf32, #tpu.memory_space<hbm>>, %arg6: memref<48x128xi32, #tpu.memory_space<vmem>>, %arg7: memref<48x128xi32, #tpu.memory_space<vmem>>, %arg8: memref<128x128xf32, #tpu.memory_space<vmem>>, %arg9: memref<128x128xf32, #tpu.memory_space<vmem>>, %arg10: memref<10240x128xf32, #tpu.memory_space<vmem_shared>>, %arg11: memref<!tpu.dma_semaphore, #tpu.memory_space<semaphore_mem>>, %arg12: memref<!tpu.dma_semaphore, #tpu.memory_space<semaphore_mem>>, %arg13: memref<!tpu.dma_semaphore, #tpu.memory_space<semaphore_mem>>, %arg14: memref<!tpu.dma_semaphore, #tpu.memory_space<semaphore_mem>>) attributes {dimension_semantics = [#tpu.dimension_semantics<core_parallel>, #tpu.dimension_semantics<subcore_parallel>], iteration_bounds = array<i64: 2, 16>, scalar_prefetch = 0 : i64, scratch_operands = 9 : i64, tpu.core_type = #tpu.core_type<sc_vector_subcore>, window_params = [{transform_indices = #map}, {transform_indices = #map}, {transform_indices = #map}, {transform_indices = #map1}]} {
    %mul3A = arith.constant 2 : i32
    %mul3A_0 = arith.muli %arg1, %mul3A : i32
    %add3A = arith.addi %mul3A_0, %arg0 : i32
    %mul3A_1 = arith.constant 80 : i32
    %mul3A_2 = arith.muli %add3A, %mul3A_1 : i32
    %broadcast_in_dim3A = arith.constant 0.000000e+00 : f32
    %broadcast_in_dim3A_3 = vector.broadcast %broadcast_in_dim3A : f32 to vector<16xf32>
    %scan3A = arith.constant 0 : i32
    %scan3A_4 = arith.constant 128 : i32
    %scan3A_5 = arith.addi %scan3A, %scan3A_4 : i32
    %scan3A_6 = arith.constant 1 : i32
    scf.for %scan3A_202 = %scan3A to %scan3A_5 step %scan3A_6  : i32 {
      %mul3A_203 = arith.constant 1 : i32
      %mul3A_204 = arith.muli %scan3A_202, %mul3A_203 : i32
      %add3A_205 = arith.constant 0 : i32
      %add3A_206 = arith.addi %add3A_205, %mul3A_204 : i32
      %scan3A_207 = arith.constant 0 : i32
      %scan3A_208 = arith.constant 8 : i32
      %scan3A_209 = arith.addi %scan3A_207, %scan3A_208 : i32
      %scan3A_210 = arith.constant 1 : i32
      scf.for %scan3A_212 = %scan3A_207 to %scan3A_209 step %scan3A_210  : i32 {
        %mul3A_213 = arith.constant 1 : i32
        %mul3A_214 = arith.muli %scan3A_212, %mul3A_213 : i32
        %add3A_215 = arith.constant 0 : i32
        %add3A_216 = arith.addi %add3A_215, %mul3A_214 : i32
        %mul3A_217 = arith.constant 16 : i32
        %mul3A_218 = arith.muli %add3A_216, %mul3A_217 : i32
        %swap3A = arith.index_cast %add3A_206 : i32 to index
        %swap3A_219 = arith.index_cast %mul3A_218 : i32 to index
        %swap3A_220 = tpu.vector_load %arg8[%swap3A, %swap3A_219] {strides = array<i32>} : memref<128x128xf32, #tpu.memory_space<vmem>>, vector<1x16xf32>,
        %swap3A_221 = vector.shape_cast %swap3A_220 : vector<1x16xf32> to vector<16xf32>
        %swap3A_222 = vector.shape_cast %broadcast_in_dim3A_3 : vector<16xf32> to vector<1x16xf32>
        tpu.vector_store %arg8[%swap3A, %swap3A_219], %swap3A_222 {strides = array<i32>} : memref<128x128xf32, #tpu.memory_space<vmem>>, vector<1x16xf32>,
      }
      %scan3A_211 = arith.constant 8 : i32
    }
    %scan3A_7 = arith.constant 128 : i32
    %scan3A_8 = arith.constant 0 : i32
    %scan3A_9 = arith.constant 5 : i32
    %scan3A_10 = arith.addi %scan3A_8, %scan3A_9 : i32
    %scan3A_11 = arith.constant 1 : i32
    scf.for %scan3A_202 = %scan3A_8 to %scan3A_10 step %scan3A_11  : i32 {
      %mul3A_203 = arith.constant 1 : i32
      %mul3A_204 = arith.muli %scan3A_202, %mul3A_203 : i32
      %add3A_205 = arith.constant 0 : i32
      %add3A_206 = arith.addi %add3A_205, %mul3A_204 : i32
      %mul3A_207 = arith.constant 640 : i32
      %mul3A_208 = arith.muli %arg1, %mul3A_207 : i32
      %mul3A_209 = arith.constant 128 : i32
      %mul3A_210 = arith.muli %add3A_206, %mul3A_209 : i32
      %add3A_211 = arith.addi %mul3A_208, %mul3A_210 : i32
      %dma_start3A_212 = arith.constant 0 : i32
      %dma_start3A_213 = tpu.memref_slice %arg10[%add3A_211, %dma_start3A_212] : memref<10240x128xf32, #tpu.memory_space<vmem_shared>> -> memref<128x128xf32, #tpu.memory_space<vmem_shared>>
      %dma_start3A_214 = arith.constant 0 : i32
      %dma_start3A_215 = tpu.memref_slice %arg10[%add3A_211, %dma_start3A_214] : memref<10240x128xf32, #tpu.memory_space<vmem_shared>> -> memref<128x128xf32, #tpu.memory_space<vmem_shared>>
      tpu.enqueue_dma source(%arg8 : memref<128x128xf32, #tpu.memory_space<vmem>>) target(%dma_start3A_215 : memref<128x128xf32, #tpu.memory_space<vmem_shared>>) target_semaphore(%arg13 : memref<!tpu.dma_semaphore, #tpu.memory_space<semaphore_mem>>)
    }
    %scan3A_12 = arith.constant 5 : i32
    %scan3A_13 = arith.constant 0 : i32
    %scan3A_14 = arith.constant 5 : i32
    %scan3A_15 = arith.addi %scan3A_13, %scan3A_14 : i32
    %scan3A_16 = arith.constant 1 : i32
    scf.for %scan3A_202 = %scan3A_13 to %scan3A_15 step %scan3A_16  : i32 {
      %mul3A_203 = arith.constant 1 : i32
      %mul3A_204 = arith.muli %scan3A_202, %mul3A_203 : i32
      %add3A_205 = arith.constant 0 : i32
      %add3A_206 = arith.addi %add3A_205, %mul3A_204 : i32
      %mul3A_207 = arith.constant 640 : i32
      %mul3A_208 = arith.muli %arg1, %mul3A_207 : i32
      %mul3A_209 = arith.constant 128 : i32
      %mul3A_210 = arith.muli %add3A_206, %mul3A_209 : i32
      %add3A_211 = arith.addi %mul3A_208, %mul3A_210 : i32
      %dma_wait3A_212 = arith.constant 0 : i32
      %dma_wait3A_213 = tpu.memref_slice %arg10[%add3A_211, %dma_wait3A_212] : memref<10240x128xf32, #tpu.memory_space<vmem_shared>> -> memref<128x128xf32, #tpu.memory_space<vmem_shared>>
      %dma_wait3A_214 = arith.constant 0 : i32
      %dma_wait3A_215 = tpu.memref_slice %arg10[%add3A_211, %dma_wait3A_214] : memref<10240x128xf32, #tpu.memory_space<vmem_shared>> -> memref<128x128xf32, #tpu.memory_space<vmem_shared>>
      tpu.wait_dma2 semaphore(%arg13 : memref<!tpu.dma_semaphore, #tpu.memory_space<semaphore_mem>>) src(%arg8 : memref<128x128xf32, #tpu.memory_space<vmem>>) dst(%dma_wait3A_215 : memref<128x128xf32, #tpu.memory_space<vmem_shared>>)
    }
    %scan3A_17 = arith.constant 5 : i32
    %barrier3A = arith.constant 0 : index
    tpu.barrier barrier_id(%barrier3A)
    %scan3A_18 = arith.constant 0 : i32
    %scan3A_19 = arith.constant 2 : i32
    %scan3A_20 = arith.addi %scan3A_18, %scan3A_19 : i32
    %scan3A_21 = arith.constant 1 : i32
    scf.for %scan3A_202 = %scan3A_18 to %scan3A_20 step %scan3A_21  : i32 {
      %mul3A_203 = arith.constant 1 : i32
      %mul3A_204 = arith.muli %scan3A_202, %mul3A_203 : i32
      %add3A_205 = arith.constant 0 : i32
      %add3A_206 = arith.addi %add3A_205, %mul3A_204 : i32
      %mul3A_207 = arith.constant 40 : i32
      %mul3A_208 = arith.muli %mul3A_207, %add3A_206 : i32
      %add3A_209 = arith.addi %mul3A_2, %mul3A_208 : i32
      %dma_start3A_210 = arith.constant 0 : i32
      %dma_start3A_211 = tpu.memref_slice %arg3[%add3A_209, %dma_start3A_210] : memref<2568x128xi32, #tpu.memory_space<hbm>> -> memref<48x128xi32, #tpu.memory_space<hbm>>
      %dma_start3A_212 = arith.constant 0 : i32
      %dma_start3A_213 = tpu.memref_slice %arg3[%add3A_209, %dma_start3A_212] : memref<2568x128xi32, #tpu.memory_space<hbm>> -> memref<48x128xi32, #tpu.memory_space<hbm>>
      tpu.enqueue_dma source(%dma_start3A_213 : memref<48x128xi32, #tpu.memory_space<hbm>>) target(%arg6 : memref<48x128xi32, #tpu.memory_space<vmem>>) target_semaphore(%arg11 : memref<!tpu.dma_semaphore, #tpu.memory_space<semaphore_mem>>)
      %dma_start3A_214 = arith.constant 0 : i32
      %dma_start3A_215 = tpu.memref_slice %arg4[%add3A_209, %dma_start3A_214] : memref<2568x128xi32, #tpu.memory_space<hbm>> -> memref<48x128xi32, #tpu.memory_space<hbm>>
      %dma_start3A_216 = arith.constant 0 : i32
      %dma_start3A_217 = tpu.memref_slice %arg4[%add3A_209, %dma_start3A_216] : memref<2568x128xi32, #tpu.memory_space<hbm>> -> memref<48x128xi32, #tpu.memory_space<hbm>>
      tpu.enqueue_dma source(%dma_start3A_217 : memref<48x128xi32, #tpu.memory_space<hbm>>) target(%arg7 : memref<48x128xi32, #tpu.memory_space<vmem>>) target_semaphore(%arg12 : memref<!tpu.dma_semaphore, #tpu.memory_space<semaphore_mem>>)
      %dma_wait3A_218 = arith.constant 0 : i32
      %dma_wait3A_219 = tpu.memref_slice %arg3[%add3A_209, %dma_wait3A_218] : memref<2568x128xi32, #tpu.memory_space<hbm>> -> memref<48x128xi32, #tpu.memory_space<hbm>>
      %dma_wait3A_220 = arith.constant 0 : i32
      %dma_wait3A_221 = tpu.memref_slice %arg3[%add3A_209, %dma_wait3A_220] : memref<2568x128xi32, #tpu.memory_space<hbm>> -> memref<48x128xi32, #tpu.memory_space<hbm>>
      tpu.wait_dma2 semaphore(%arg11 : memref<!tpu.dma_semaphore, #tpu.memory_space<semaphore_mem>>) src(%dma_wait3A_221 : memref<48x128xi32, #tpu.memory_space<hbm>>) dst(%arg6 : memref<48x128xi32, #tpu.memory_space<vmem>>)
      %dma_wait3A_222 = arith.constant 0 : i32
      %dma_wait3A_223 = tpu.memref_slice %arg4[%add3A_209, %dma_wait3A_222] : memref<2568x128xi32, #tpu.memory_space<hbm>> -> memref<48x128xi32, #tpu.memory_space<hbm>>
      %dma_wait3A_224 = arith.constant 0 : i32
      %dma_wait3A_225 = tpu.memref_slice %arg4[%add3A_209, %dma_wait3A_224] : memref<2568x128xi32, #tpu.memory_space<hbm>> -> memref<48x128xi32, #tpu.memory_space<hbm>>
      tpu.wait_dma2 semaphore(%arg12 : memref<!tpu.dma_semaphore, #tpu.memory_space<semaphore_mem>>) src(%dma_wait3A_225 : memref<48x128xi32, #tpu.memory_space<hbm>>) dst(%arg7 : memref<48x128xi32, #tpu.memory_space<vmem>>)
      %dma_start3A_226 = arith.constant 0 : i32
      %dma_start3A_227 = arith.constant 0 : i32
      %dma_start3A_228 = tpu.memref_slice %arg6[%dma_start3A_226, %dma_start3A_227] : memref<48x128xi32, #tpu.memory_space<vmem>> -> memref<1x128xi32, #tpu.memory_space<vmem>>
      %dma_start3A_229 = tpu.memref_squeeze %dma_start3A_228 : memref<1x128xi32, #tpu.memory_space<vmem>> -> memref<128xi32, #tpu.memory_space<vmem>>
      %dma_start3A_230 = arith.constant 0 : i32
      %dma_start3A_231 = arith.constant 0 : i32
      %dma_start3A_232 = tpu.memref_slice %arg2[%dma_start3A_230, %dma_start3A_231] : memref<10000x128xf32, #tpu.memory_space<hbm>> -> memref<10000x128xf32, #tpu.memory_space<hbm>>
      tpu.enqueue_indirect_dma source(%dma_start3A_232 : memref<10000x128xf32, #tpu.memory_space<hbm>>) target(%arg8 : memref<128x128xf32, #tpu.memory_space<vmem>>) offsets(%dma_start3A_229 : memref<128xi32, #tpu.memory_space<vmem>>) semaphore(%arg11 : memref<!tpu.dma_semaphore, #tpu.memory_space<semaphore_mem>>)
      %dma_start3A_233 = arith.constant 1 : i32
      %dma_start3A_234 = arith.constant 0 : i32
      %dma_start3A_235 = tpu.memref_slice %arg6[%dma_start3A_233, %dma_start3A_234] : memref<48x128xi32, #tpu.memory_space<vmem>> -> memref<1x128xi32, #tpu.memory_space<vmem>>
      %dma_start3A_236 = tpu.memref_squeeze %dma_start3A_235 : memref<1x128xi32, #tpu.memory_space<vmem>> -> memref<128xi32, #tpu.memory_space<vmem>>
      %dma_start3A_237 = arith.constant 0 : i32
      %dma_start3A_238 = arith.constant 0 : i32
      %dma_start3A_239 = tpu.memref_slice %arg2[%dma_start3A_237, %dma_start3A_238] : memref<10000x128xf32, #tpu.memory_space<hbm>> -> memref<10000x128xf32, #tpu.memory_space<hbm>>
      tpu.enqueue_indirect_dma source(%dma_start3A_239 : memref<10000x128xf32, #tpu.memory_space<hbm>>) target(%arg9 : memref<128x128xf32, #tpu.memory_space<vmem>>) offsets(%dma_start3A_236 : memref<128xi32, #tpu.memory_space<vmem>>) semaphore(%arg12 : memref<!tpu.dma_semaphore, #tpu.memory_space<semaphore_mem>>)
      %scan3A_240 = arith.constant 0 : i32
      %scan3A_241 = arith.constant 20 : i32
      %scan3A_242 = arith.addi %scan3A_240, %scan3A_241 : i32
      %scan3A_243 = arith.constant 2 : i32
      scf.for %scan3A_259 = %scan3A_240 to %scan3A_242 step %scan3A_243  : i32 {
        %mul3A_260 = arith.constant 1 : i32
        %mul3A_261 = arith.muli %scan3A_259, %mul3A_260 : i32
        %add3A_262 = arith.constant 0 : i32
        %add3A_263 = arith.addi %add3A_262, %mul3A_261 : i32
        %mul3A_264 = arith.constant 2 : i32
        %mul3A_265 = arith.muli %mul3A_264, %add3A_263 : i32
        %add3A_266 = arith.constant 1 : i32
        %add3A_267 = arith.addi %mul3A_265, %add3A_266 : i32
        %dma_wait3A_268 = arith.constant 0 : i32
        %dma_wait3A_269 = tpu.memref_slice %arg6[%mul3A_265, %dma_wait3A_268] : memref<48x128xi32, #tpu.memory_space<vmem>> -> memref<1x128xi32, #tpu.memory_space<vmem>>
        %dma_wait3A_270 = tpu.memref_squeeze %dma_wait3A_269 : memref<1x128xi32, #tpu.memory_space<vmem>> -> memref<128xi32, #tpu.memory_space<vmem>>
        %dma_wait3A_271 = arith.constant 0 : i32
        %dma_wait3A_272 = arith.constant 0 : i32
        %dma_wait3A_273 = tpu.memref_slice %arg2[%dma_wait3A_271, %dma_wait3A_272] : memref<10000x128xf32, #tpu.memory_space<hbm>> -> memref<10000x128xf32, #tpu.memory_space<hbm>>
        tpu.wait_indirect_dma semaphore(%arg11 : memref<!tpu.dma_semaphore, #tpu.memory_space<semaphore_mem>>) src(%dma_wait3A_273 : memref<10000x128xf32, #tpu.memory_space<hbm>>) dst(%arg8 : memref<128x128xf32, #tpu.memory_space<vmem>>)
        %dma_start3A_274 = arith.constant 0 : i32
        %dma_start3A_275 = tpu.memref_slice %arg7[%mul3A_265, %dma_start3A_274] : memref<48x128xi32, #tpu.memory_space<vmem>> -> memref<1x128xi32, #tpu.memory_space<vmem>>
        %dma_start3A_276 = tpu.memref_squeeze %dma_start3A_275 : memref<1x128xi32, #tpu.memory_space<vmem>> -> memref<128xi32, #tpu.memory_space<vmem>>
        %dma_start3A_277 = arith.constant 0 : i32
        %dma_start3A_278 = arith.constant 0 : i32
        %dma_start3A_279 = tpu.memref_slice %arg10[%dma_start3A_277, %dma_start3A_278] : memref<10240x128xf32, #tpu.memory_space<vmem_shared>> -> memref<10240x128xf32, #tpu.memory_space<vmem_shared>>
        tpu.enqueue_indirect_dma source(%arg8 : memref<128x128xf32, #tpu.memory_space<vmem>>) target(%dma_start3A_279 : memref<10240x128xf32, #tpu.memory_space<vmem_shared>>) offsets(%dma_start3A_276 : memref<128xi32, #tpu.memory_space<vmem>>) semaphore(%arg13 : memref<!tpu.dma_semaphore, #tpu.memory_space<semaphore_mem>>) {add = true}
        %dma_wait3A_280 = arith.constant 0 : i32
        %dma_wait3A_281 = tpu.memref_slice %arg6[%add3A_267, %dma_wait3A_280] : memref<48x128xi32, #tpu.memory_space<vmem>> -> memref<1x128xi32, #tpu.memory_space<vmem>>
        %dma_wait3A_282 = tpu.memref_squeeze %dma_wait3A_281 : memref<1x128xi32, #tpu.memory_space<vmem>> -> memref<128xi32, #tpu.memory_space<vmem>>
        %dma_wait3A_283 = arith.constant 0 : i32
        %dma_wait3A_284 = arith.constant 0 : i32
        %dma_wait3A_285 = tpu.memref_slice %arg2[%dma_wait3A_283, %dma_wait3A_284] : memref<10000x128xf32, #tpu.memory_space<hbm>> -> memref<10000x128xf32, #tpu.memory_space<hbm>>
        tpu.wait_indirect_dma semaphore(%arg12 : memref<!tpu.dma_semaphore, #tpu.memory_space<semaphore_mem>>) src(%dma_wait3A_285 : memref<10000x128xf32, #tpu.memory_space<hbm>>) dst(%arg9 : memref<128x128xf32, #tpu.memory_space<vmem>>)
        %dma_start3A_286 = arith.constant 0 : i32
        %dma_start3A_287 = tpu.memref_slice %arg7[%add3A_267, %dma_start3A_286] : memref<48x128xi32, #tpu.memory_space<vmem>> -> memref<1x128xi32, #tpu.memory_space<vmem>>
        %dma_start3A_288 = tpu.memref_squeeze %dma_start3A_287 : memref<1x128xi32, #tpu.memory_space<vmem>> -> memref<128xi32, #tpu.memory_space<vmem>>
        %dma_start3A_289 = arith.constant 0 : i32
        %dma_start3A_290 = arith.constant 0 : i32
        %dma_start3A_291 = tpu.memref_slice %arg10[%dma_start3A_289, %dma_start3A_290] : memref<10240x128xf32, #tpu.memory_space<vmem_shared>> -> memref<10240x128xf32, #tpu.memory_space<vmem_shared>>
        tpu.enqueue_indirect_dma source(%arg9 : memref<128x128xf32, #tpu.memory_space<vmem>>) target(%dma_start3A_291 : memref<10240x128xf32, #tpu.memory_space<vmem_shared>>) offsets(%dma_start3A_288 : memref<128xi32, #tpu.memory_space<vmem>>) semaphore(%arg14 : memref<!tpu.dma_semaphore, #tpu.memory_space<semaphore_mem>>) {add = true}
        %dma_wait3A_292 = arith.constant 0 : i32
        %dma_wait3A_293 = tpu.memref_slice %arg7[%mul3A_265, %dma_wait3A_292] : memref<48x128xi32, #tpu.memory_space<vmem>> -> memref<1x128xi32, #tpu.memory_space<vmem>>
        %dma_wait3A_294 = tpu.memref_squeeze %dma_wait3A_293 : memref<1x128xi32, #tpu.memory_space<vmem>> -> memref<128xi32, #tpu.memory_space<vmem>>
        %dma_wait3A_295 = arith.constant 0 : i32
        %dma_wait3A_296 = arith.constant 0 : i32
        %dma_wait3A_297 = tpu.memref_slice %arg10[%dma_wait3A_295, %dma_wait3A_296] : memref<10240x128xf32, #tpu.memory_space<vmem_shared>> -> memref<10240x128xf32, #tpu.memory_space<vmem_shared>>
        tpu.wait_indirect_dma semaphore(%arg13 : memref<!tpu.dma_semaphore, #tpu.memory_space<semaphore_mem>>) src(%arg8 : memref<128x128xf32, #tpu.memory_space<vmem>>) dst(%dma_wait3A_297 : memref<10240x128xf32, #tpu.memory_space<vmem_shared>>)
        %add3A_298 = arith.constant 2 : i32
        %add3A_299 = arith.addi %mul3A_265, %add3A_298 : i32
        %dma_start3A_300 = arith.constant 0 : i32
        %dma_start3A_301 = tpu.memref_slice %arg6[%add3A_299, %dma_start3A_300] : memref<48x128xi32, #tpu.memory_space<vmem>> -> memref<1x128xi32, #tpu.memory_space<vmem>>
        %dma_start3A_302 = tpu.memref_squeeze %dma_start3A_301 : memref<1x128xi32, #tpu.memory_space<vmem>> -> memref<128xi32, #tpu.memory_space<vmem>>
        %dma_start3A_303 = arith.constant 0 : i32
        %dma_start3A_304 = arith.constant 0 : i32
        %dma_start3A_305 = tpu.memref_slice %arg2[%dma_start3A_303, %dma_start3A_304] : memref<10000x128xf32, #tpu.memory_space<hbm>> -> memref<10000x128xf32, #tpu.memory_space<hbm>>
        tpu.enqueue_indirect_dma source(%dma_start3A_305 : memref<10000x128xf32, #tpu.memory_space<hbm>>) target(%arg8 : memref<128x128xf32, #tpu.memory_space<vmem>>) offsets(%dma_start3A_302 : memref<128xi32, #tpu.memory_space<vmem>>) semaphore(%arg11 : memref<!tpu.dma_semaphore, #tpu.memory_space<semaphore_mem>>)
        %dma_wait3A_306 = arith.constant 0 : i32
        %dma_wait3A_307 = tpu.memref_slice %arg7[%add3A_267, %dma_wait3A_306] : memref<48x128xi32, #tpu.memory_space<vmem>> -> memref<1x128xi32, #tpu.memory_space<vmem>>
        %dma_wait3A_308 = tpu.memref_squeeze %dma_wait3A_307 : memref<1x128xi32, #tpu.memory_space<vmem>> -> memref<128xi32, #tpu.memory_space<vmem>>
        %dma_wait3A_309 = arith.constant 0 : i32
        %dma_wait3A_310 = arith.constant 0 : i32
        %dma_wait3A_311 = tpu.memref_slice %arg10[%dma_wait3A_309, %dma_wait3A_310] : memref<10240x128xf32, #tpu.memory_space<vmem_shared>> -> memref<10240x128xf32, #tpu.memory_space<vmem_shared>>
        tpu.wait_indirect_dma semaphore(%arg14 : memref<!tpu.dma_semaphore, #tpu.memory_space<semaphore_mem>>) src(%arg9 : memref<128x128xf32, #tpu.memory_space<vmem>>) dst(%dma_wait3A_311 : memref<10240x128xf32, #tpu.memory_space<vmem_shared>>)
        %add3A_312 = arith.constant 2 : i32
        %add3A_313 = arith.addi %add3A_267, %add3A_312 : i32
        %dma_start3A_314 = arith.constant 0 : i32
        %dma_start3A_315 = tpu.memref_slice %arg6[%add3A_313, %dma_start3A_314] : memref<48x128xi32, #tpu.memory_space<vmem>> -> memref<1x128xi32, #tpu.memory_space<vmem>>
        %dma_start3A_316 = tpu.memref_squeeze %dma_start3A_315 : memref<1x128xi32, #tpu.memory_space<vmem>> -> memref<128xi32, #tpu.memory_space<vmem>>
        %dma_start3A_317 = arith.constant 0 : i32
        %dma_start3A_318 = arith.constant 0 : i32
        %dma_start3A_319 = tpu.memref_slice %arg2[%dma_start3A_317, %dma_start3A_318] : memref<10000x128xf32, #tpu.memory_space<hbm>> -> memref<10000x128xf32, #tpu.memory_space<hbm>>
        tpu.enqueue_indirect_dma source(%dma_start3A_319 : memref<10000x128xf32, #tpu.memory_space<hbm>>) target(%arg9 : memref<128x128xf32, #tpu.memory_space<vmem>>) offsets(%dma_start3A_316 : memref<128xi32, #tpu.memory_space<vmem>>) semaphore(%arg12 : memref<!tpu.dma_semaphore, #tpu.memory_space<semaphore_mem>>)
        %scan3A_320 = arith.constant 1 : i32
        %scan3A_321 = arith.addi %scan3A_259, %scan3A_320 : i32
        %mul3A_322 = arith.constant 1 : i32
        %mul3A_323 = arith.muli %scan3A_321, %mul3A_322 : i32
        %add3A_324 = arith.constant 0 : i32
        %add3A_325 = arith.addi %add3A_324, %mul3A_323 : i32
        %mul3A_326 = arith.constant 2 : i32
        %mul3A_327 = arith.muli %mul3A_326, %add3A_325 : i32
        %add3A_328 = arith.constant 1 : i32
        %add3A_329 = arith.addi %mul3A_327, %add3A_328 : i32
        %dma_wait3A_330 = arith.constant 0 : i32
        %dma_wait3A_331 = tpu.memref_slice %arg6[%mul3A_327, %dma_wait3A_330] : memref<48x128xi32, #tpu.memory_space<vmem>> -> memref<1x128xi32, #tpu.memory_space<vmem>>
        %dma_wait3A_332 = tpu.memref_squeeze %dma_wait3A_331 : memref<1x128xi32, #tpu.memory_space<vmem>> -> memref<128xi32, #tpu.memory_space<vmem>>
        %dma_wait3A_333 = arith.constant 0 : i32
        %dma_wait3A_334 = arith.constant 0 : i32
        %dma_wait3A_335 = tpu.memref_slice %arg2[%dma_wait3A_333, %dma_wait3A_334] : memref<10000x128xf32, #tpu.memory_space<hbm>> -> memref<10000x128xf32, #tpu.memory_space<hbm>>
        tpu.wait_indirect_dma semaphore(%arg11 : memref<!tpu.dma_semaphore, #tpu.memory_space<semaphore_mem>>) src(%dma_wait3A_335 : memref<10000x128xf32, #tpu.memory_space<hbm>>) dst(%arg8 : memref<128x128xf32, #tpu.memory_space<vmem>>)
        %dma_start3A_336 = arith.constant 0 : i32
        %dma_start3A_337 = tpu.memref_slice %arg7[%mul3A_327, %dma_start3A_336] : memref<48x128xi32, #tpu.memory_space<vmem>> -> memref<1x128xi32, #tpu.memory_space<vmem>>
        %dma_start3A_338 = tpu.memref_squeeze %dma_start3A_337 : memref<1x128xi32, #tpu.memory_space<vmem>> -> memref<128xi32, #tpu.memory_space<vmem>>
        %dma_start3A_339 = arith.constant 0 : i32
        %dma_start3A_340 = arith.constant 0 : i32
        %dma_start3A_341 = tpu.memref_slice %arg10[%dma_start3A_339, %dma_start3A_340] : memref<10240x128xf32, #tpu.memory_space<vmem_shared>> -> memref<10240x128xf32, #tpu.memory_space<vmem_shared>>
        tpu.enqueue_indirect_dma source(%arg8 : memref<128x128xf32, #tpu.memory_space<vmem>>) target(%dma_start3A_341 : memref<10240x128xf32, #tpu.memory_space<vmem_shared>>) offsets(%dma_start3A_338 : memref<128xi32, #tpu.memory_space<vmem>>) semaphore(%arg13 : memref<!tpu.dma_semaphore, #tpu.memory_space<semaphore_mem>>) {add = true}
        %dma_wait3A_342 = arith.constant 0 : i32
        %dma_wait3A_343 = tpu.memref_slice %arg6[%add3A_329, %dma_wait3A_342] : memref<48x128xi32, #tpu.memory_space<vmem>> -> memref<1x128xi32, #tpu.memory_space<vmem>>
        %dma_wait3A_344 = tpu.memref_squeeze %dma_wait3A_343 : memref<1x128xi32, #tpu.memory_space<vmem>> -> memref<128xi32, #tpu.memory_space<vmem>>
        %dma_wait3A_345 = arith.constant 0 : i32
        %dma_wait3A_346 = arith.constant 0 : i32
        %dma_wait3A_347 = tpu.memref_slice %arg2[%dma_wait3A_345, %dma_wait3A_346] : memref<10000x128xf32, #tpu.memory_space<hbm>> -> memref<10000x128xf32, #tpu.memory_space<hbm>>
        tpu.wait_indirect_dma semaphore(%arg12 : memref<!tpu.dma_semaphore, #tpu.memory_space<semaphore_mem>>) src(%dma_wait3A_347 : memref<10000x128xf32, #tpu.memory_space<hbm>>) dst(%arg9 : memref<128x128xf32, #tpu.memory_space<vmem>>)
        %dma_start3A_348 = arith.constant 0 : i32
        %dma_start3A_349 = tpu.memref_slice %arg7[%add3A_329, %dma_start3A_348] : memref<48x128xi32, #tpu.memory_space<vmem>> -> memref<1x128xi32, #tpu.memory_space<vmem>>
        %dma_start3A_350 = tpu.memref_squeeze %dma_start3A_349 : memref<1x128xi32, #tpu.memory_space<vmem>> -> memref<128xi32, #tpu.memory_space<vmem>>
        %dma_start3A_351 = arith.constant 0 : i32
        %dma_start3A_352 = arith.constant 0 : i32
        %dma_start3A_353 = tpu.memref_slice %arg10[%dma_start3A_351, %dma_start3A_352] : memref<10240x128xf32, #tpu.memory_space<vmem_shared>> -> memref<10240x128xf32, #tpu.memory_space<vmem_shared>>
        tpu.enqueue_indirect_dma source(%arg9 : memref<128x128xf32, #tpu.memory_space<vmem>>) target(%dma_start3A_353 : memref<10240x128xf32, #tpu.memory_space<vmem_shared>>) offsets(%dma_start3A_350 : memref<128xi32, #tpu.memory_space<vmem>>) semaphore(%arg14 : memref<!tpu.dma_semaphore, #tpu.memory_space<semaphore_mem>>) {add = true}
        %dma_wait3A_354 = arith.constant 0 : i32
        %dma_wait3A_355 = tpu.memref_slice %arg7[%mul3A_327, %dma_wait3A_354] : memref<48x128xi32, #tpu.memory_space<vmem>> -> memref<1x128xi32, #tpu.memory_space<vmem>>
        %dma_wait3A_356 = tpu.memref_squeeze %dma_wait3A_355 : memref<1x128xi32, #tpu.memory_space<vmem>> -> memref<128xi32, #tpu.memory_space<vmem>>
        %dma_wait3A_357 = arith.constant 0 : i32
        %dma_wait3A_358 = arith.constant 0 : i32
        %dma_wait3A_359 = tpu.memref_slice %arg10[%dma_wait3A_357, %dma_wait3A_358] : memref<10240x128xf32, #tpu.memory_space<vmem_shared>> -> memref<10240x128xf32, #tpu.memory_space<vmem_shared>>
        tpu.wait_indirect_dma semaphore(%arg13 : memref<!tpu.dma_semaphore, #tpu.memory_space<semaphore_mem>>) src(%arg8 : memref<128x128xf32, #tpu.memory_space<vmem>>) dst(%dma_wait3A_359 : memref<10240x128xf32, #tpu.memory_space<vmem_shared>>)
        %add3A_360 = arith.constant 2 : i32
        %add3A_361 = arith.addi %mul3A_327, %add3A_360 : i32
        %dma_start3A_362 = arith.constant 0 : i32
        %dma_start3A_363 = tpu.memref_slice %arg6[%add3A_361, %dma_start3A_362] : memref<48x128xi32, #tpu.memory_space<vmem>> -> memref<1x128xi32, #tpu.memory_space<vmem>>
        %dma_start3A_364 = tpu.memref_squeeze %dma_start3A_363 : memref<1x128xi32, #tpu.memory_space<vmem>> -> memref<128xi32, #tpu.memory_space<vmem>>
        %dma_start3A_365 = arith.constant 0 : i32
        %dma_start3A_366 = arith.constant 0 : i32
        %dma_start3A_367 = tpu.memref_slice %arg2[%dma_start3A_365, %dma_start3A_366] : memref<10000x128xf32, #tpu.memory_space<hbm>> -> memref<10000x128xf32, #tpu.memory_space<hbm>>
        tpu.enqueue_indirect_dma source(%dma_start3A_367 : memref<10000x128xf32, #tpu.memory_space<hbm>>) target(%arg8 : memref<128x128xf32, #tpu.memory_space<vmem>>) offsets(%dma_start3A_364 : memref<128xi32, #tpu.memory_space<vmem>>) semaphore(%arg11 : memref<!tpu.dma_semaphore, #tpu.memory_space<semaphore_mem>>)
        %dma_wait3A_368 = arith.constant 0 : i32
        %dma_wait3A_369 = tpu.memref_slice %arg7[%add3A_329, %dma_wait3A_368] : memref<48x128xi32, #tpu.memory_space<vmem>> -> memref<1x128xi32, #tpu.memory_space<vmem>>
        %dma_wait3A_370 = tpu.memref_squeeze %dma_wait3A_369 : memref<1x128xi32, #tpu.memory_space<vmem>> -> memref<128xi32, #tpu.memory_space<vmem>>
        %dma_wait3A_371 = arith.constant 0 : i32
        %dma_wait3A_372 = arith.constant 0 : i32
        %dma_wait3A_373 = tpu.memref_slice %arg10[%dma_wait3A_371, %dma_wait3A_372] : memref<10240x128xf32, #tpu.memory_space<vmem_shared>> -> memref<10240x128xf32, #tpu.memory_space<vmem_shared>>
        tpu.wait_indirect_dma semaphore(%arg14 : memref<!tpu.dma_semaphore, #tpu.memory_space<semaphore_mem>>) src(%arg9 : memref<128x128xf32, #tpu.memory_space<vmem>>) dst(%dma_wait3A_373 : memref<10240x128xf32, #tpu.memory_space<vmem_shared>>)
        %add3A_374 = arith.constant 2 : i32
        %add3A_375 = arith.addi %add3A_329, %add3A_374 : i32
        %dma_start3A_376 = arith.constant 0 : i32
        %dma_start3A_377 = tpu.memref_slice %arg6[%add3A_375, %dma_start3A_376] : memref<48x128xi32, #tpu.memory_space<vmem>> -> memref<1x128xi32, #tpu.memory_space<vmem>>
        %dma_start3A_378 = tpu.memref_squeeze %dma_start3A_377 : memref<1x128xi32, #tpu.memory_space<vmem>> -> memref<128xi32, #tpu.memory_space<vmem>>
        %dma_start3A_379 = arith.constant 0 : i32
        %dma_start3A_380 = arith.constant 0 : i32
        %dma_start3A_381 = tpu.memref_slice %arg2[%dma_start3A_379, %dma_start3A_380] : memref<10000x128xf32, #tpu.memory_space<hbm>> -> memref<10000x128xf32, #tpu.memory_space<hbm>>
        tpu.enqueue_indirect_dma source(%dma_start3A_381 : memref<10000x128xf32, #tpu.memory_space<hbm>>) target(%arg9 : memref<128x128xf32, #tpu.memory_space<vmem>>) offsets(%dma_start3A_378 : memref<128xi32, #tpu.memory_space<vmem>>) semaphore(%arg12 : memref<!tpu.dma_semaphore, #tpu.memory_space<semaphore_mem>>)
      }
      %scan3A_244 = arith.constant 20 : i32
      %dma_wait3A_245 = arith.constant 40 : i32
      %dma_wait3A_246 = arith.constant 0 : i32
      %dma_wait3A_247 = tpu.memref_slice %arg6[%dma_wait3A_245, %dma_wait3A_246] : memref<48x128xi32, #tpu.memory_space<vmem>> -> memref<1x128xi32, #tpu.memory_space<vmem>>
      %dma_wait3A_248 = tpu.memref_squeeze %dma_wait3A_247 : memref<1x128xi32, #tpu.memory_space<vmem>> -> memref<128xi32, #tpu.memory_space<vmem>>
      %dma_wait3A_249 = arith.constant 0 : i32
      %dma_wait3A_250 = arith.constant 0 : i32
      %dma_wait3A_251 = tpu.memref_slice %arg2[%dma_wait3A_249, %dma_wait3A_250] : memref<10000x128xf32, #tpu.memory_space<hbm>> -> memref<10000x128xf32, #tpu.memory_space<hbm>>
      tpu.wait_indirect_dma semaphore(%arg11 : memref<!tpu.dma_semaphore, #tpu.memory_space<semaphore_mem>>) src(%dma_wait3A_251 : memref<10000x128xf32, #tpu.memory_space<hbm>>) dst(%arg8 : memref<128x128xf32, #tpu.memory_space<vmem>>)
      %dma_wait3A_252 = arith.constant 41 : i32
      %dma_wait3A_253 = arith.constant 0 : i32
      %dma_wait3A_254 = tpu.memref_slice %arg6[%dma_wait3A_252, %dma_wait3A_253] : memref<48x128xi32, #tpu.memory_space<vmem>> -> memref<1x128xi32, #tpu.memory_space<vmem>>
      %dma_wait3A_255 = tpu.memref_squeeze %dma_wait3A_254 : memref<1x128xi32, #tpu.memory_space<vmem>> -> memref<128xi32, #tpu.memory_space<vmem>>
      %dma_wait3A_256 = arith.constant 0 : i32
      %dma_wait3A_257 = arith.constant 0 : i32
      %dma_wait3A_258 = tpu.memref_slice %arg2[%dma_wait3A_256, %dma_wait3A_257] : memref<10000x128xf32, #tpu.memory_space<hbm>> -> memref<10000x128xf32, #tpu.memory_space<hbm>>
      tpu.wait_indirect_dma semaphore(%arg12 : memref<!tpu.dma_semaphore, #tpu.memory_space<semaphore_mem>>) src(%dma_wait3A_258 : memref<10000x128xf32, #tpu.memory_space<hbm>>) dst(%arg9 : memref<128x128xf32, #tpu.memory_space<vmem>>)
    }
    %scan3A_22 = arith.constant 2 : i32
    %barrier3A_23 = arith.constant 0 : index
    tpu.barrier barrier_id(%barrier3A_23)
    %mul3A_24 = arith.constant 640 : i32
    %mul3A_25 = arith.muli %arg1, %mul3A_24 : i32
    %add3A_26 = arith.constant 0 : i32
    %add3A_27 = arith.addi %mul3A_25, %add3A_26 : i32
    %dma_start3A = arith.constant 0 : i32
    %dma_start3A_28 = tpu.memref_slice %arg10[%add3A_27, %dma_start3A] : memref<10240x128xf32, #tpu.memory_space<vmem_shared>> -> memref<128x128xf32, #tpu.memory_space<vmem_shared>>
    %dma_start3A_29 = arith.constant 0 : i32
    %dma_start3A_30 = tpu.memref_slice %arg10[%add3A_27, %dma_start3A_29] : memref<10240x128xf32, #tpu.memory_space<vmem_shared>> -> memref<128x128xf32, #tpu.memory_space<vmem_shared>>
    tpu.enqueue_dma source(%dma_start3A_30 : memref<128x128xf32, #tpu.memory_space<vmem_shared>>) target(%arg8 : memref<128x128xf32, #tpu.memory_space<vmem>>) target_semaphore(%arg11 : memref<!tpu.dma_semaphore, #tpu.memory_space<semaphore_mem>>)
    %mul3A_31 = arith.constant 640 : i32
    %mul3A_32 = arith.muli %arg1, %mul3A_31 : i32
    %add3A_33 = arith.constant 0 : i32
    %add3A_34 = arith.addi %mul3A_32, %add3A_33 : i32
    %dma_wait3A = arith.constant 0 : i32
    %dma_wait3A_35 = tpu.memref_slice %arg10[%add3A_34, %dma_wait3A] : memref<10240x128xf32, #tpu.memory_space<vmem_shared>> -> memref<128x128xf32, #tpu.memory_space<vmem_shared>>
    %dma_wait3A_36 = arith.constant 0 : i32
    %dma_wait3A_37 = tpu.memref_slice %arg10[%add3A_34, %dma_wait3A_36] : memref<10240x128xf32, #tpu.memory_space<vmem_shared>> -> memref<128x128xf32, #tpu.memory_space<vmem_shared>>
    tpu.wait_dma2 semaphore(%arg11 : memref<!tpu.dma_semaphore, #tpu.memory_space<semaphore_mem>>) src(%dma_wait3A_37 : memref<128x128xf32, #tpu.memory_space<vmem_shared>>) dst(%arg8 : memref<128x128xf32, #tpu.memory_space<vmem>>)
    %mul3A_38 = arith.constant 640 : i32
    %mul3A_39 = arith.muli %arg1, %mul3A_38 : i32
    %add3A_40 = arith.constant 0 : i32
    %add3A_41 = arith.addi %mul3A_39, %add3A_40 : i32
    %dma_start3A_42 = arith.constant 0 : i32
    %dma_start3A_43 = tpu.memref_slice %arg5[%arg0, %add3A_41, %dma_start3A_42] : memref<2x10240x128xf32, #tpu.memory_space<hbm>> -> memref<1x128x128xf32, #tpu.memory_space<hbm>>
    %dma_start3A_44 = tpu.memref_squeeze %dma_start3A_43 : memref<1x128x128xf32, #tpu.memory_space<hbm>> -> memref<128x128xf32, #tpu.memory_space<hbm>>
    %dma_start3A_45 = arith.constant 0 : i32
    %dma_start3A_46 = tpu.memref_slice %arg5[%arg0, %add3A_41, %dma_start3A_45] : memref<2x10240x128xf32, #tpu.memory_space<hbm>> -> memref<1x128x128xf32, #tpu.memory_space<hbm>>
    %dma_start3A_47 = tpu.memref_squeeze %dma_start3A_46 : memref<1x128x128xf32, #tpu.memory_space<hbm>> -> memref<128x128xf32, #tpu.memory_space<hbm>>
    tpu.enqueue_dma source(%arg8 : memref<128x128xf32, #tpu.memory_space<vmem>>) target(%dma_start3A_47 : memref<128x128xf32, #tpu.memory_space<hbm>>) target_semaphore(%arg13 : memref<!tpu.dma_semaphore, #tpu.memory_space<semaphore_mem>>)
    %mul3A_48 = arith.constant 640 : i32
    %mul3A_49 = arith.muli %arg1, %mul3A_48 : i32
    %add3A_50 = arith.constant 128 : i32
    %add3A_51 = arith.addi %mul3A_49, %add3A_50 : i32
    %dma_start3A_52 = arith.constant 0 : i32
    %dma_start3A_53 = tpu.memref_slice %arg10[%add3A_51, %dma_start3A_52] : memref<10240x128xf32, #tpu.memory_space<vmem_shared>> -> memref<128x128xf32, #tpu.memory_space<vmem_shared>>
    %dma_start3A_54 = arith.constant 0 : i32
    %dma_start3A_55 = tpu.memref_slice %arg10[%add3A_51, %dma_start3A_54] : memref<10240x128xf32, #tpu.memory_space<vmem_shared>> -> memref<128x128xf32, #tpu.memory_space<vmem_shared>>
    tpu.enqueue_dma source(%dma_start3A_55 : memref<128x128xf32, #tpu.memory_space<vmem_shared>>) target(%arg9 : memref<128x128xf32, #tpu.memory_space<vmem>>) target_semaphore(%arg12 : memref<!tpu.dma_semaphore, #tpu.memory_space<semaphore_mem>>)
    %mul3A_56 = arith.constant 640 : i32
    %mul3A_57 = arith.muli %arg1, %mul3A_56 : i32
    %add3A_58 = arith.constant 128 : i32
    %add3A_59 = arith.addi %mul3A_57, %add3A_58 : i32
    %dma_wait3A_60 = arith.constant 0 : i32
    %dma_wait3A_61 = tpu.memref_slice %arg10[%add3A_59, %dma_wait3A_60] : memref<10240x128xf32, #tpu.memory_space<vmem_shared>> -> memref<128x128xf32, #tpu.memory_space<vmem_shared>>
    %dma_wait3A_62 = arith.constant 0 : i32
    %dma_wait3A_63 = tpu.memref_slice %arg10[%add3A_59, %dma_wait3A_62] : memref<10240x128xf32, #tpu.memory_space<vmem_shared>> -> memref<128x128xf32, #tpu.memory_space<vmem_shared>>
    tpu.wait_dma2 semaphore(%arg12 : memref<!tpu.dma_semaphore, #tpu.memory_space<semaphore_mem>>) src(%dma_wait3A_63 : memref<128x128xf32, #tpu.memory_space<vmem_shared>>) dst(%arg9 : memref<128x128xf32, #tpu.memory_space<vmem>>)
    %mul3A_64 = arith.constant 640 : i32
    %mul3A_65 = arith.muli %arg1, %mul3A_64 : i32
    %add3A_66 = arith.constant 128 : i32
    %add3A_67 = arith.addi %mul3A_65, %add3A_66 : i32
    %dma_start3A_68 = arith.constant 0 : i32
    %dma_start3A_69 = tpu.memref_slice %arg5[%arg0, %add3A_67, %dma_start3A_68] : memref<2x10240x128xf32, #tpu.memory_space<hbm>> -> memref<1x128x128xf32, #tpu.memory_space<hbm>>
    %dma_start3A_70 = tpu.memref_squeeze %dma_start3A_69 : memref<1x128x128xf32, #tpu.memory_space<hbm>> -> memref<128x128xf32, #tpu.memory_space<hbm>>
    %dma_start3A_71 = arith.constant 0 : i32
    %dma_start3A_72 = tpu.memref_slice %arg5[%arg0, %add3A_67, %dma_start3A_71] : memref<2x10240x128xf32, #tpu.memory_space<hbm>> -> memref<1x128x128xf32, #tpu.memory_space<hbm>>
    %dma_start3A_73 = tpu.memref_squeeze %dma_start3A_72 : memref<1x128x128xf32, #tpu.memory_space<hbm>> -> memref<128x128xf32, #tpu.memory_space<hbm>>
    tpu.enqueue_dma source(%arg9 : memref<128x128xf32, #tpu.memory_space<vmem>>) target(%dma_start3A_73 : memref<128x128xf32, #tpu.memory_space<hbm>>) target_semaphore(%arg14 : memref<!tpu.dma_semaphore, #tpu.memory_space<semaphore_mem>>)
    %mul3A_74 = arith.constant 640 : i32
    %mul3A_75 = arith.muli %arg1, %mul3A_74 : i32
    %add3A_76 = arith.constant 0 : i32
    %add3A_77 = arith.addi %mul3A_75, %add3A_76 : i32
    %dma_wait3A_78 = arith.constant 0 : i32
    %dma_wait3A_79 = tpu.memref_slice %arg5[%arg0, %add3A_77, %dma_wait3A_78] : memref<2x10240x128xf32, #tpu.memory_space<hbm>> -> memref<1x128x128xf32, #tpu.memory_space<hbm>>
    %dma_wait3A_80 = tpu.memref_squeeze %dma_wait3A_79 : memref<1x128x128xf32, #tpu.memory_space<hbm>> -> memref<128x128xf32, #tpu.memory_space<hbm>>
    %dma_wait3A_81 = arith.constant 0 : i32
    %dma_wait3A_82 = tpu.memref_slice %arg5[%arg0, %add3A_77, %dma_wait3A_81] : memref<2x10240x128xf32, #tpu.memory_space<hbm>> -> memref<1x128x128xf32, #tpu.memory_space<hbm>>
    %dma_wait3A_83 = tpu.memref_squeeze %dma_wait3A_82 : memref<1x128x128xf32, #tpu.memory_space<hbm>> -> memref<128x128xf32, #tpu.memory_space<hbm>>
    tpu.wait_dma2 semaphore(%arg13 : memref<!tpu.dma_semaphore, #tpu.memory_space<semaphore_mem>>) src(%arg8 : memref<128x128xf32, #tpu.memory_space<vmem>>) dst(%dma_wait3A_83 : memref<128x128xf32, #tpu.memory_space<hbm>>)
    %mul3A_84 = arith.constant 640 : i32
    %mul3A_85 = arith.muli %arg1, %mul3A_84 : i32
    %add3A_86 = arith.constant 256 : i32
    %add3A_87 = arith.addi %mul3A_85, %add3A_86 : i32
    %dma_start3A_88 = arith.constant 0 : i32
    %dma_start3A_89 = tpu.memref_slice %arg10[%add3A_87, %dma_start3A_88] : memref<10240x128xf32, #tpu.memory_space<vmem_shared>> -> memref<128x128xf32, #tpu.memory_space<vmem_shared>>
    %dma_start3A_90 = arith.constant 0 : i32
    %dma_start3A_91 = tpu.memref_slice %arg10[%add3A_87, %dma_start3A_90] : memref<10240x128xf32, #tpu.memory_space<vmem_shared>> -> memref<128x128xf32, #tpu.memory_space<vmem_shared>>
    tpu.enqueue_dma source(%dma_start3A_91 : memref<128x128xf32, #tpu.memory_space<vmem_shared>>) target(%arg8 : memref<128x128xf32, #tpu.memory_space<vmem>>) target_semaphore(%arg11 : memref<!tpu.dma_semaphore, #tpu.memory_space<semaphore_mem>>)
    %mul3A_92 = arith.constant 640 : i32
    %mul3A_93 = arith.muli %arg1, %mul3A_92 : i32
    %add3A_94 = arith.constant 256 : i32
    %add3A_95 = arith.addi %mul3A_93, %add3A_94 : i32
    %dma_wait3A_96 = arith.constant 0 : i32
    %dma_wait3A_97 = tpu.memref_slice %arg10[%add3A_95, %dma_wait3A_96] : memref<10240x128xf32, #tpu.memory_space<vmem_shared>> -> memref<128x128xf32, #tpu.memory_space<vmem_shared>>
    %dma_wait3A_98 = arith.constant 0 : i32
    %dma_wait3A_99 = tpu.memref_slice %arg10[%add3A_95, %dma_wait3A_98] : memref<10240x128xf32, #tpu.memory_space<vmem_shared>> -> memref<128x128xf32, #tpu.memory_space<vmem_shared>>
    tpu.wait_dma2 semaphore(%arg11 : memref<!tpu.dma_semaphore, #tpu.memory_space<semaphore_mem>>) src(%dma_wait3A_99 : memref<128x128xf32, #tpu.memory_space<vmem_shared>>) dst(%arg8 : memref<128x128xf32, #tpu.memory_space<vmem>>)
    %mul3A_100 = arith.constant 640 : i32
    %mul3A_101 = arith.muli %arg1, %mul3A_100 : i32
    %add3A_102 = arith.constant 256 : i32
    %add3A_103 = arith.addi %mul3A_101, %add3A_102 : i32
    %dma_start3A_104 = arith.constant 0 : i32
    %dma_start3A_105 = tpu.memref_slice %arg5[%arg0, %add3A_103, %dma_start3A_104] : memref<2x10240x128xf32, #tpu.memory_space<hbm>> -> memref<1x128x128xf32, #tpu.memory_space<hbm>>
    %dma_start3A_106 = tpu.memref_squeeze %dma_start3A_105 : memref<1x128x128xf32, #tpu.memory_space<hbm>> -> memref<128x128xf32, #tpu.memory_space<hbm>>
    %dma_start3A_107 = arith.constant 0 : i32
    %dma_start3A_108 = tpu.memref_slice %arg5[%arg0, %add3A_103, %dma_start3A_107] : memref<2x10240x128xf32, #tpu.memory_space<hbm>> -> memref<1x128x128xf32, #tpu.memory_space<hbm>>
    %dma_start3A_109 = tpu.memref_squeeze %dma_start3A_108 : memref<1x128x128xf32, #tpu.memory_space<hbm>> -> memref<128x128xf32, #tpu.memory_space<hbm>>
    tpu.enqueue_dma source(%arg8 : memref<128x128xf32, #tpu.memory_space<vmem>>) target(%dma_start3A_109 : memref<128x128xf32, #tpu.memory_space<hbm>>) target_semaphore(%arg13 : memref<!tpu.dma_semaphore, #tpu.memory_space<semaphore_mem>>)
    %mul3A_110 = arith.constant 640 : i32
    %mul3A_111 = arith.muli %arg1, %mul3A_110 : i32
    %add3A_112 = arith.constant 128 : i32
    %add3A_113 = arith.addi %mul3A_111, %add3A_112 : i32
    %dma_wait3A_114 = arith.constant 0 : i32
    %dma_wait3A_115 = tpu.memref_slice %arg5[%arg0, %add3A_113, %dma_wait3A_114] : memref<2x10240x128xf32, #tpu.memory_space<hbm>> -> memref<1x128x128xf32, #tpu.memory_space<hbm>>
    %dma_wait3A_116 = tpu.memref_squeeze %dma_wait3A_115 : memref<1x128x128xf32, #tpu.memory_space<hbm>> -> memref<128x128xf32, #tpu.memory_space<hbm>>
    %dma_wait3A_117 = arith.constant 0 : i32
    %dma_wait3A_118 = tpu.memref_slice %arg5[%arg0, %add3A_113, %dma_wait3A_117] : memref<2x10240x128xf32, #tpu.memory_space<hbm>> -> memref<1x128x128xf32, #tpu.memory_space<hbm>>
    %dma_wait3A_119 = tpu.memref_squeeze %dma_wait3A_118 : memref<1x128x128xf32, #tpu.memory_space<hbm>> -> memref<128x128xf32, #tpu.memory_space<hbm>>
    tpu.wait_dma2 semaphore(%arg14 : memref<!tpu.dma_semaphore, #tpu.memory_space<semaphore_mem>>) src(%arg9 : memref<128x128xf32, #tpu.memory_space<vmem>>) dst(%dma_wait3A_119 : memref<128x128xf32, #tpu.memory_space<hbm>>)
    %mul3A_120 = arith.constant 640 : i32
    %mul3A_121 = arith.muli %arg1, %mul3A_120 : i32
    %add3A_122 = arith.constant 384 : i32
    %add3A_123 = arith.addi %mul3A_121, %add3A_122 : i32
    %dma_start3A_124 = arith.constant 0 : i32
    %dma_start3A_125 = tpu.memref_slice %arg10[%add3A_123, %dma_start3A_124] : memref<10240x128xf32, #tpu.memory_space<vmem_shared>> -> memref<128x128xf32, #tpu.memory_space<vmem_shared>>
    %dma_start3A_126 = arith.constant 0 : i32
    %dma_start3A_127 = tpu.memref_slice %arg10[%add3A_123, %dma_start3A_126] : memref<10240x128xf32, #tpu.memory_space<vmem_shared>> -> memref<128x128xf32, #tpu.memory_space<vmem_shared>>
    tpu.enqueue_dma source(%dma_start3A_127 : memref<128x128xf32, #tpu.memory_space<vmem_shared>>) target(%arg9 : memref<128x128xf32, #tpu.memory_space<vmem>>) target_semaphore(%arg12 : memref<!tpu.dma_semaphore, #tpu.memory_space<semaphore_mem>>)
    %mul3A_128 = arith.constant 640 : i32
    %mul3A_129 = arith.muli %arg1, %mul3A_128 : i32
    %add3A_130 = arith.constant 384 : i32
    %add3A_131 = arith.addi %mul3A_129, %add3A_130 : i32
    %dma_wait3A_132 = arith.constant 0 : i32
    %dma_wait3A_133 = tpu.memref_slice %arg10[%add3A_131, %dma_wait3A_132] : memref<10240x128xf32, #tpu.memory_space<vmem_shared>> -> memref<128x128xf32, #tpu.memory_space<vmem_shared>>
    %dma_wait3A_134 = arith.constant 0 : i32
    %dma_wait3A_135 = tpu.memref_slice %arg10[%add3A_131, %dma_wait3A_134] : memref<10240x128xf32, #tpu.memory_space<vmem_shared>> -> memref<128x128xf32, #tpu.memory_space<vmem_shared>>
    tpu.wait_dma2 semaphore(%arg12 : memref<!tpu.dma_semaphore, #tpu.memory_space<semaphore_mem>>) src(%dma_wait3A_135 : memref<128x128xf32, #tpu.memory_space<vmem_shared>>) dst(%arg9 : memref<128x128xf32, #tpu.memory_space<vmem>>)
    %mul3A_136 = arith.constant 640 : i32
    %mul3A_137 = arith.muli %arg1, %mul3A_136 : i32
    %add3A_138 = arith.constant 384 : i32
    %add3A_139 = arith.addi %mul3A_137, %add3A_138 : i32
    %dma_start3A_140 = arith.constant 0 : i32
    %dma_start3A_141 = tpu.memref_slice %arg5[%arg0, %add3A_139, %dma_start3A_140] : memref<2x10240x128xf32, #tpu.memory_space<hbm>> -> memref<1x128x128xf32, #tpu.memory_space<hbm>>
    %dma_start3A_142 = tpu.memref_squeeze %dma_start3A_141 : memref<1x128x128xf32, #tpu.memory_space<hbm>> -> memref<128x128xf32, #tpu.memory_space<hbm>>
    %dma_start3A_143 = arith.constant 0 : i32
    %dma_start3A_144 = tpu.memref_slice %arg5[%arg0, %add3A_139, %dma_start3A_143] : memref<2x10240x128xf32, #tpu.memory_space<hbm>> -> memref<1x128x128xf32, #tpu.memory_space<hbm>>
    %dma_start3A_145 = tpu.memref_squeeze %dma_start3A_144 : memref<1x128x128xf32, #tpu.memory_space<hbm>> -> memref<128x128xf32, #tpu.memory_space<hbm>>
    tpu.enqueue_dma source(%arg9 : memref<128x128xf32, #tpu.memory_space<vmem>>) target(%dma_start3A_145 : memref<128x128xf32, #tpu.memory_space<hbm>>) target_semaphore(%arg14 : memref<!tpu.dma_semaphore, #tpu.memory_space<semaphore_mem>>)
    %mul3A_146 = arith.constant 640 : i32
    %mul3A_147 = arith.muli %arg1, %mul3A_146 : i32
    %add3A_148 = arith.constant 256 : i32
    %add3A_149 = arith.addi %mul3A_147, %add3A_148 : i32
    %dma_wait3A_150 = arith.constant 0 : i32
    %dma_wait3A_151 = tpu.memref_slice %arg5[%arg0, %add3A_149, %dma_wait3A_150] : memref<2x10240x128xf32, #tpu.memory_space<hbm>> -> memref<1x128x128xf32, #tpu.memory_space<hbm>>
    %dma_wait3A_152 = tpu.memref_squeeze %dma_wait3A_151 : memref<1x128x128xf32, #tpu.memory_space<hbm>> -> memref<128x128xf32, #tpu.memory_space<hbm>>
    %dma_wait3A_153 = arith.constant 0 : i32
    %dma_wait3A_154 = tpu.memref_slice %arg5[%arg0, %add3A_149, %dma_wait3A_153] : memref<2x10240x128xf32, #tpu.memory_space<hbm>> -> memref<1x128x128xf32, #tpu.memory_space<hbm>>
    %dma_wait3A_155 = tpu.memref_squeeze %dma_wait3A_154 : memref<1x128x128xf32, #tpu.memory_space<hbm>> -> memref<128x128xf32, #tpu.memory_space<hbm>>
    tpu.wait_dma2 semaphore(%arg13 : memref<!tpu.dma_semaphore, #tpu.memory_space<semaphore_mem>>) src(%arg8 : memref<128x128xf32, #tpu.memory_space<vmem>>) dst(%dma_wait3A_155 : memref<128x128xf32, #tpu.memory_space<hbm>>)
    %mul3A_156 = arith.constant 640 : i32
    %mul3A_157 = arith.muli %arg1, %mul3A_156 : i32
    %add3A_158 = arith.constant 512 : i32
    %add3A_159 = arith.addi %mul3A_157, %add3A_158 : i32
    %dma_start3A_160 = arith.constant 0 : i32
    %dma_start3A_161 = tpu.memref_slice %arg10[%add3A_159, %dma_start3A_160] : memref<10240x128xf32, #tpu.memory_space<vmem_shared>> -> memref<128x128xf32, #tpu.memory_space<vmem_shared>>
    %dma_start3A_162 = arith.constant 0 : i32
    %dma_start3A_163 = tpu.memref_slice %arg10[%add3A_159, %dma_start3A_162] : memref<10240x128xf32, #tpu.memory_space<vmem_shared>> -> memref<128x128xf32, #tpu.memory_space<vmem_shared>>
    tpu.enqueue_dma source(%dma_start3A_163 : memref<128x128xf32, #tpu.memory_space<vmem_shared>>) target(%arg8 : memref<128x128xf32, #tpu.memory_space<vmem>>) target_semaphore(%arg11 : memref<!tpu.dma_semaphore, #tpu.memory_space<semaphore_mem>>)
    %mul3A_164 = arith.constant 640 : i32
    %mul3A_165 = arith.muli %arg1, %mul3A_164 : i32
    %add3A_166 = arith.constant 512 : i32
    %add3A_167 = arith.addi %mul3A_165, %add3A_166 : i32
    %dma_wait3A_168 = arith.constant 0 : i32
    %dma_wait3A_169 = tpu.memref_slice %arg10[%add3A_167, %dma_wait3A_168] : memref<10240x128xf32, #tpu.memory_space<vmem_shared>> -> memref<128x128xf32, #tpu.memory_space<vmem_shared>>
    %dma_wait3A_170 = arith.constant 0 : i32
    %dma_wait3A_171 = tpu.memref_slice %arg10[%add3A_167, %dma_wait3A_170] : memref<10240x128xf32, #tpu.memory_space<vmem_shared>> -> memref<128x128xf32, #tpu.memory_space<vmem_shared>>
    tpu.wait_dma2 semaphore(%arg11 : memref<!tpu.dma_semaphore, #tpu.memory_space<semaphore_mem>>) src(%dma_wait3A_171 : memref<128x128xf32, #tpu.memory_space<vmem_shared>>) dst(%arg8 : memref<128x128xf32, #tpu.memory_space<vmem>>)
    %mul3A_172 = arith.constant 640 : i32
    %mul3A_173 = arith.muli %arg1, %mul3A_172 : i32
    %add3A_174 = arith.constant 512 : i32
    %add3A_175 = arith.addi %mul3A_173, %add3A_174 : i32
    %dma_start3A_176 = arith.constant 0 : i32
    %dma_start3A_177 = tpu.memref_slice %arg5[%arg0, %add3A_175, %dma_start3A_176] : memref<2x10240x128xf32, #tpu.memory_space<hbm>> -> memref<1x128x128xf32, #tpu.memory_space<hbm>>
    %dma_start3A_178 = tpu.memref_squeeze %dma_start3A_177 : memref<1x128x128xf32, #tpu.memory_space<hbm>> -> memref<128x128xf32, #tpu.memory_space<hbm>>
    %dma_start3A_179 = arith.constant 0 : i32
    %dma_start3A_180 = tpu.memref_slice %arg5[%arg0, %add3A_175, %dma_start3A_179] : memref<2x10240x128xf32, #tpu.memory_space<hbm>> -> memref<1x128x128xf32, #tpu.memory_space<hbm>>
    %dma_start3A_181 = tpu.memref_squeeze %dma_start3A_180 : memref<1x128x128xf32, #tpu.memory_space<hbm>> -> memref<128x128xf32, #tpu.memory_space<hbm>>
    tpu.enqueue_dma source(%arg8 : memref<128x128xf32, #tpu.memory_space<vmem>>) target(%dma_start3A_181 : memref<128x128xf32, #tpu.memory_space<hbm>>) target_semaphore(%arg13 : memref<!tpu.dma_semaphore, #tpu.memory_space<semaphore_mem>>)
    %mul3A_182 = arith.constant 640 : i32
    %mul3A_183 = arith.muli %arg1, %mul3A_182 : i32
    %add3A_184 = arith.constant 384 : i32
    %add3A_185 = arith.addi %mul3A_183, %add3A_184 : i32
    %dma_wait3A_186 = arith.constant 0 : i32
    %dma_wait3A_187 = tpu.memref_slice %arg5[%arg0, %add3A_185, %dma_wait3A_186] : memref<2x10240x128xf32, #tpu.memory_space<hbm>> -> memref<1x128x128xf32, #tpu.memory_space<hbm>>
    %dma_wait3A_188 = tpu.memref_squeeze %dma_wait3A_187 : memref<1x128x128xf32, #tpu.memory_space<hbm>> -> memref<128x128xf32, #tpu.memory_space<hbm>>
    %dma_wait3A_189 = arith.constant 0 : i32
    %dma_wait3A_190 = tpu.memref_slice %arg5[%arg0, %add3A_185, %dma_wait3A_189] : memref<2x10240x128xf32, #tpu.memory_space<hbm>> -> memref<1x128x128xf32, #tpu.memory_space<hbm>>
    %dma_wait3A_191 = tpu.memref_squeeze %dma_wait3A_190 : memref<1x128x128xf32, #tpu.memory_space<hbm>> -> memref<128x128xf32, #tpu.memory_space<hbm>>
    tpu.wait_dma2 semaphore(%arg14 : memref<!tpu.dma_semaphore, #tpu.memory_space<semaphore_mem>>) src(%arg9 : memref<128x128xf32, #tpu.memory_space<vmem>>) dst(%dma_wait3A_191 : memref<128x128xf32, #tpu.memory_space<hbm>>)
    %mul3A_192 = arith.constant 640 : i32
    %mul3A_193 = arith.muli %arg1, %mul3A_192 : i32
    %add3A_194 = arith.constant 512 : i32
    %add3A_195 = arith.addi %mul3A_193, %add3A_194 : i32
    %dma_wait3A_196 = arith.constant 0 : i32
    %dma_wait3A_197 = tpu.memref_slice %arg5[%arg0, %add3A_195, %dma_wait3A_196] : memref<2x10240x128xf32, #tpu.memory_space<hbm>> -> memref<1x128x128xf32, #tpu.memory_space<hbm>>
    %dma_wait3A_198 = tpu.memref_squeeze %dma_wait3A_197 : memref<1x128x128xf32, #tpu.memory_space<hbm>> -> memref<128x128xf32, #tpu.memory_space<hbm>>
    %dma_wait3A_199 = arith.constant 0 : i32
    %dma_wait3A_200 = tpu.memref_slice %arg5[%arg0, %add3A_195, %dma_wait3A_199] : memref<2x10240x128xf32, #tpu.memory_space<hbm>> -> memref<1x128x128xf32, #tpu.memory_space<hbm>>
    %dma_wait3A_201 = tpu.memref_squeeze %dma_wait3A_200 : memref<1x128x128xf32, #tpu.memory_space<hbm>> -> memref<128x128xf32, #tpu.memory_space<hbm>>
    tpu.wait_dma2 semaphore(%arg13 : memref<!tpu.dma_semaphore, #tpu.memory_space<semaphore_mem>>) src(%arg8 : memref<128x128xf32, #tpu.memory_space<vmem>>) dst(%dma_wait3A_201 : memref<128x128xf32, #tpu.memory_space<hbm>>)
    return
  }
}

module attributes {stable_mosaic.version = 14 : i64} {
  func.func @body(%arg0: i32, %arg1: memref<400x1xf32, #tpu.memory_space<vmem>>, %arg2: memref<400x1xf32, #tpu.memory_space<vmem>>, %arg3: memref<400x128xf32, #tpu.memory_space<vmem>>, %arg4: memref<400x128xf32, #tpu.memory_space<vmem>>) attributes {dimension_semantics = [#tpu.dimension_semantics<arbitrary>], iteration_bounds = array<i64: 25>, scalar_prefetch = 0 : i64, scratch_operands = 0 : i64, tpu.core_type = #tpu.core_type<tc>, window_params = [{transform_indices = @transform_0, window_bounds = array<i64: 400, 1>}, {transform_indices = @transform_1, window_bounds = array<i64: 400, 1>}, {transform_indices = @transform_2, window_bounds = array<i64: 400, 128>}, {transform_indices = @transform_3, window_bounds = array<i64: 400, 128>}]} {
    %get3A = arith.constant 0 : index
    %get3A_0 = arith.constant 0 : index
    %get3A_1 = vector.load %arg1[%get3A, %get3A_0] : memref<400x1xf32, #tpu.memory_space<vmem>>, vector<400x1xf32>
    %get3A_2 = arith.constant 0 : index
    %get3A_3 = arith.constant 0 : index
    %get3A_4 = vector.load %arg2[%get3A_2, %get3A_3] : memref<400x1xf32, #tpu.memory_space<vmem>>, vector<400x1xf32>
    %add3A = arith.addf %get3A_1, %get3A_4 : vector<400x1xf32>
    %add3A_5 = arith.constant 1.000000e+00 : f32
    %add3A_6 = vector.broadcast %add3A_5 : f32 to vector<400x1xf32>
    %add3A_7 = arith.addf %add3A, %add3A_6 : vector<400x1xf32>
    %rsqrt3A = math.rsqrt %add3A_7 : vector<400x1xf32>
    %get3A_8 = arith.constant 0 : index
    %get3A_9 = arith.constant 0 : index
    %get3A_10 = vector.load %arg3[%get3A_8, %get3A_9] : memref<400x128xf32, #tpu.memory_space<vmem>>, vector<400x128xf32>
    %mul3A = vector.broadcast %rsqrt3A : vector<400x1xf32> to vector<400x128xf32>
    %mul3A_11 = arith.mulf %get3A_10, %mul3A : vector<400x128xf32>
    %swap3A = arith.constant 0 : index
    %swap3A_12 = arith.constant 0 : index
    %swap3A_13 = vector.load %arg4[%swap3A, %swap3A_12] : memref<400x128xf32, #tpu.memory_space<vmem>>, vector<400x128xf32>
    tpu.vector_store %arg4[%swap3A, %swap3A_12], %mul3A_11 {strides = array<i32>} : memref<400x128xf32, #tpu.memory_space<vmem>>, vector<400x128xf32>,
    return
  }
  func.func @transform_0(%arg0: i32) -> (i32, i32) {
    %c0_i32 = arith.constant 0 : i32
    %c0_i32_0 = arith.constant 0 : i32
    return %arg0, %c0_i32 : i32, i32
  }
  func.func @transform_1(%arg0: i32) -> (i32, i32) {
    %c0_i32 = arith.constant 0 : i32
    %c0_i32_0 = arith.constant 0 : i32
    return %arg0, %c0_i32 : i32, i32
  }
  func.func @transform_2(%arg0: i32) -> (i32, i32) {
    %c0_i32 = arith.constant 0 : i32
    %c0_i32_0 = arith.constant 0 : i32
    return %arg0, %c0_i32 : i32, i32
  }
  func.func @transform_3(%arg0: i32) -> (i32, i32) {
    %c0_i32 = arith.constant 0 : i32
    %c0_i32_0 = arith.constant 0 : i32
    return %arg0, %c0_i32 : i32, i32
  }
}

module attributes {stable_mosaic.version = 14 : i64} {
  func.func @body(%arg0: i32, %arg1: memref<400x1xf32, #tpu.memory_space<vmem>>, %arg2: memref<400x1xf32, #tpu.memory_space<vmem>>, %arg3: memref<1x400x128xf32, #tpu.memory_space<vmem>>, %arg4: memref<1x400x128xf32, #tpu.memory_space<vmem>>, %arg5: memref<400x128xf32, #tpu.memory_space<vmem>>, %arg6: memref<128x256xf32, #tpu.memory_space<vmem>>, %arg7: memref<1x256xf32, #tpu.memory_space<vmem>>, %arg8: memref<256x128xf32, #tpu.memory_space<vmem>>, %arg9: memref<400x128xf32, #tpu.memory_space<vmem>>) attributes {dimension_semantics = [#tpu.dimension_semantics<arbitrary>], iteration_bounds = array<i64: 25>, scalar_prefetch = 0 : i64, scratch_operands = 0 : i64, tpu.core_type = #tpu.core_type<tc>, window_params = [{transform_indices = @transform_0, window_bounds = array<i64: 400, 1>}, {transform_indices = @transform_1, window_bounds = array<i64: 400, 1>}, {transform_indices = @transform_2, window_bounds = array<i64: 1, 400, 128>}, {transform_indices = @transform_3, window_bounds = array<i64: 1, 400, 128>}, {transform_indices = @transform_4, window_bounds = array<i64: 400, 128>}, {pipeline_mode = #tpu.pipeline_mode<synchronous>, transform_indices = @transform_5, window_bounds = array<i64: 128, 256>}, {pipeline_mode = #tpu.pipeline_mode<synchronous>, transform_indices = @transform_6, window_bounds = array<i64: 1, 256>}, {pipeline_mode = #tpu.pipeline_mode<synchronous>, transform_indices = @transform_7, window_bounds = array<i64: 256, 128>}, {transform_indices = @transform_8, window_bounds = array<i64: 400, 128>}]} {
    %get3A = arith.constant 0 : index
    %get3A_0 = arith.constant 0 : index
    %get3A_1 = vector.load %arg1[%get3A, %get3A_0] : memref<400x1xf32, #tpu.memory_space<vmem>>, vector<400x1xf32>
    %get3A_2 = arith.constant 0 : index
    %get3A_3 = arith.constant 0 : index
    %get3A_4 = vector.load %arg2[%get3A_2, %get3A_3] : memref<400x1xf32, #tpu.memory_space<vmem>>, vector<400x1xf32>
    %add3A = arith.addf %get3A_1, %get3A_4 : vector<400x1xf32>
    %add3A_5 = arith.constant 1.000000e+00 : f32
    %add3A_6 = vector.broadcast %add3A_5 : f32 to vector<400x1xf32>
    %add3A_7 = arith.addf %add3A, %add3A_6 : vector<400x1xf32>
    %rsqrt3A = math.rsqrt %add3A_7 : vector<400x1xf32>
    %get3A_8 = arith.constant 0 : index
    %get3A_9 = arith.constant 0 : index
    %get3A_10 = arith.constant 0 : index
    %get3A_11 = vector.load %arg3[%get3A_8, %get3A_9, %get3A_10] : memref<1x400x128xf32, #tpu.memory_space<vmem>>, vector<1x400x128xf32>
    %get3A_12 = vector.shape_cast %get3A_11 : vector<1x400x128xf32> to vector<400x128xf32>
    %get3A_13 = arith.constant 0 : index
    %get3A_14 = arith.constant 0 : index
    %get3A_15 = arith.constant 0 : index
    %get3A_16 = vector.load %arg4[%get3A_13, %get3A_14, %get3A_15] : memref<1x400x128xf32, #tpu.memory_space<vmem>>, vector<1x400x128xf32>
    %get3A_17 = vector.shape_cast %get3A_16 : vector<1x400x128xf32> to vector<400x128xf32>
    %add3A_18 = arith.addf %get3A_12, %get3A_17 : vector<400x128xf32>
    %get3A_19 = arith.constant 0 : index
    %get3A_20 = arith.constant 0 : index
    %get3A_21 = vector.load %arg5[%get3A_19, %get3A_20] : memref<400x128xf32, #tpu.memory_space<vmem>>, vector<400x128xf32>
    %add3A_22 = arith.addf %add3A_18, %get3A_21 : vector<400x128xf32>
    %mul3A = vector.broadcast %rsqrt3A : vector<400x1xf32> to vector<400x128xf32>
    %mul3A_23 = arith.mulf %mul3A, %add3A_22 : vector<400x128xf32>
    %get3A_24 = arith.constant 0 : index
    %get3A_25 = arith.constant 0 : index
    %get3A_26 = vector.load %arg6[%get3A_24, %get3A_25] : memref<128x256xf32, #tpu.memory_space<vmem>>, vector<128x256xf32>
    %dot_general3A = arith.constant dense<0.000000e+00> : vector<400x256xf32>
    %dot_general3A_27 = tpu.matmul %mul3A_23, %get3A_26, %dot_general3A {dimension_numbers = #tpu.dot_dimension_numbers<[1], [0], [0], [1], [0, 0, 1, 1], [], []>, transpose_lhs_hint = false} : vector<400x128xf32>, vector<128x256xf32>, vector<400x256xf32> -> vector<400x256xf32>
    %get3A_28 = arith.constant 0 : index
    %get3A_29 = arith.constant 0 : index
    %get3A_30 = vector.load %arg7[%get3A_28, %get3A_29] : memref<1x256xf32, #tpu.memory_space<vmem>>, vector<1x256xf32>
    %add3A_31 = vector.broadcast %get3A_30 : vector<1x256xf32> to vector<400x256xf32>
    %add3A_32 = arith.addf %dot_general3A_27, %add3A_31 : vector<400x256xf32>
    %max3A = arith.constant 0.000000e+00 : f32
    %max3A_33 = vector.broadcast %max3A : f32 to vector<400x256xf32>
    %max3A_34 = arith.maximumf %add3A_32, %max3A_33 : vector<400x256xf32>
    %get3A_35 = arith.constant 0 : index
    %get3A_36 = arith.constant 0 : index
    %get3A_37 = vector.load %arg8[%get3A_35, %get3A_36] : memref<256x128xf32, #tpu.memory_space<vmem>>, vector<256x128xf32>
    %dot_general3A_38 = arith.constant dense<0.000000e+00> : vector<400x128xf32>
    %dot_general3A_39 = tpu.matmul %max3A_34, %get3A_37, %dot_general3A_38 {dimension_numbers = #tpu.dot_dimension_numbers<[1], [0], [0], [1], [0, 0, 1, 1], [], []>, transpose_lhs_hint = false} : vector<400x256xf32>, vector<256x128xf32>, vector<400x128xf32> -> vector<400x128xf32>
    %mul3A_40 = vector.broadcast %rsqrt3A : vector<400x1xf32> to vector<400x128xf32>
    %mul3A_41 = arith.mulf %mul3A_40, %dot_general3A_39 : vector<400x128xf32>
    %swap3A = arith.constant 0 : index
    %swap3A_42 = arith.constant 0 : index
    %swap3A_43 = vector.load %arg9[%swap3A, %swap3A_42] : memref<400x128xf32, #tpu.memory_space<vmem>>, vector<400x128xf32>
    tpu.vector_store %arg9[%swap3A, %swap3A_42], %mul3A_41 {strides = array<i32>} : memref<400x128xf32, #tpu.memory_space<vmem>>, vector<400x128xf32>,
    return
  }
  func.func @transform_0(%arg0: i32) -> (i32, i32) {
    %c0_i32 = arith.constant 0 : i32
    %c0_i32_0 = arith.constant 0 : i32
    return %arg0, %c0_i32 : i32, i32
  }
  func.func @transform_1(%arg0: i32) -> (i32, i32) {
    %c0_i32 = arith.constant 0 : i32
    %c0_i32_0 = arith.constant 0 : i32
    return %arg0, %c0_i32 : i32, i32
  }
  func.func @transform_2(%arg0: i32) -> (i32, i32, i32) {
    %c0_i32 = arith.constant 0 : i32
    %c0_i32_0 = arith.constant 0 : i32
    %c0_i32_1 = arith.constant 0 : i32
    return %c0_i32, %arg0, %c0_i32_0 : i32, i32, i32
  }
  func.func @transform_3(%arg0: i32) -> (i32, i32, i32) {
    %c1_i32 = arith.constant 1 : i32
    %c0_i32 = arith.constant 0 : i32
    %c0_i32_0 = arith.constant 0 : i32
    return %c1_i32, %arg0, %c0_i32 : i32, i32, i32
  }
  func.func @transform_4(%arg0: i32) -> (i32, i32) {
    %c0_i32 = arith.constant 0 : i32
    %c0_i32_0 = arith.constant 0 : i32
    return %arg0, %c0_i32 : i32, i32
  }
  func.func @transform_5(%arg0: i32) -> (i32, i32) {
    %c0_i32 = arith.constant 0 : i32
    %c0_i32_0 = arith.constant 0 : i32
    %c0_i32_1 = arith.constant 0 : i32
    return %c0_i32, %c0_i32_0 : i32, i32
  }
  func.func @transform_6(%arg0: i32) -> (i32, i32) {
    %c0_i32 = arith.constant 0 : i32
    %c0_i32_0 = arith.constant 0 : i32
    %c0_i32_1 = arith.constant 0 : i32
    return %c0_i32, %c0_i32_0 : i32, i32
  }
  func.func @transform_7(%arg0: i32) -> (i32, i32) {
    %c0_i32 = arith.constant 0 : i32
    %c0_i32_0 = arith.constant 0 : i32
    %c0_i32_1 = arith.constant 0 : i32
    return %c0_i32, %c0_i32_0 : i32, i32
  }
  func.func @transform_8(%arg0: i32) -> (i32, i32) {
    %c0_i32 = arith.constant 0 : i32
    %c0_i32_0 = arith.constant 0 : i32
    return %arg0, %c0_i32 : i32, i32
  }
}

module attributes {stable_mosaic.version = 14 : i64} {
  func.func @body(%arg0: i32, %arg1: memref<400x1xf32, #tpu.memory_space<vmem>>, %arg2: memref<400x1xf32, #tpu.memory_space<vmem>>, %arg3: memref<1x400x128xf32, #tpu.memory_space<vmem>>, %arg4: memref<1x400x128xf32, #tpu.memory_space<vmem>>, %arg5: memref<400x128xf32, #tpu.memory_space<vmem>>, %arg6: memref<1x128xf32, #tpu.memory_space<vmem>>, %arg7: memref<400x128xf32, #tpu.memory_space<vmem>>) attributes {dimension_semantics = [#tpu.dimension_semantics<arbitrary>], iteration_bounds = array<i64: 25>, scalar_prefetch = 0 : i64, scratch_operands = 0 : i64, tpu.core_type = #tpu.core_type<tc>, window_params = [{transform_indices = @transform_0, window_bounds = array<i64: 400, 1>}, {transform_indices = @transform_1, window_bounds = array<i64: 400, 1>}, {transform_indices = @transform_2, window_bounds = array<i64: 1, 400, 128>}, {transform_indices = @transform_3, window_bounds = array<i64: 1, 400, 128>}, {transform_indices = @transform_4, window_bounds = array<i64: 400, 128>}, {pipeline_mode = #tpu.pipeline_mode<synchronous>, transform_indices = @transform_5, window_bounds = array<i64: 1, 128>}, {transform_indices = @transform_6, window_bounds = array<i64: 400, 128>}]} {
    %get3A = arith.constant 0 : index
    %get3A_0 = arith.constant 0 : index
    %get3A_1 = vector.load %arg1[%get3A, %get3A_0] : memref<400x1xf32, #tpu.memory_space<vmem>>, vector<400x1xf32>
    %get3A_2 = arith.constant 0 : index
    %get3A_3 = arith.constant 0 : index
    %get3A_4 = vector.load %arg2[%get3A_2, %get3A_3] : memref<400x1xf32, #tpu.memory_space<vmem>>, vector<400x1xf32>
    %add3A = arith.addf %get3A_1, %get3A_4 : vector<400x1xf32>
    %add3A_5 = arith.constant 1.000000e+00 : f32
    %add3A_6 = vector.broadcast %add3A_5 : f32 to vector<400x1xf32>
    %add3A_7 = arith.addf %add3A, %add3A_6 : vector<400x1xf32>
    %rsqrt3A = math.rsqrt %add3A_7 : vector<400x1xf32>
    %get3A_8 = arith.constant 0 : index
    %get3A_9 = arith.constant 0 : index
    %get3A_10 = arith.constant 0 : index
    %get3A_11 = vector.load %arg3[%get3A_8, %get3A_9, %get3A_10] : memref<1x400x128xf32, #tpu.memory_space<vmem>>, vector<1x400x128xf32>
    %get3A_12 = vector.shape_cast %get3A_11 : vector<1x400x128xf32> to vector<400x128xf32>
    %get3A_13 = arith.constant 0 : index
    %get3A_14 = arith.constant 0 : index
    %get3A_15 = arith.constant 0 : index
    %get3A_16 = vector.load %arg4[%get3A_13, %get3A_14, %get3A_15] : memref<1x400x128xf32, #tpu.memory_space<vmem>>, vector<1x400x128xf32>
    %get3A_17 = vector.shape_cast %get3A_16 : vector<1x400x128xf32> to vector<400x128xf32>
    %add3A_18 = arith.addf %get3A_12, %get3A_17 : vector<400x128xf32>
    %get3A_19 = arith.constant 0 : index
    %get3A_20 = arith.constant 0 : index
    %get3A_21 = vector.load %arg5[%get3A_19, %get3A_20] : memref<400x128xf32, #tpu.memory_space<vmem>>, vector<400x128xf32>
    %add3A_22 = arith.addf %add3A_18, %get3A_21 : vector<400x128xf32>
    %mul3A = vector.broadcast %rsqrt3A : vector<400x1xf32> to vector<400x128xf32>
    %mul3A_23 = arith.mulf %mul3A, %add3A_22 : vector<400x128xf32>
    %get3A_24 = arith.constant 0 : index
    %get3A_25 = arith.constant 0 : index
    %get3A_26 = vector.load %arg6[%get3A_24, %get3A_25] : memref<1x128xf32, #tpu.memory_space<vmem>>, vector<1x128xf32>
    %add3A_27 = vector.broadcast %get3A_26 : vector<1x128xf32> to vector<400x128xf32>
    %add3A_28 = arith.addf %mul3A_23, %add3A_27 : vector<400x128xf32>
    %max3A = arith.constant 0.000000e+00 : f32
    %max3A_29 = vector.broadcast %max3A : f32 to vector<400x128xf32>
    %max3A_30 = arith.maximumf %add3A_28, %max3A_29 : vector<400x128xf32>
    %swap3A = arith.constant 0 : index
    %swap3A_31 = arith.constant 0 : index
    %swap3A_32 = vector.load %arg7[%swap3A, %swap3A_31] : memref<400x128xf32, #tpu.memory_space<vmem>>, vector<400x128xf32>
    tpu.vector_store %arg7[%swap3A, %swap3A_31], %max3A_30 {strides = array<i32>} : memref<400x128xf32, #tpu.memory_space<vmem>>, vector<400x128xf32>,
    return
  }
  func.func @transform_0(%arg0: i32) -> (i32, i32) {
    %c0_i32 = arith.constant 0 : i32
    %c0_i32_0 = arith.constant 0 : i32
    return %arg0, %c0_i32 : i32, i32
  }
  func.func @transform_1(%arg0: i32) -> (i32, i32) {
    %c0_i32 = arith.constant 0 : i32
    %c0_i32_0 = arith.constant 0 : i32
    return %arg0, %c0_i32 : i32, i32
  }
  func.func @transform_2(%arg0: i32) -> (i32, i32, i32) {
    %c0_i32 = arith.constant 0 : i32
    %c0_i32_0 = arith.constant 0 : i32
    %c0_i32_1 = arith.constant 0 : i32
    return %c0_i32, %arg0, %c0_i32_0 : i32, i32, i32
  }
  func.func @transform_3(%arg0: i32) -> (i32, i32, i32) {
    %c1_i32 = arith.constant 1 : i32
    %c0_i32 = arith.constant 0 : i32
    %c0_i32_0 = arith.constant 0 : i32
    return %c1_i32, %arg0, %c0_i32 : i32, i32, i32
  }
  func.func @transform_4(%arg0: i32) -> (i32, i32) {
    %c0_i32 = arith.constant 0 : i32
    %c0_i32_0 = arith.constant 0 : i32
    return %arg0, %c0_i32 : i32, i32
  }
  func.func @transform_5(%arg0: i32) -> (i32, i32) {
    %c0_i32 = arith.constant 0 : i32
    %c0_i32_0 = arith.constant 0 : i32
    %c0_i32_1 = arith.constant 0 : i32
    return %c0_i32, %c0_i32_0 : i32, i32
  }
  func.func @transform_6(%arg0: i32) -> (i32, i32) {
    %c0_i32 = arith.constant 0 : i32
    %c0_i32_0 = arith.constant 0 : i32
    return %arg0, %c0_i32 : i32, i32
  }
}

</mosaic_0001>

<sc_bundles>
// kernel: kernel.11.cloned.1.call-start
scs
__scs_entry_jumppad:
0x0: {  	(pc) =	sbr.rel $0x88, $3  }
0x1: {  	(tag) =	ssettag $0x0;
	lr =	simm.s32 $0x1  }
0x2: {  	[smem:$0x3F9B] =	sst lr;
	_ =	strace $0xD0000000  }
0x3: {  	_ = 	snop  }
0x4: {  	_ = 	snop  }
0x5: {  	_ = 	snop  }
0x6: {  	_ = 	snop  }
0x7: {  	_ = 	snop  }
__scs_overlays_trampoline_lowered:
0x8: {  	[smem:$0x3FAA] =	sst s0  }
0x9: {  	[smem:$0x3FAB] =	sst s1  }
0xa: {  	[smem:$0x3FAC] =	sst s2  }
0xb: {  	[smem:$0x3FAD] =	sst s3  }
0xc: {  	[smem:$0x3FAE] =	sst s4  }
0xd: {  	[smem:$0x3FAF] =	sst s5  }
0xe: {  	[smem:$0x3FB0] =	sst s6  }
0xf: {  	[smem:$0x3FB1] =	sst s7  }
0x10: {  	[smem:$0x3FB2] =	sst s8  }
0x11: {  	[smem:$0x3FB3] =	sst s9;
	s0 =	simm.s32 @!p0 $0x0  }
0x12: {  	s1 =	sld [smem:$0x3F99];
	s0 =	simm.s32 @p0 $0x1  }
0x13: {  	[smem:$0x3FB4] =	sst s0;
	s0 =	simm.s32 @!p1 $0x0  }
0x14: {  	s2 =	sld [smem:$0x3F98];
	s0 =	simm.s32 @p1 $0x1  }
0x15: {  	[smem:$0x3FB5] =	sst s0;
	s0 =	simm.s32 @!p2 $0x0  }
0x16: {  	s3 =	sld [smem:$0x3FDB];
	s0 =	simm.s32 @p2 $0x1  }
0x17: {  	s4 =	simm.s32 $0x1BF5;
	[smem:$0x3FB7] =	sst s0  }
0x18: {  	s0 =	sld [smem:$0x3F9A];
	_ =	swait.ge [sflag:s4], $0x0  }
0x19: {  	s7 =	sld [smem:$0x3F9B]  }
0x1a: {  	s8 =	sadd.s32 $0xFFFFE003, lr  }
0x1b: {  	s9 =	sadd.s32 $0xFFFFFEF7, lr;
	s5 =	simm.s32 $0xFFFFFFFF;
	p2 =	slt.u32 s8, $0xFFFFF086  }
0x1c: {  	p1 =	slt.u32 s9, $0xF7A;
	s5 =	simm.s32 @!p2 $0x0  }
0x1d: {  	s5 =	simm.s32 @p1 $0x1;
	p0 =	seq.s32 s7, s2  }
0x1e: {  	s7 =	smul.u32 @!p0 $0xF7A, s2;
	p2 =	seq.s32 @!p0 s5, $0x0  }
0x1f: {  	s9 =	smul.u32 $0xF7A, s1;
	s8 =	simm.s32 @!p0 $0x1BF5;
	p2 =	por !p2, p0  }
0x20: {  	[sflag:s8] =	ssyncset.s32 @!p0 $0xFFFFF086;
	s6 =	sadd.s32 @!p0 s3, s7;
	s7 =	simm.s32 @!p0 $0x108  }
0x21: {  	s3 =	sadd.s32 s3, s9;
	s6 =	sadd.s32 @!p0 $0x88, s6;
	s7 =	simm.s32 @p2 $0x1082  }
0x22: {  	[simem:s7], [sflag:s8] =	dma.local @!p0 [hbm:s6], $0xF7A  }
0x23: {  	s9 =	sor.u32 $0xD0000000, s2;
	s6 =	simm.s32 $0x108;
	_ =	swait.ge @!p0 [sflag:s8], $0x0  }
0x24: {  	s3 =	sadd.s32 $0x88, s3;
	s6 =	simm.s32 @!p1 $0x1082;
	[sflag:s4] =	ssyncset.s32 $0xFFFFF086  }
0x25: {  	[simem:s6], [sflag:s4] =	dma.local [hbm:s3], $0xF7A  }
0x26: {  	[smem:$0x3F9B] =	sst s1;
	(tag) =	ssettag s2;
	_ =	strace s9  }
0x27: {  	s1 =	sld [smem:$0x3FAB]  }
0x28: {  	s2 =	sld [smem:$0x3FAC]  }
0x29: {  	s4 =	sld [smem:$0x3FAE]  }
0x2a: {  	p0 =	seq.s32 s5, $0x0;
	s5 =	sld [smem:$0x3FAF]  }
0x2b: {  	s6 =	sld [smem:$0x3FB0]  }
0x2c: {  	s7 =	sld [smem:$0x3FB1]  }
0x2d: {  	s3 =	simm.s32 $0x108;
	s8 =	sld [smem:$0x3FB2]  }
0x2e: {  	s3 =	simm.s32 @!p0 $0x1082;
	s9 =	sld [smem:$0x3FB3]  }
0x2f: {  	lr =	sadd.s32 s0, s3;
	s0 =	sld [smem:$0x3FAA]  }
0x30: {  	s3 =	sld [smem:$0x3FAD]  }
0x31: {  	[smem:$0x3FB6] =	sst s10  }
0x32: {  	s10 =	sld [smem:$0x3FB4];
	_ =	sdelay $0x3  }
0x33: {  	p0 =	seq.s32 s10, $0x1;
	s10 =	sld [smem:$0x3FB6];
	_ =	sdelay $0x3  }
0x34: {  	[smem:$0x3FB6] =	sst s10  }
0x35: {  	s10 =	sld [smem:$0x3FB5];
	_ =	sdelay $0x3  }
0x36: {  	p1 =	seq.s32 s10, $0x1;
	s10 =	sld [smem:$0x3FB6];
	_ =	sdelay $0x3  }
0x37: {  	[smem:$0x3FB6] =	sst s10  }
0x38: {  	s10 =	sld [smem:$0x3FB7]  }
0x39: {  	_ = 	snop;
	(pc) =	sbr.ind lr, $3  }
0x3a: {  	_ = 	snop  }
0x3b: {  	_ = 	snop  }
0x3c: {  	p2 =	seq.s32 s10, $0x1;
	s10 =	sld [smem:$0x3FB6]  }
0x3d: {  	_ =	shalt  }
0x3e: {  	_ =	shalt  }
0x3f: {  	_ =	shalt  }
0x40: {  	_ =	shalt  }
0x41: {  	_ =	shalt  }
0x42: {  	_ =	shalt  }
0x43: {  	_ =	shalt  }
0x44: {  	_ =	shalt  }
0x45: {  	_ =	shalt  }
0x46: {  	_ =	shalt  }
0x47: {  	_ =	shalt  }
0x48: {  	_ =	shalt  }
0x49: {  	_ =	shalt  }
0x4a: {  	_ =	shalt  }
0x4b: {  	_ =	shalt  }
0x4c: {  	_ =	shalt  }
0x4d: {  	_ =	shalt  }
0x4e: {  	_ =	shalt  }
0x4f: {  	_ =	shalt  }
0x50: {  	_ =	shalt  }
0x51: {  	_ =	shalt  }
0x52: {  	_ =	shalt  }
0x53: {  	_ =	shalt  }
0x54: {  	_ =	shalt  }
0x55: {  	_ =	shalt  }
0x56: {  	_ =	shalt  }
0x57: {  	_ =	shalt  }
0x58: {  	_ =	shalt  }
0x59: {  	_ =	shalt  }
0x5a: {  	_ =	shalt  }
0x5b: {  	_ =	shalt  }
0x5c: {  	_ =	shalt  }
0x5d: {  	_ =	shalt  }
0x5e: {  	_ =	shalt  }
0x5f: {  	_ =	shalt  }
0x60: {  	_ =	shalt  }
0x61: {  	_ =	shalt  }
0x62: {  	_ =	shalt  }
0x63: {  	_ =	shalt  }
0x64: {  	_ =	shalt  }
0x65: {  	_ =	shalt  }
0x66: {  	_ =	shalt  }
0x67: {  	_ =	shalt  }
0x68: {  	_ =	shalt  }
0x69: {  	_ =	shalt  }
0x6a: {  	_ =	shalt  }
0x6b: {  	_ =	shalt  }
0x6c: {  	_ =	shalt  }
0x6d: {  	_ =	shalt  }
0x6e: {  	_ =	shalt  }
0x6f: {  	_ =	shalt  }
0x70: {  	_ =	shalt  }
0x71: {  	_ =	shalt  }
0x72: {  	_ =	shalt  }
0x73: {  	_ =	shalt  }
0x74: {  	_ =	shalt  }
0x75: {  	_ =	shalt  }
0x76: {  	_ =	shalt  }
0x77: {  	_ =	shalt  }
0x78: {  	_ =	shalt  }
0x79: {  	_ =	shalt  }
0x7a: {  	_ =	shalt  }
0x7b: {  	_ =	shalt  }
0x7c: {  	_ =	shalt  }
0x7d: {  	_ =	shalt  }
0x7e: {  	_ =	shalt  }
0x7f: {  	_ =	shalt  }
0x80: {  	_ =	shalt  }
0x81: {  	_ =	shalt  }
0x82: {  	_ =	shalt  }
0x83: {  	_ =	shalt  }
0x84: {  	_ =	shalt  }
0x85: {  	_ =	shalt  }
0x86: {  	_ =	shalt  }
0x87: {  	_ =	shalt  }
.Lfunc_end0:
.L_simem_size_0:
called_computation.1_lowered:
.L_overlay_start_0:
0x88: {  	s2 =	sld [smem:$0x3FD9]  }
0x89: {  	s3 =	sld [smem:$0x3FFE];
	_ =	sdelay $0x1  }
0x8a: {  	s1 =	srdreg.scid  }
0x8b: {  	s0 =	sand.u32 $0x1, s1  }
0x8c: {  	s17 =	sshll.u32 s0, $0xA;
	s2 =	sadd.s32 s3, s2  }
0x8d: {  	s2 =	sadd.s32 s2, s17  }
0x8e: {  	[smem:$0x3FC2] =	sst s2  }
0x8f: {  	_ = 	snop  }
0x90: {  	s2 =	sld [smem:$0x3FD0];
	(tm) =	ssettm $0x1  }
0x91: {  	s18 =	sld [smem:$0x3FFB];
	_ =	sdelay $0x3  }
0x92: {  	_ =	strace s18  }
0x93: {  	s3 =	sld [smem:$0x3FFC];
	_ =	sdelay $0x3  }
0x94: {  	_ =	strace s3  }
0x95: {  	s3 =	sld [smem:$0x3FFD];
	_ =	sdelay $0x3  }
0x96: {  	_ =	strace s3  }
0x97: {  	_ =	strace $0x8FFFFFFF  }
0x98: {  	s19 =	sld [smem:$0x3FDB];
	_ =	sdelay $0x1  }
0x99: {  	s4 =	simm.s32 $_scs_section_size  }
0x9a: {  	s5 =	simm.s32 $_size__tile_overlayer_lowered;
	s6 =	simm.s32 $_tile_overlayer_lowered  }
0x9b: {  	s22 =	simm.s32 $0x1BFF;
	s21 =	sshll.u32 s6, $0x1;
	s3 =	sadd.s32 s4, s19  }
0x9c: {  	s7 =	simm.s32 $0x0;
	s20 =	sshll.u32 s5, $0x1;
	s5 =	sadd.s32 s21, s3  }
0x9d: {  	[timem:s7], [sflag:s22] =	dma.local [hbm:s5], s20  }
0x9e: {  	_ =	swait.ge [sflag:s22], s20  }
0x9f: {  	s4 =	ssub.s32 $0x0, s20;
	[sflag:s22] =	ssyncset.done $0x0  }
0xa0: {  	[sflag:s22] =	ssyncadd.s32 s4;
	_ =	sdelay $0x1  }
0xa1: {  	s23 =	simm.s32 $0x1B8B  }
0xa2: {  	_ =	swait.ge [sflag:s23], $0x1  }
0xa3: {  	[sflag:s23] =	ssyncset.done $0x0  }
0xa4: {  	s25 =	simm.s32 $0x1B8E;
	s24 =	sld [smem:$0x3FFE];
	[sflag:s23] =	ssyncadd.s32 $0xFFFFFFFF  }
0xa5: {  	s26 =	simm.s32 $execute0_lowered;
	[smem:$0x3FD2] =	sst s25  }
0xa6: {  	s5 =	sshll.u32 s26, $0x1;
	_ =	strace $0x80000049;
	[dreg:$0x1] =	wrdreg $0xFFFFFFFF  }
0xa7: {  	s28 =	simm.s32 $_size_execute0_lowered;
	s3 =	sadd.s32 s3, s5;
	[dreg:$0x0] =	wrdreg $0x0  }
0xa8: {  	s5 =	sshll.u32 s28, $0x1;
	[dreg:$0x2] =	wrdreg s3  }
0xa9: {  	[dreg:$0x3] =	wrdreg s5  }
0xaa: {  	[dreg:$0x4] =	wrdreg $0xC0  }
0xab: {  	_ =	task [dreg:s7], $0x5FFFF  }
0xac: {  	[dreg:$0x1] =	wrdreg $0xFFFFFFFF  }
0xad: {  	[dreg:$0x0] =	wrdreg $0x60  }
0xae: {  	[dreg:$0x2] =	wrdreg s2  }
0xaf: {  	[dreg:$0x3] =	wrdreg s24  }
0xb0: {  	[dreg:$0x4] =	wrdreg $0xB0000  }
0xb1: {  	[dreg:$0x5] =	wrdreg $0x9  }
0xb2: {  	_ =	task.clear_ibuf [dreg:s7], $0x6FFFF;
	_ =	strace $0x90000049  }
0xb3: {  	s29 =	simm.s32 $0x9;
	_ =	strace $0x8000004B  }
0xb4: {  	_ =	swait.ge [sflag:s29], $0x1  }
0xb5: {  	[sflag:s29] =	ssyncadd.s32 $0xFFFFFFFF  }
0xb6: {  	_ =	strace $0x9000004B  }
0xb7: {  	_ =	sfence  }
0xb8: {  	s30 =	sld [smem:$0x0];
	_ =	sdelay $0x2  }
0xb9: {  	s31 =	sshll.u32 s1, $0xD;
	s1 =	sshrl.u32 s1, $0x2  }
0xba: {  	s3 =	sand.u32 $0x4000, s31;
	s1 =	sadd.s32 s1, s30  }
0xbb: {  	s0 =	sor.u32 s3, s0;
	s1 =	sshll.u32 s1, $0x11  }
0xbc: {  	s0 =	sor.u32 s1, s0  }
0xbd: {  	s0 =	sadd.s32 $0x8F2B, s0  }
0xbe: {  	[sflag:s0] =	ssyncadd.remote.s32 $0x1  }
0xbf: {  	_ =	sfence.sel $0xFFFF  }
0xc0: {  	[dreg:$0x0] =	wrdreg $0xFFFFFFFF;
	(pc) =	sbr.abs _section_cstart, $3  }
0xc1: {  	[dreg:$0x1] =	wrdreg $0xFFFFFFFF  }
0xc2: {  	_ =	task.clear_ibuf [dreg:s7], $0x2FFFF;
	_ =	strace $0x9FFFFFFF  }
0xc3: {  	(tm) =	ssettm $0x7FFFFFFF  }
tec
execute0_lowered:
.L_overlay_start_1:
0x0: {  	(tag) =	ssettag $0x1  }
0x1: {  	s1 =	rddreg [dreg:$0x0]  }
0x2: {  	s0 =	rddreg [dreg:$0x1]  }
0x3: {  	s2 =	rddreg [dreg:$0x2]  }
0x4: {  	s4 =	simm.s32 $0x0;
	s3 =	srdreg.scid;
	s11 =	stileid.u32  }
0x5: {  	s28 =	simm.s32 $0x1;
	s29 =	simm.s32 $0x2;
	s30 =	simm.s32 $0x80  }
0x6: {  	s31 =	simm.s32 $0x7000;
	[smem:$0x7FF] =	sst s4;
	s6 =	sadd.s32 $0xC800, s0  }
0x7: {  	s3 =	sand.u32 $0x1, s3;
	s5 =	smul.u32 $0x50000, s11;
	s7 =	sadd.s32 $0x2600, s0  }
0x8: {  	s10 =	sshll.u32 s11, $0x1;
	s11 =	smul.u32 $0x14000, s11;
	s0 =	sadd.s32 $0x16A00, s0  }
0x9: {  	_ =	strace $0x8000004A;
	s8 =	ssub.s32 $0x2, s3;
	s12 =	smul.u32 $0x140000, s3  }
0xa: {  	s3 =	sor.u32 s3, s10;
	s9 =	sshrl.u32 s8, $0x1;
	s5 =	sshrl.u32 s5, $0x2  }
0xb: {  	s18 =	sadd.s32 $0x4000, s11;
	s20 =	sadd.s32 $0x8000, s11;
	s23 =	sadd.s32 $0xC000, s11  }
0xc: {  	s15 =	sadd.s32 $0x10000, s11;
	s26 =	smul.u32 $0x500, s3;
	s8 =	ssub.s32 s8, s9  }
0xd: {  	s17 =	sadd.s32 s11, s12;
	s5 =	sadd.s32 s5, s2;
	s13 =	sadd.s32 s12, s18  }
0xe: {  	s10 =	sadd.s32 s18, s2;
	s21 =	sadd.s32 s12, s20;
	s22 =	sadd.s32 s20, s2  }
0xf: {  	s14 =	sadd.s32 s12, s23;
	s11 =	sadd.s32 s23, s2;
	s25 =	sadd.s32 s12, s15  }
0x10: {  	s9 =	sshrl.u32 s17, $0x3;
	s19 =	sshrl.u32 s13, $0x3;
	[dreg:$0x5] =	wrdreg s10  }
0x11: {  	[dreg:$0x7] =	wrdreg s22;
	s10 =	sshrl.u32 s21, $0x3;
	s24 =	sshrl.u32 s14, $0x3  }
0x12: {  	s13 =	sadd.s32 s15, s2;
	s14 =	sshrl.u32 s25, $0x3;
	s15 =	smax.u32 s8, $0x1  }
0x13: {  	s16 =	sadd.s32 $0x4000, s5;
	s17 =	sadd.s32 $0x8000, s5;
	s18 =	sadd.s32 $0xC000, s5  }
0x14: {  	s20 =	sadd.s32 s6, s26;
	s3 =	sadd.s32 $0x280, s26;
	s21 =	sadd.s32 s7, s26  }
0x15: {  	s25 =	simm.s32 $0x3;
	s26 =	simm.s32 $0x1800;
	s9 =	sadd.s32 s0, s9  }
0x16: {  	s10 =	sadd.s32 s0, s10;
	s12 =	sadd.s32 s0, s24;
	s14 =	sadd.s32 s0, s14  }
0x17: {  	s22 =	sadd.s32 s6, s3;
	s23 =	sadd.s32 s7, s3;
	s24 =	simm.s32 $0x3000  }
0x18: {  	s3 =	simm.s32 $0x0;
	[dreg:$0x4] =	wrdreg s9;
	s9 =	sadd.s32 s0, s19  }
0x19: {  	v0 =	vimm.f32 $0.0e+00;
	s19 =	sadd.s32 $0x10000, s5;
	s0 =	simm.s32 $0x4;
	[dreg:$0x6] =	wrdreg s9  }
.LBB2_1:
0x1a: {  	s6 =	simm.s32 $0x0;
	s7 =	simm.s32 $0x200  }
.LBB2_2:
0x1b: {  	p0 =	sne.s32 s7, $0xFE00;
	[tilespmem:s6+$0x3070] =	vst v0  }
0x1c: {  	[tilespmem:s6+$0x3000] =	vst v0  }
0x1d: {  	[tilespmem:s6+$0x3010] =	vst v0  }
.Ltmp0:
0x1e: {  	[tilespmem:s6+$0x3020] =	vst v0;
	(pc) =	sbr.rel @p0 .LBB2_2-.Ltmp0, $4  }
0x1f: {  	[tilespmem:s6+$0x3030] =	vst v0  }
0x20: {  	[tilespmem:s6+$0x3040] =	vst v0  }
0x21: {  	[tilespmem:s6+$0x3050] =	vst v0  }
0x22: {  	[tilespmem:s6+$0x3060] =	vst v0;
	s6 =	sshra.s32 s7, $0x2;
	s7 =	sadd.s32 $0x200, s7  }
0x23: {  	[tilespmem:s6+$0x3070] =	vst v0  }
0x24: {  	[tilespmem:s6+$0x3000] =	vst v0  }
0x25: {  	[tilespmem:s6+$0x3010] =	vst v0  }
0x26: {  	[tilespmem:s6+$0x3020] =	vst v0  }
0x27: {  	[tilespmem:s6+$0x3030] =	vst v0  }
0x28: {  	[tilespmem:s6+$0x3040] =	vst v0  }
0x29: {  	[tilespmem:s6+$0x3050] =	vst v0  }
0x2a: {  	[tilespmem:s6+$0x3060] =	vst v0  }
0x2b: {  	[spmem:s5] =	stream.linear.scatter [tilespmem:s24], [sflag:$0x3], $0x4000, $0x38;
	[tilespmem:$0x1F000] =	vst v63  }
0x2c: {  	_ = 	snop  }
0x2d: {  	[spmem:s16] =	stream.linear.scatter [tilespmem:s24], [sflag:$0x3], $0x4000, $0x38;
	[tilespmem:$0x1F000] =	vst v63  }
0x2e: {  	_ = 	snop  }
0x2f: {  	[spmem:s17] =	stream.linear.scatter [tilespmem:s24], [sflag:$0x3], $0x4000, $0x38;
	[tilespmem:$0x1F000] =	vst v63  }
0x30: {  	_ = 	snop  }
0x31: {  	[spmem:s18] =	stream.linear.scatter [tilespmem:s24], [sflag:$0x3], $0x4000, $0x38;
	[tilespmem:$0x1F000] =	vst v63  }
0x32: {  	_ = 	snop  }
0x33: {  	[spmem:s19] =	stream.linear.scatter [tilespmem:s24], [sflag:$0x3], $0x4000, $0x38;
	[tilespmem:$0x1F000] =	vst v63  }
0x34: {  	_ =	swait.ge [sflag:s25], $0x4000  }
0x35: {  	[sflag:s25] =	ssyncset.done $0x0  }
0x36: {  	[sflag:s25] =	ssyncadd.s32 $0xFFFFC000  }
0x37: {  	_ =	swait.ge [sflag:s25], $0x4000  }
0x38: {  	[sflag:s25] =	ssyncset.done $0x0  }
0x39: {  	[sflag:s25] =	ssyncadd.s32 $0xFFFFC000  }
0x3a: {  	_ =	swait.ge [sflag:s25], $0x4000  }
0x3b: {  	[sflag:s25] =	ssyncset.done $0x0  }
0x3c: {  	[sflag:s25] =	ssyncadd.s32 $0xFFFFC000  }
0x3d: {  	_ =	swait.ge [sflag:s25], $0x4000  }
0x3e: {  	[sflag:s25] =	ssyncset.done $0x0  }
0x3f: {  	[sflag:s25] =	ssyncadd.s32 $0xFFFFC000  }
0x40: {  	_ =	swait.ge [sflag:s25], $0x4000  }
0x41: {  	[sflag:s25] =	ssyncset.done $0x0  }
0x42: {  	[sflag:s25] =	ssyncadd.s32 $0xFFFFC000  }
0x43: {  	s8 =	simm.s32 $0x0;
	[bflag:$0x0] =	sbarrier.arrive $0xFFFF  }
0x44: {  	[tilespmem:s8], [sflag:$0x1] =	stream.linear.gather [hbm4b:s20+s8], $0x1800, $0x38;
	[tilespmem:$0x1F000] =	vst v63  }
0x45: {  	_ = 	snop  }
0x46: {  	[tilespmem:s26], [sflag:$0x2] =	stream.linear.gather [hbm4b:s21+s8], $0x1800, $0x38;
	[tilespmem:$0x1F000] =	vst v63  }
0x47: {  	_ =	swait.ge [sflag:s28], $0x1800  }
0x48: {  	[sflag:s28] =	ssyncset.done $0x0  }
0x49: {  	[sflag:s28] =	ssyncadd.s32 $0xFFFFE800  }
0x4a: {  	_ =	swait.ge [sflag:s29], $0x1800  }
0x4b: {  	[sflag:s29] =	ssyncset.done $0x0  }
0x4c: {  	[sflag:s29] =	ssyncadd.s32 $0xFFFFE800  }
0x4d: {  	[tilespmem:s24], [sflag:$0x1] =	stream.indirect.gather [hbm4b:s1+s30], $0x80, s8, s30, $0xb8;
	[tilespmem:$0x1F000] =	vst v63  }
0x4e: {  	_ = 	snop  }
0x4f: {  	[tilespmem:s31], [sflag:$0x2] =	stream.indirect.gather [hbm4b:s1+s30], $0x80, s30, s30, $0xb8;
	[tilespmem:$0x1F000] =	vst v63  }
0x50: {  	_ =	swait.ge [sflag:s28], $0x4000  }
0x51: {  	[sflag:s28] =	ssyncset.done $0x0  }
0x52: {  	s9 =	simm.s32 $0x1800;
	[sflag:s28] =	ssyncadd.s32 $0xFFFFC000  }
0x53: {  	[spmem:s2] =	stream.indirect.scatter.add.f32 [tilespmem:s24], [sflag:$0x3], $0x80, s9, s30, $0xb8;
	[tilespmem:$0x1F000] =	vst v63  }
0x54: {  	_ =	swait.ge [sflag:s29], $0x4000  }
0x55: {  	[sflag:s29] =	ssyncset.done $0x0  }
0x56: {  	s7 =	simm.s32 $0x1880;
	[sflag:s29] =	ssyncadd.s32 $0xFFFFC000  }
0x57: {  	[spmem:s2] =	stream.indirect.scatter.add.f32 [tilespmem:s31], [sflag:$0x4], $0x80, s7, s30, $0xb8;
	[tilespmem:$0x1F000] =	vst v63  }
0x58: {  	_ =	swait.ge [sflag:s25], $0x4000  }
0x59: {  	[sflag:s25] =	ssyncset.done $0x0  }
0x5a: {  	s8 =	simm.s32 $0x100;
	[sflag:s25] =	ssyncadd.s32 $0xFFFFC000  }
0x5b: {  	[tilespmem:s24], [sflag:$0x1] =	stream.indirect.gather [hbm4b:s1+s30], $0x80, s8, s30, $0xb8;
	[tilespmem:$0x1F000] =	vst v63  }
0x5c: {  	_ =	swait.ge [sflag:s0], $0x4000  }
0x5d: {  	[sflag:s0] =	ssyncset.done $0x0  }
0x5e: {  	s9 =	simm.s32 $0x180;
	[sflag:s0] =	ssyncadd.s32 $0xFFFFC000  }
0x5f: {  	[tilespmem:s31], [sflag:$0x2] =	stream.indirect.gather [hbm4b:s1+s30], $0x80, s9, s30, $0xb8;
	[tilespmem:$0x1F000] =	vst v63  }
0x60: {  	_ =	swait.ge [sflag:s28], $0x4000  }
0x61: {  	[sflag:s28] =	ssyncset.done $0x0  }
0x62: {  	s7 =	simm.s32 $0x1900;
	[sflag:s28] =	ssyncadd.s32 $0xFFFFC000  }
0x63: {  	[spmem:s2] =	stream.indirect.scatter.add.f32 [tilespmem:s24], [sflag:$0x3], $0x80, s7, s30, $0xb8;
	[tilespmem:$0x1F000] =	vst v63  }
0x64: {  	_ =	swait.ge [sflag:s29], $0x4000  }
0x65: {  	[sflag:s29] =	ssyncset.done $0x0  }
0x66: {  	s8 =	simm.s32 $0x1980;
	[sflag:s29] =	ssyncadd.s32 $0xFFFFC000  }
0x67: {  	[spmem:s2] =	stream.indirect.scatter.add.f32 [tilespmem:s31], [sflag:$0x4], $0x80, s8, s30, $0xb8;
	[tilespmem:$0x1F000] =	vst v63  }
0x68: {  	_ =	swait.ge [sflag:s25], $0x4000  }
0x69: {  	[sflag:s25] =	ssyncset.done $0x0  }
0x6a: {  	s9 =	simm.s32 $0x200;
	[sflag:s25] =	ssyncadd.s32 $0xFFFFC000  }
0x6b: {  	[tilespmem:s24], [sflag:$0x1] =	stream.indirect.gather [hbm4b:s1+s30], $0x80, s9, s30, $0xb8;
	[tilespmem:$0x1F000] =	vst v63  }
0x6c: {  	_ =	swait.ge [sflag:s0], $0x4000  }
0x6d: {  	s6 =	simm.s32 $0x0;
	[sflag:s0] =	ssyncset.done $0x0  }
0x6e: {  	s7 =	simm.s32 $0x800;
	s8 =	simm.s32 $0x280;
	[sflag:s0] =	ssyncadd.s32 $0xFFFFC000  }
.LBB2_4:
0x6f: {  	[tilespmem:s31], [sflag:$0x2] =	stream.indirect.gather [hbm4b:s1+s30], $0x80, s8, s30, $0xb8;
	[tilespmem:$0x1F000] =	vst v63  }
0x70: {  	s6 =	sadd.s32 $0x2, s6;
	_ =	swait.ge [sflag:s28], $0x4000  }
0x71: {  	s8 =	sshra.s32 s7, $0x2;
	p0 =	slt.u32 s6, $0x12;
	[sflag:s28] =	ssyncset.done $0x0  }
0x72: {  	s9 =	sadd.s32 $0x1800, s8;
	[sflag:s28] =	ssyncadd.s32 $0xFFFFC000  }
0x73: {  	[spmem:s2] =	stream.indirect.scatter.add.f32 [tilespmem:s24], [sflag:$0x3], $0x80, s9, s30, $0xb8;
	[tilespmem:$0x1F000] =	vst v63  }
0x74: {  	_ =	swait.ge [sflag:s29], $0x4000  }
0x75: {  	[sflag:s29] =	ssyncset.done $0x0  }
0x76: {  	s9 =	sadd.s32 $0x1880, s8;
	[sflag:s29] =	ssyncadd.s32 $0xFFFFC000  }
0x77: {  	[spmem:s2] =	stream.indirect.scatter.add.f32 [tilespmem:s31], [sflag:$0x4], $0x80, s9, s30, $0xb8;
	[tilespmem:$0x1F000] =	vst v63  }
0x78: {  	_ =	swait.ge [sflag:s25], $0x4000  }
0x79: {  	[sflag:s25] =	ssyncset.done $0x0  }
0x7a: {  	s9 =	sadd.s32 $0x100, s8;
	[sflag:s25] =	ssyncadd.s32 $0xFFFFC000  }
0x7b: {  	[tilespmem:s24], [sflag:$0x1] =	stream.indirect.gather [hbm4b:s1+s30], $0x80, s9, s30, $0xb8;
	[tilespmem:$0x1F000] =	vst v63  }
0x7c: {  	_ =	swait.ge [sflag:s0], $0x4000  }
0x7d: {  	[sflag:s0] =	ssyncset.done $0x0  }
0x7e: {  	s9 =	sadd.s32 $0x180, s8;
	[sflag:s0] =	ssyncadd.s32 $0xFFFFC000  }
0x7f: {  	[tilespmem:s31], [sflag:$0x2] =	stream.indirect.gather [hbm4b:s1+s30], $0x80, s9, s30, $0xb8;
	[tilespmem:$0x1F000] =	vst v63  }
0x80: {  	_ =	swait.ge [sflag:s28], $0x4000  }
0x81: {  	[sflag:s28] =	ssyncset.done $0x0  }
0x82: {  	s9 =	sadd.s32 $0x1900, s8;
	[sflag:s28] =	ssyncadd.s32 $0xFFFFC000  }
0x83: {  	[spmem:s2] =	stream.indirect.scatter.add.f32 [tilespmem:s24], [sflag:$0x3], $0x80, s9, s30, $0xb8;
	[tilespmem:$0x1F000] =	vst v63  }
0x84: {  	_ =	swait.ge [sflag:s29], $0x4000  }
0x85: {  	[sflag:s29] =	ssyncset.done $0x0  }
0x86: {  	s9 =	sadd.s32 $0x1980, s8;
	[sflag:s29] =	ssyncadd.s32 $0xFFFFC000  }
0x87: {  	[spmem:s2] =	stream.indirect.scatter.add.f32 [tilespmem:s31], [sflag:$0x4], $0x80, s9, s30, $0xb8;
	[tilespmem:$0x1F000] =	vst v63  }
0x88: {  	_ =	swait.ge [sflag:s25], $0x4000  }
0x89: {  	[sflag:s25] =	ssyncset.done $0x0  }
.Ltmp1:
0x8a: {  	s9 =	sadd.s32 $0x200, s8;
	[sflag:s25] =	ssyncadd.s32 $0xFFFFC000;
	(pc) =	sbr.rel @p0 .LBB2_4-.Ltmp1, $4  }
0x8b: {  	[tilespmem:s24], [sflag:$0x1] =	stream.indirect.gather [hbm4b:s1+s30], $0x80, s9, s30, $0xb8;
	[tilespmem:$0x1F000] =	vst v63  }
0x8c: {  	_ =	swait.ge [sflag:s0], $0x4000  }
0x8d: {  	[sflag:s0] =	ssyncset.done $0x0  }
0x8e: {  	s7 =	sadd.s32 $0x800, s7;
	s8 =	sadd.s32 $0x280, s8;
	[sflag:s0] =	ssyncadd.s32 $0xFFFFC000  }
0x8f: {  	[tilespmem:s31], [sflag:$0x2] =	stream.indirect.gather [hbm4b:s1+s30], $0x80, s8, s30, $0xb8;
	[tilespmem:$0x1F000] =	vst v63  }
0x90: {  	_ =	swait.ge [sflag:s28], $0x4000  }
0x91: {  	[sflag:s28] =	ssyncset.done $0x0  }
0x92: {  	[sflag:s28] =	ssyncadd.s32 $0xFFFFC000  }
0x93: {  	_ =	swait.ge [sflag:s29], $0x4000  }
0x94: {  	[sflag:s29] =	ssyncset.done $0x0  }
0x95: {  	s6 =	simm.s32 $0x0;
	[sflag:s29] =	ssyncadd.s32 $0xFFFFC000  }
0x96: {  	[tilespmem:s6], [sflag:$0x1] =	stream.linear.gather [hbm4b:s22+s6], $0x1800, $0x38;
	[tilespmem:$0x1F000] =	vst v63  }
0x97: {  	_ = 	snop  }
0x98: {  	[tilespmem:s26], [sflag:$0x2] =	stream.linear.gather [hbm4b:s23+s6], $0x1800, $0x38;
	[tilespmem:$0x1F000] =	vst v63  }
0x99: {  	_ =	swait.ge [sflag:s28], $0x1800  }
0x9a: {  	[sflag:s28] =	ssyncset.done $0x0  }
0x9b: {  	[sflag:s28] =	ssyncadd.s32 $0xFFFFE800  }
0x9c: {  	_ =	swait.ge [sflag:s29], $0x1800  }
0x9d: {  	[sflag:s29] =	ssyncset.done $0x0  }
0x9e: {  	[sflag:s29] =	ssyncadd.s32 $0xFFFFE800  }
0x9f: {  	[tilespmem:s24], [sflag:$0x1] =	stream.indirect.gather [hbm4b:s1+s30], $0x80, s6, s30, $0xb8;
	[tilespmem:$0x1F000] =	vst v63  }
0xa0: {  	_ = 	snop  }
0xa1: {  	[tilespmem:s31], [sflag:$0x2] =	stream.indirect.gather [hbm4b:s1+s30], $0x80, s30, s30, $0xb8;
	[tilespmem:$0x1F000] =	vst v63  }
0xa2: {  	_ =	swait.ge [sflag:s28], $0x4000  }
0xa3: {  	[sflag:s28] =	ssyncset.done $0x0  }
0xa4: {  	s9 =	simm.s32 $0x1800;
	[sflag:s28] =	ssyncadd.s32 $0xFFFFC000  }
0xa5: {  	[spmem:s2] =	stream.indirect.scatter.add.f32 [tilespmem:s24], [sflag:$0x3], $0x80, s9, s30, $0xb8;
	[tilespmem:$0x1F000] =	vst v63  }
0xa6: {  	_ =	swait.ge [sflag:s29], $0x4000  }
0xa7: {  	[sflag:s29] =	ssyncset.done $0x0  }
0xa8: {  	s7 =	simm.s32 $0x1880;
	[sflag:s29] =	ssyncadd.s32 $0xFFFFC000  }
0xa9: {  	[spmem:s2] =	stream.indirect.scatter.add.f32 [tilespmem:s31], [sflag:$0x4], $0x80, s7, s30, $0xb8;
	[tilespmem:$0x1F000] =	vst v63  }
0xaa: {  	_ =	swait.ge [sflag:s25], $0x4000  }
0xab: {  	[sflag:s25] =	ssyncset.done $0x0  }
0xac: {  	s8 =	simm.s32 $0x100;
	[sflag:s25] =	ssyncadd.s32 $0xFFFFC000  }
0xad: {  	[tilespmem:s24], [sflag:$0x1] =	stream.indirect.gather [hbm4b:s1+s30], $0x80, s8, s30, $0xb8;
	[tilespmem:$0x1F000] =	vst v63  }
0xae: {  	_ =	swait.ge [sflag:s0], $0x4000  }
0xaf: {  	[sflag:s0] =	ssyncset.done $0x0  }
0xb0: {  	s9 =	simm.s32 $0x180;
	[sflag:s0] =	ssyncadd.s32 $0xFFFFC000  }
0xb1: {  	[tilespmem:s31], [sflag:$0x2] =	stream.indirect.gather [hbm4b:s1+s30], $0x80, s9, s30, $0xb8;
	[tilespmem:$0x1F000] =	vst v63  }
0xb2: {  	_ =	swait.ge [sflag:s28], $0x4000  }
0xb3: {  	[sflag:s28] =	ssyncset.done $0x0  }
0xb4: {  	s7 =	simm.s32 $0x1900;
	[sflag:s28] =	ssyncadd.s32 $0xFFFFC000  }
0xb5: {  	[spmem:s2] =	stream.indirect.scatter.add.f32 [tilespmem:s24], [sflag:$0x3], $0x80, s7, s30, $0xb8;
	[tilespmem:$0x1F000] =	vst v63  }
0xb6: {  	_ =	swait.ge [sflag:s29], $0x4000  }
0xb7: {  	[sflag:s29] =	ssyncset.done $0x0  }
0xb8: {  	s8 =	simm.s32 $0x1980;
	[sflag:s29] =	ssyncadd.s32 $0xFFFFC000  }
0xb9: {  	[spmem:s2] =	stream.indirect.scatter.add.f32 [tilespmem:s31], [sflag:$0x4], $0x80, s8, s30, $0xb8;
	[tilespmem:$0x1F000] =	vst v63  }
0xba: {  	_ =	swait.ge [sflag:s25], $0x4000  }
0xbb: {  	[sflag:s25] =	ssyncset.done $0x0  }
0xbc: {  	s9 =	simm.s32 $0x200;
	[sflag:s25] =	ssyncadd.s32 $0xFFFFC000  }
0xbd: {  	[tilespmem:s24], [sflag:$0x1] =	stream.indirect.gather [hbm4b:s1+s30], $0x80, s9, s30, $0xb8;
	[tilespmem:$0x1F000] =	vst v63  }
0xbe: {  	_ =	swait.ge [sflag:s0], $0x4000  }
0xbf: {  	s6 =	simm.s32 $0x0;
	[sflag:s0] =	ssyncset.done $0x0  }
0xc0: {  	s7 =	simm.s32 $0x800;
	s8 =	simm.s32 $0x280;
	[sflag:s0] =	ssyncadd.s32 $0xFFFFC000  }
.LBB2_6:
0xc1: {  	[tilespmem:s31], [sflag:$0x2] =	stream.indirect.gather [hbm4b:s1+s30], $0x80, s8, s30, $0xb8;
	[tilespmem:$0x1F000] =	vst v63  }
0xc2: {  	s6 =	sadd.s32 $0x2, s6;
	_ =	swait.ge [sflag:s28], $0x4000  }
0xc3: {  	s8 =	sshra.s32 s7, $0x2;
	p0 =	slt.u32 s6, $0x12;
	[sflag:s28] =	ssyncset.done $0x0  }
0xc4: {  	s9 =	sadd.s32 $0x1800, s8;
	[sflag:s28] =	ssyncadd.s32 $0xFFFFC000  }
0xc5: {  	[spmem:s2] =	stream.indirect.scatter.add.f32 [tilespmem:s24], [sflag:$0x3], $0x80, s9, s30, $0xb8;
	[tilespmem:$0x1F000] =	vst v63  }
0xc6: {  	_ =	swait.ge [sflag:s29], $0x4000  }
0xc7: {  	[sflag:s29] =	ssyncset.done $0x0  }
0xc8: {  	s9 =	sadd.s32 $0x1880, s8;
	[sflag:s29] =	ssyncadd.s32 $0xFFFFC000  }
0xc9: {  	[spmem:s2] =	stream.indirect.scatter.add.f32 [tilespmem:s31], [sflag:$0x4], $0x80, s9, s30, $0xb8;
	[tilespmem:$0x1F000] =	vst v63  }
0xca: {  	_ =	swait.ge [sflag:s25], $0x4000  }
0xcb: {  	[sflag:s25] =	ssyncset.done $0x0  }
0xcc: {  	s9 =	sadd.s32 $0x100, s8;
	[sflag:s25] =	ssyncadd.s32 $0xFFFFC000  }
0xcd: {  	[tilespmem:s24], [sflag:$0x1] =	stream.indirect.gather [hbm4b:s1+s30], $0x80, s9, s30, $0xb8;
	[tilespmem:$0x1F000] =	vst v63  }
0xce: {  	_ =	swait.ge [sflag:s0], $0x4000  }
0xcf: {  	[sflag:s0] =	ssyncset.done $0x0  }
0xd0: {  	s9 =	sadd.s32 $0x180, s8;
	[sflag:s0] =	ssyncadd.s32 $0xFFFFC000  }
0xd1: {  	[tilespmem:s31], [sflag:$0x2] =	stream.indirect.gather [hbm4b:s1+s30], $0x80, s9, s30, $0xb8;
	[tilespmem:$0x1F000] =	vst v63  }
0xd2: {  	_ =	swait.ge [sflag:s28], $0x4000  }
0xd3: {  	[sflag:s28] =	ssyncset.done $0x0  }
0xd4: {  	s9 =	sadd.s32 $0x1900, s8;
	[sflag:s28] =	ssyncadd.s32 $0xFFFFC000  }
0xd5: {  	[spmem:s2] =	stream.indirect.scatter.add.f32 [tilespmem:s24], [sflag:$0x3], $0x80, s9, s30, $0xb8;
	[tilespmem:$0x1F000] =	vst v63  }
0xd6: {  	_ =	swait.ge [sflag:s29], $0x4000  }
0xd7: {  	[sflag:s29] =	ssyncset.done $0x0  }
0xd8: {  	s9 =	sadd.s32 $0x1980, s8;
	[sflag:s29] =	ssyncadd.s32 $0xFFFFC000  }
0xd9: {  	[spmem:s2] =	stream.indirect.scatter.add.f32 [tilespmem:s31], [sflag:$0x4], $0x80, s9, s30, $0xb8;
	[tilespmem:$0x1F000] =	vst v63  }
0xda: {  	_ =	swait.ge [sflag:s25], $0x4000  }
0xdb: {  	[sflag:s25] =	ssyncset.done $0x0  }
.Ltmp2:
0xdc: {  	s9 =	sadd.s32 $0x200, s8;
	[sflag:s25] =	ssyncadd.s32 $0xFFFFC000;
	(pc) =	sbr.rel @p0 .LBB2_6-.Ltmp2, $4  }
0xdd: {  	[tilespmem:s24], [sflag:$0x1] =	stream.indirect.gather [hbm4b:s1+s30], $0x80, s9, s30, $0xb8;
	[tilespmem:$0x1F000] =	vst v63  }
0xde: {  	_ =	swait.ge [sflag:s0], $0x4000  }
0xdf: {  	[sflag:s0] =	ssyncset.done $0x0  }
0xe0: {  	s7 =	sadd.s32 $0x800, s7;
	s8 =	sadd.s32 $0x280, s8;
	[sflag:s0] =	ssyncadd.s32 $0xFFFFC000  }
0xe1: {  	[tilespmem:s31], [sflag:$0x2] =	stream.indirect.gather [hbm4b:s1+s30], $0x80, s8, s30, $0xb8;
	[tilespmem:$0x1F000] =	vst v63  }
0xe2: {  	_ =	swait.ge [sflag:s28], $0x4000  }
0xe3: {  	[sflag:s28] =	ssyncset.done $0x0  }
0xe4: {  	[sflag:s28] =	ssyncadd.s32 $0xFFFFC000  }
0xe5: {  	_ =	swait.ge [sflag:s29], $0x4000  }
0xe6: {  	[sflag:s29] =	ssyncset.done $0x0  }
0xe7: {  	[sflag:s29] =	ssyncadd.s32 $0xFFFFC000  }
0xe8: {  	[bflag:$0x0] =	sbarrier.arrive $0xFFFF  }
0xe9: {  	[tilespmem:s24], [sflag:$0x1] =	stream.linear.gather [spmem:s5], $0x4000, $0x38;
	[tilespmem:$0x1F000] =	vst v63  }
0xea: {  	_ =	swait.ge [sflag:s28], $0x4000  }
0xeb: {  	[sflag:s28] =	ssyncset.done $0x0  }
0xec: {  	s6 =	rddreg [dreg:$0x4];
	[sflag:s28] =	ssyncadd.s32 $0xFFFFC000  }
0xed: {  	[hbm4b:s6+s4] =	stream.linear.scatter [tilespmem:s24], [sflag:$0x3], $0x4000, $0x38;
	[tilespmem:$0x1F000] =	vst v63  }
0xee: {  	s7 =	rddreg [dreg:$0x5]  }
0xef: {  	[tilespmem:s31], [sflag:$0x2] =	stream.linear.gather [spmem:s7], $0x4000, $0x38;
	[tilespmem:$0x1F000] =	vst v63  }
0xf0: {  	_ =	swait.ge [sflag:s29], $0x4000  }
0xf1: {  	[sflag:s29] =	ssyncset.done $0x0  }
0xf2: {  	s8 =	rddreg [dreg:$0x6];
	[sflag:s29] =	ssyncadd.s32 $0xFFFFC000  }
0xf3: {  	[hbm4b:s8+s4] =	stream.linear.scatter [tilespmem:s31], [sflag:$0x4], $0x4000, $0x38;
	[tilespmem:$0x1F000] =	vst v63  }
0xf4: {  	_ =	swait.ge [sflag:s25], $0x4000  }
0xf5: {  	[sflag:s25] =	ssyncset.done $0x0  }
0xf6: {  	s9 =	rddreg [dreg:$0x7];
	[sflag:s25] =	ssyncadd.s32 $0xFFFFC000  }
0xf7: {  	[tilespmem:s24], [sflag:$0x1] =	stream.linear.gather [spmem:s9], $0x4000, $0x38;
	[tilespmem:$0x1F000] =	vst v63  }
0xf8: {  	_ =	swait.ge [sflag:s28], $0x4000  }
0xf9: {  	[sflag:s28] =	ssyncset.done $0x0  }
0xfa: {  	[sflag:s28] =	ssyncadd.s32 $0xFFFFC000  }
0xfb: {  	[hbm4b:s10+s4] =	stream.linear.scatter [tilespmem:s24], [sflag:$0x3], $0x4000, $0x38;
	[tilespmem:$0x1F000] =	vst v63  }
0xfc: {  	_ =	swait.ge [sflag:s0], $0x4000  }
0xfd: {  	[sflag:s0] =	ssyncset.done $0x0  }
0xfe: {  	[sflag:s0] =	ssyncadd.s32 $0xFFFFC000  }
0xff: {  	[tilespmem:s31], [sflag:$0x2] =	stream.linear.gather [spmem:s11], $0x4000, $0x38;
	[tilespmem:$0x1F000] =	vst v63  }
0x100: {  	_ =	swait.ge [sflag:s29], $0x4000  }
0x101: {  	[sflag:s29] =	ssyncset.done $0x0  }
0x102: {  	[sflag:s29] =	ssyncadd.s32 $0xFFFFC000  }
0x103: {  	[hbm4b:s12+s4] =	stream.linear.scatter [tilespmem:s31], [sflag:$0x4], $0x4000, $0x38;
	[tilespmem:$0x1F000] =	vst v63  }
0x104: {  	_ =	swait.ge [sflag:s25], $0x4000  }
0x105: {  	[sflag:s25] =	ssyncset.done $0x0  }
0x106: {  	[sflag:s25] =	ssyncadd.s32 $0xFFFFC000  }
0x107: {  	[tilespmem:s24], [sflag:$0x1] =	stream.linear.gather [spmem:s13], $0x4000, $0x38;
	[tilespmem:$0x1F000] =	vst v63  }
0x108: {  	_ =	swait.ge [sflag:s28], $0x4000  }
0x109: {  	[sflag:s28] =	ssyncset.done $0x0  }
0x10a: {  	s3 =	sadd.s32 $0x1, s3;
	[sflag:s28] =	ssyncadd.s32 $0xFFFFC000  }
0x10b: {  	[hbm4b:s14+s4] =	stream.linear.scatter [tilespmem:s24], [sflag:$0x3], $0x4000, $0x38;
	[tilespmem:$0x1F000] =	vst v63  }
0x10c: {  	p0 =	sne.s32 s3, s15;
	_ =	swait.ge [sflag:s0], $0x4000  }
.Ltmp3:
0x10d: {  	[sflag:s0] =	ssyncset.done $0x0;
	(pc) =	sbr.rel @p0 .LBB2_1-.Ltmp3, $4  }
0x10e: {  	[sflag:s0] =	ssyncadd.s32 $0xFFFFC000  }
0x10f: {  	_ =	swait.ge [sflag:s25], $0x4000  }
0x110: {  	[sflag:s25] =	ssyncset.done $0x0  }
0x111: {  	[sflag:s25] =	ssyncadd.s32 $0xFFFFC000  }
0x112: {  	_ =	sfence.sel $0x180000  }
0x113: {  	[bflag:$0x0] =	sbarrier.arrive $0xFFFF  }
0x114: {  	_ =	strace $0x9000004A  }
0x115: {  	s0 =	stileid.u32;
	[bflag:$0x2] =	sbarrier.arrive $0xFFFF  }
0x116: {  	p0 =	sne.s32 s0, $0x0;
	s0 =	rddreg [dreg:$0x3]  }
0x117: {  	s0 =	sadd.s32 @!p0 $0x100000, s0  }
0x118: {  	[sflag:s0] =	ssyncadd.tile.s32 @!p0 $0x1;
	_ =	shalt  }
.Lfunc_end2:
_tile_overlayer_lowered:
.L_overlay_start_2:
0x119: {  	(tag) =	ssettag $0x2  }
0x11a: {  	s0 =	rddreg [dreg:$0x0];
	s2 =	stileid.u32  }
0x11b: {  	s1 =	rddreg [dreg:$0x1];
	p0 =	sne.s32 s2, $0x0  }
0x11c: {  	s3 =	rddreg [dreg:$0x2];
	[bflag:$0x3] =	sbarrier.arrive $0xFFFF;
	s2 =	simm.s32 @!p0 $0x1C05  }
0x11d: {  	[timem:s3], [sflag:s2] =	dma.local @!p0 [hbm:s0], s1  }
0x11e: {  	s0 =	simm.s32 @!p0 $0x5  }
0x11f: {  	_ =	swait.ge @!p0 [sflag:s0], s1  }
0x120: {  	s1 =	ssub.s32 @!p0 $0x0, s1;
	[sflag:s0] =	ssyncset.done @!p0 $0x0  }
0x121: {  	[sflag:s0] =	ssyncadd.s32 @!p0 s1  }
0x122: {  	[bflag:$0x3] =	sbarrier.arrive $0xFFFF  }
0x123: {  	_ =	shalt  }

// kernel: kernel.14.cloned.1.call-start
scs
__scs_entry_jumppad:
0x0: {  	(pc) =	sbr.rel $0x88, $3  }
0x1: {  	(tag) =	ssettag $0x0;
	lr =	simm.s32 $0x1  }
0x2: {  	[smem:$0x3F9B] =	sst lr;
	_ =	strace $0xD0000000  }
0x3: {  	_ = 	snop  }
0x4: {  	_ = 	snop  }
0x5: {  	_ = 	snop  }
0x6: {  	_ = 	snop  }
0x7: {  	_ = 	snop  }
__scs_overlays_trampoline_lowered:
0x8: {  	[smem:$0x3FAA] =	sst s0  }
0x9: {  	[smem:$0x3FAB] =	sst s1  }
0xa: {  	[smem:$0x3FAC] =	sst s2  }
0xb: {  	[smem:$0x3FAD] =	sst s3  }
0xc: {  	[smem:$0x3FAE] =	sst s4  }
0xd: {  	[smem:$0x3FAF] =	sst s5  }
0xe: {  	[smem:$0x3FB0] =	sst s6  }
0xf: {  	[smem:$0x3FB1] =	sst s7  }
0x10: {  	[smem:$0x3FB2] =	sst s8  }
0x11: {  	[smem:$0x3FB3] =	sst s9;
	s0 =	simm.s32 @!p0 $0x0  }
0x12: {  	s1 =	sld [smem:$0x3F99];
	s0 =	simm.s32 @p0 $0x1  }
0x13: {  	[smem:$0x3FB4] =	sst s0;
	s0 =	simm.s32 @!p1 $0x0  }
0x14: {  	s2 =	sld [smem:$0x3F98];
	s0 =	simm.s32 @p1 $0x1  }
0x15: {  	[smem:$0x3FB5] =	sst s0;
	s0 =	simm.s32 @!p2 $0x0  }
0x16: {  	s3 =	sld [smem:$0x3FDB];
	s0 =	simm.s32 @p2 $0x1  }
0x17: {  	s4 =	simm.s32 $0x1BF5;
	[smem:$0x3FB7] =	sst s0  }
0x18: {  	s0 =	sld [smem:$0x3F9A];
	_ =	swait.ge [sflag:s4], $0x0  }
0x19: {  	s7 =	sld [smem:$0x3F9B]  }
0x1a: {  	s8 =	sadd.s32 $0xFFFFE003, lr  }
0x1b: {  	s9 =	sadd.s32 $0xFFFFFEF7, lr;
	s5 =	simm.s32 $0xFFFFFFFF;
	p2 =	slt.u32 s8, $0xFFFFF086  }
0x1c: {  	p1 =	slt.u32 s9, $0xF7A;
	s5 =	simm.s32 @!p2 $0x0  }
0x1d: {  	s5 =	simm.s32 @p1 $0x1;
	p0 =	seq.s32 s7, s2  }
0x1e: {  	s7 =	smul.u32 @!p0 $0xF7A, s2;
	p2 =	seq.s32 @!p0 s5, $0x0  }
0x1f: {  	s9 =	smul.u32 $0xF7A, s1;
	s8 =	simm.s32 @!p0 $0x1BF5;
	p2 =	por !p2, p0  }
0x20: {  	[sflag:s8] =	ssyncset.s32 @!p0 $0xFFFFF086;
	s6 =	sadd.s32 @!p0 s3, s7;
	s7 =	simm.s32 @!p0 $0x108  }
0x21: {  	s3 =	sadd.s32 s3, s9;
	s6 =	sadd.s32 @!p0 $0x88, s6;
	s7 =	simm.s32 @p2 $0x1082  }
0x22: {  	[simem:s7], [sflag:s8] =	dma.local @!p0 [hbm:s6], $0xF7A  }
0x23: {  	s9 =	sor.u32 $0xD0000000, s2;
	s6 =	simm.s32 $0x108;
	_ =	swait.ge @!p0 [sflag:s8], $0x0  }
0x24: {  	s3 =	sadd.s32 $0x88, s3;
	s6 =	simm.s32 @!p1 $0x1082;
	[sflag:s4] =	ssyncset.s32 $0xFFFFF086  }
0x25: {  	[simem:s6], [sflag:s4] =	dma.local [hbm:s3], $0xF7A  }
0x26: {  	[smem:$0x3F9B] =	sst s1;
	(tag) =	ssettag s2;
	_ =	strace s9  }
0x27: {  	s1 =	sld [smem:$0x3FAB]  }
0x28: {  	s2 =	sld [smem:$0x3FAC]  }
0x29: {  	s4 =	sld [smem:$0x3FAE]  }
0x2a: {  	p0 =	seq.s32 s5, $0x0;
	s5 =	sld [smem:$0x3FAF]  }
0x2b: {  	s6 =	sld [smem:$0x3FB0]  }
0x2c: {  	s7 =	sld [smem:$0x3FB1]  }
0x2d: {  	s3 =	simm.s32 $0x108;
	s8 =	sld [smem:$0x3FB2]  }
0x2e: {  	s3 =	simm.s32 @!p0 $0x1082;
	s9 =	sld [smem:$0x3FB3]  }
0x2f: {  	lr =	sadd.s32 s0, s3;
	s0 =	sld [smem:$0x3FAA]  }
0x30: {  	s3 =	sld [smem:$0x3FAD]  }
0x31: {  	[smem:$0x3FB6] =	sst s10  }
0x32: {  	s10 =	sld [smem:$0x3FB4];
	_ =	sdelay $0x3  }
0x33: {  	p0 =	seq.s32 s10, $0x1;
	s10 =	sld [smem:$0x3FB6];
	_ =	sdelay $0x3  }
0x34: {  	[smem:$0x3FB6] =	sst s10  }
0x35: {  	s10 =	sld [smem:$0x3FB5];
	_ =	sdelay $0x3  }
0x36: {  	p1 =	seq.s32 s10, $0x1;
	s10 =	sld [smem:$0x3FB6];
	_ =	sdelay $0x3  }
0x37: {  	[smem:$0x3FB6] =	sst s10  }
0x38: {  	s10 =	sld [smem:$0x3FB7]  }
0x39: {  	_ = 	snop;
	(pc) =	sbr.ind lr, $3  }
0x3a: {  	_ = 	snop  }
0x3b: {  	_ = 	snop  }
0x3c: {  	p2 =	seq.s32 s10, $0x1;
	s10 =	sld [smem:$0x3FB6]  }
0x3d: {  	_ =	shalt  }
0x3e: {  	_ =	shalt  }
0x3f: {  	_ =	shalt  }
0x40: {  	_ =	shalt  }
0x41: {  	_ =	shalt  }
0x42: {  	_ =	shalt  }
0x43: {  	_ =	shalt  }
0x44: {  	_ =	shalt  }
0x45: {  	_ =	shalt  }
0x46: {  	_ =	shalt  }
0x47: {  	_ =	shalt  }
0x48: {  	_ =	shalt  }
0x49: {  	_ =	shalt  }
0x4a: {  	_ =	shalt  }
0x4b: {  	_ =	shalt  }
0x4c: {  	_ =	shalt  }
0x4d: {  	_ =	shalt  }
0x4e: {  	_ =	shalt  }
0x4f: {  	_ =	shalt  }
0x50: {  	_ =	shalt  }
0x51: {  	_ =	shalt  }
0x52: {  	_ =	shalt  }
0x53: {  	_ =	shalt  }
0x54: {  	_ =	shalt  }
0x55: {  	_ =	shalt  }
0x56: {  	_ =	shalt  }
0x57: {  	_ =	shalt  }
0x58: {  	_ =	shalt  }
0x59: {  	_ =	shalt  }
0x5a: {  	_ =	shalt  }
0x5b: {  	_ =	shalt  }
0x5c: {  	_ =	shalt  }
0x5d: {  	_ =	shalt  }
0x5e: {  	_ =	shalt  }
0x5f: {  	_ =	shalt  }
0x60: {  	_ =	shalt  }
0x61: {  	_ =	shalt  }
0x62: {  	_ =	shalt  }
0x63: {  	_ =	shalt  }
0x64: {  	_ =	shalt  }
0x65: {  	_ =	shalt  }
0x66: {  	_ =	shalt  }
0x67: {  	_ =	shalt  }
0x68: {  	_ =	shalt  }
0x69: {  	_ =	shalt  }
0x6a: {  	_ =	shalt  }
0x6b: {  	_ =	shalt  }
0x6c: {  	_ =	shalt  }
0x6d: {  	_ =	shalt  }
0x6e: {  	_ =	shalt  }
0x6f: {  	_ =	shalt  }
0x70: {  	_ =	shalt  }
0x71: {  	_ =	shalt  }
0x72: {  	_ =	shalt  }
0x73: {  	_ =	shalt  }
0x74: {  	_ =	shalt  }
0x75: {  	_ =	shalt  }
0x76: {  	_ =	shalt  }
0x77: {  	_ =	shalt  }
0x78: {  	_ =	shalt  }
0x79: {  	_ =	shalt  }
0x7a: {  	_ =	shalt  }
0x7b: {  	_ =	shalt  }
0x7c: {  	_ =	shalt  }
0x7d: {  	_ =	shalt  }
0x7e: {  	_ =	shalt  }
0x7f: {  	_ =	shalt  }
0x80: {  	_ =	shalt  }
0x81: {  	_ =	shalt  }
0x82: {  	_ =	shalt  }
0x83: {  	_ =	shalt  }
0x84: {  	_ =	shalt  }
0x85: {  	_ =	shalt  }
0x86: {  	_ =	shalt  }
0x87: {  	_ =	shalt  }
.Lfunc_end0:
.L_simem_size_0:
called_computation.2_lowered:
.L_overlay_start_0:
0x88: {  	s2 =	sld [smem:$0x3FD9]  }
0x89: {  	s3 =	sld [smem:$0x3FFE];
	_ =	sdelay $0x1  }
0x8a: {  	s1 =	srdreg.scid  }
0x8b: {  	s0 =	sand.u32 $0x1, s1  }
0x8c: {  	s17 =	sshll.u32 s0, $0xA;
	s2 =	sadd.s32 s3, s2  }
0x8d: {  	s2 =	sadd.s32 s2, s17  }
0x8e: {  	[smem:$0x3FC2] =	sst s2  }
0x8f: {  	_ = 	snop  }
0x90: {  	s2 =	sld [smem:$0x3FD0];
	(tm) =	ssettm $0x1  }
0x91: {  	s18 =	sld [smem:$0x3FFB];
	_ =	sdelay $0x3  }
0x92: {  	_ =	strace s18  }
0x93: {  	s3 =	sld [smem:$0x3FFC];
	_ =	sdelay $0x3  }
0x94: {  	_ =	strace s3  }
0x95: {  	s3 =	sld [smem:$0x3FFD];
	_ =	sdelay $0x3  }
0x96: {  	_ =	strace s3  }
0x97: {  	_ =	strace $0x8FFFFFFF  }
0x98: {  	s19 =	sld [smem:$0x3FDB];
	_ =	sdelay $0x1  }
0x99: {  	s4 =	simm.s32 $_scs_section_size  }
0x9a: {  	s5 =	simm.s32 $_size__tile_overlayer_lowered;
	s6 =	simm.s32 $_tile_overlayer_lowered  }
0x9b: {  	s22 =	simm.s32 $0x1BFF;
	s21 =	sshll.u32 s6, $0x1;
	s3 =	sadd.s32 s4, s19  }
0x9c: {  	s7 =	simm.s32 $0x0;
	s20 =	sshll.u32 s5, $0x1;
	s5 =	sadd.s32 s21, s3  }
0x9d: {  	[timem:s7], [sflag:s22] =	dma.local [hbm:s5], s20  }
0x9e: {  	_ =	swait.ge [sflag:s22], s20  }
0x9f: {  	s4 =	ssub.s32 $0x0, s20;
	[sflag:s22] =	ssyncset.done $0x0  }
0xa0: {  	[sflag:s22] =	ssyncadd.s32 s4;
	_ =	sdelay $0x1  }
0xa1: {  	s23 =	simm.s32 $0x1B8B  }
0xa2: {  	_ =	swait.ge [sflag:s23], $0x1  }
0xa3: {  	[sflag:s23] =	ssyncset.done $0x0  }
0xa4: {  	s25 =	simm.s32 $0x1B8E;
	s24 =	sld [smem:$0x3FFE];
	[sflag:s23] =	ssyncadd.s32 $0xFFFFFFFF  }
0xa5: {  	s26 =	simm.s32 $execute0_lowered;
	[smem:$0x3FD2] =	sst s25  }
0xa6: {  	s5 =	sshll.u32 s26, $0x1;
	_ =	strace $0x8000004C;
	[dreg:$0x1] =	wrdreg $0xFFFFFFFF  }
0xa7: {  	s28 =	simm.s32 $_size_execute0_lowered;
	s3 =	sadd.s32 s3, s5;
	[dreg:$0x0] =	wrdreg $0x0  }
0xa8: {  	s5 =	sshll.u32 s28, $0x1;
	[dreg:$0x2] =	wrdreg s3  }
0xa9: {  	[dreg:$0x3] =	wrdreg s5  }
0xaa: {  	[dreg:$0x4] =	wrdreg $0xC0  }
0xab: {  	_ =	task [dreg:s7], $0x5FFFF  }
0xac: {  	[dreg:$0x1] =	wrdreg $0xFFFFFFFF  }
0xad: {  	[dreg:$0x0] =	wrdreg $0x60  }
0xae: {  	[dreg:$0x2] =	wrdreg s2  }
0xaf: {  	[dreg:$0x3] =	wrdreg s24  }
0xb0: {  	[dreg:$0x4] =	wrdreg $0xB0000  }
0xb1: {  	[dreg:$0x5] =	wrdreg $0x9  }
0xb2: {  	_ =	task.clear_ibuf [dreg:s7], $0x6FFFF;
	_ =	strace $0x9000004C  }
0xb3: {  	s29 =	simm.s32 $0x9;
	_ =	strace $0x8000004E  }
0xb4: {  	_ =	swait.ge [sflag:s29], $0x1  }
0xb5: {  	[sflag:s29] =	ssyncadd.s32 $0xFFFFFFFF  }
0xb6: {  	_ =	strace $0x9000004E  }
0xb7: {  	_ =	sfence  }
0xb8: {  	s30 =	sld [smem:$0x0];
	_ =	sdelay $0x2  }
0xb9: {  	s31 =	sshll.u32 s1, $0xD;
	s1 =	sshrl.u32 s1, $0x2  }
0xba: {  	s3 =	sand.u32 $0x4000, s31;
	s1 =	sadd.s32 s1, s30  }
0xbb: {  	s0 =	sor.u32 s3, s0;
	s1 =	sshll.u32 s1, $0x11  }
0xbc: {  	s0 =	sor.u32 s1, s0  }
0xbd: {  	s0 =	sadd.s32 $0x8F2B, s0  }
0xbe: {  	[sflag:s0] =	ssyncadd.remote.s32 $0x1  }
0xbf: {  	_ =	sfence.sel $0xFFFF  }
0xc0: {  	[dreg:$0x0] =	wrdreg $0xFFFFFFFF;
	(pc) =	sbr.abs _section_cstart, $3  }
0xc1: {  	[dreg:$0x1] =	wrdreg $0xFFFFFFFF  }
0xc2: {  	_ =	task.clear_ibuf [dreg:s7], $0x2FFFF;
	_ =	strace $0x9FFFFFFF  }
0xc3: {  	(tm) =	ssettm $0x7FFFFFFF  }
tec
execute0_lowered:
.L_overlay_start_1:
0x0: {  	(tag) =	ssettag $0x1  }
0x1: {  	s1 =	rddreg [dreg:$0x0]  }
0x2: {  	s0 =	rddreg [dreg:$0x1]  }
0x3: {  	s2 =	rddreg [dreg:$0x2]  }
0x4: {  	s4 =	simm.s32 $0x0;
	s3 =	srdreg.scid;
	s11 =	stileid.u32  }
0x5: {  	s28 =	simm.s32 $0x1;
	s29 =	simm.s32 $0x2;
	s30 =	simm.s32 $0x80  }
0x6: {  	s31 =	simm.s32 $0x7000;
	[smem:$0x7FF] =	sst s4;
	s6 =	sadd.s32 $0xC800, s0  }
0x7: {  	s3 =	sand.u32 $0x1, s3;
	s5 =	smul.u32 $0x50000, s11;
	s7 =	sadd.s32 $0x2600, s0  }
0x8: {  	s10 =	sshll.u32 s11, $0x1;
	s11 =	smul.u32 $0x14000, s11;
	s0 =	sadd.s32 $0x16A00, s0  }
0x9: {  	_ =	strace $0x8000004D;
	s8 =	ssub.s32 $0x2, s3;
	s12 =	smul.u32 $0x140000, s3  }
0xa: {  	s3 =	sor.u32 s3, s10;
	s9 =	sshrl.u32 s8, $0x1;
	s5 =	sshrl.u32 s5, $0x2  }
0xb: {  	s18 =	sadd.s32 $0x4000, s11;
	s20 =	sadd.s32 $0x8000, s11;
	s23 =	sadd.s32 $0xC000, s11  }
0xc: {  	s15 =	sadd.s32 $0x10000, s11;
	s26 =	smul.u32 $0x500, s3;
	s8 =	ssub.s32 s8, s9  }
0xd: {  	s17 =	sadd.s32 s11, s12;
	s5 =	sadd.s32 s5, s2;
	s13 =	sadd.s32 s12, s18  }
0xe: {  	s10 =	sadd.s32 s18, s2;
	s21 =	sadd.s32 s12, s20;
	s22 =	sadd.s32 s20, s2  }
0xf: {  	s14 =	sadd.s32 s12, s23;
	s11 =	sadd.s32 s23, s2;
	s25 =	sadd.s32 s12, s15  }
0x10: {  	s9 =	sshrl.u32 s17, $0x3;
	s19 =	sshrl.u32 s13, $0x3;
	[dreg:$0x5] =	wrdreg s10  }
0x11: {  	[dreg:$0x7] =	wrdreg s22;
	s10 =	sshrl.u32 s21, $0x3;
	s24 =	sshrl.u32 s14, $0x3  }
0x12: {  	s13 =	sadd.s32 s15, s2;
	s14 =	sshrl.u32 s25, $0x3;
	s15 =	smax.u32 s8, $0x1  }
0x13: {  	s16 =	sadd.s32 $0x4000, s5;
	s17 =	sadd.s32 $0x8000, s5;
	s18 =	sadd.s32 $0xC000, s5  }
0x14: {  	s20 =	sadd.s32 s6, s26;
	s3 =	sadd.s32 $0x280, s26;
	s21 =	sadd.s32 s7, s26  }
0x15: {  	s25 =	simm.s32 $0x3;
	s26 =	simm.s32 $0x1800;
	s9 =	sadd.s32 s0, s9  }
0x16: {  	s10 =	sadd.s32 s0, s10;
	s12 =	sadd.s32 s0, s24;
	s14 =	sadd.s32 s0, s14  }
0x17: {  	s22 =	sadd.s32 s6, s3;
	s23 =	sadd.s32 s7, s3;
	s24 =	simm.s32 $0x3000  }
0x18: {  	s3 =	simm.s32 $0x0;
	[dreg:$0x4] =	wrdreg s9;
	s9 =	sadd.s32 s0, s19  }
0x19: {  	v0 =	vimm.f32 $0.0e+00;
	s19 =	sadd.s32 $0x10000, s5;
	s0 =	simm.s32 $0x4;
	[dreg:$0x6] =	wrdreg s9  }
.LBB2_1:
0x1a: {  	s6 =	simm.s32 $0x0;
	s7 =	simm.s32 $0x200  }
.LBB2_2:
0x1b: {  	p0 =	sne.s32 s7, $0xFE00;
	[tilespmem:s6+$0x3070] =	vst v0  }
0x1c: {  	[tilespmem:s6+$0x3000] =	vst v0  }
0x1d: {  	[tilespmem:s6+$0x3010] =	vst v0  }
.Ltmp0:
0x1e: {  	[tilespmem:s6+$0x3020] =	vst v0;
	(pc) =	sbr.rel @p0 .LBB2_2-.Ltmp0, $4  }
0x1f: {  	[tilespmem:s6+$0x3030] =	vst v0  }
0x20: {  	[tilespmem:s6+$0x3040] =	vst v0  }
0x21: {  	[tilespmem:s6+$0x3050] =	vst v0  }
0x22: {  	[tilespmem:s6+$0x3060] =	vst v0;
	s6 =	sshra.s32 s7, $0x2;
	s7 =	sadd.s32 $0x200, s7  }
0x23: {  	[tilespmem:s6+$0x3070] =	vst v0  }
0x24: {  	[tilespmem:s6+$0x3000] =	vst v0  }
0x25: {  	[tilespmem:s6+$0x3010] =	vst v0  }
0x26: {  	[tilespmem:s6+$0x3020] =	vst v0  }
0x27: {  	[tilespmem:s6+$0x3030] =	vst v0  }
0x28: {  	[tilespmem:s6+$0x3040] =	vst v0  }
0x29: {  	[tilespmem:s6+$0x3050] =	vst v0  }
0x2a: {  	[tilespmem:s6+$0x3060] =	vst v0  }
0x2b: {  	[spmem:s5] =	stream.linear.scatter [tilespmem:s24], [sflag:$0x3], $0x4000, $0x38;
	[tilespmem:$0x1F000] =	vst v63  }
0x2c: {  	_ = 	snop  }
0x2d: {  	[spmem:s16] =	stream.linear.scatter [tilespmem:s24], [sflag:$0x3], $0x4000, $0x38;
	[tilespmem:$0x1F000] =	vst v63  }
0x2e: {  	_ = 	snop  }
0x2f: {  	[spmem:s17] =	stream.linear.scatter [tilespmem:s24], [sflag:$0x3], $0x4000, $0x38;
	[tilespmem:$0x1F000] =	vst v63  }
0x30: {  	_ = 	snop  }
0x31: {  	[spmem:s18] =	stream.linear.scatter [tilespmem:s24], [sflag:$0x3], $0x4000, $0x38;
	[tilespmem:$0x1F000] =	vst v63  }
0x32: {  	_ = 	snop  }
0x33: {  	[spmem:s19] =	stream.linear.scatter [tilespmem:s24], [sflag:$0x3], $0x4000, $0x38;
	[tilespmem:$0x1F000] =	vst v63  }
0x34: {  	_ =	swait.ge [sflag:s25], $0x4000  }
0x35: {  	[sflag:s25] =	ssyncset.done $0x0  }
0x36: {  	[sflag:s25] =	ssyncadd.s32 $0xFFFFC000  }
0x37: {  	_ =	swait.ge [sflag:s25], $0x4000  }
0x38: {  	[sflag:s25] =	ssyncset.done $0x0  }
0x39: {  	[sflag:s25] =	ssyncadd.s32 $0xFFFFC000  }
0x3a: {  	_ =	swait.ge [sflag:s25], $0x4000  }
0x3b: {  	[sflag:s25] =	ssyncset.done $0x0  }
0x3c: {  	[sflag:s25] =	ssyncadd.s32 $0xFFFFC000  }
0x3d: {  	_ =	swait.ge [sflag:s25], $0x4000  }
0x3e: {  	[sflag:s25] =	ssyncset.done $0x0  }
0x3f: {  	[sflag:s25] =	ssyncadd.s32 $0xFFFFC000  }
0x40: {  	_ =	swait.ge [sflag:s25], $0x4000  }
0x41: {  	[sflag:s25] =	ssyncset.done $0x0  }
0x42: {  	[sflag:s25] =	ssyncadd.s32 $0xFFFFC000  }
0x43: {  	s8 =	simm.s32 $0x0;
	[bflag:$0x0] =	sbarrier.arrive $0xFFFF  }
0x44: {  	[tilespmem:s8], [sflag:$0x1] =	stream.linear.gather [hbm4b:s20+s8], $0x1800, $0x38;
	[tilespmem:$0x1F000] =	vst v63  }
0x45: {  	_ = 	snop  }
0x46: {  	[tilespmem:s26], [sflag:$0x2] =	stream.linear.gather [hbm4b:s21+s8], $0x1800, $0x38;
	[tilespmem:$0x1F000] =	vst v63  }
0x47: {  	_ =	swait.ge [sflag:s28], $0x1800  }
0x48: {  	[sflag:s28] =	ssyncset.done $0x0  }
0x49: {  	[sflag:s28] =	ssyncadd.s32 $0xFFFFE800  }
0x4a: {  	_ =	swait.ge [sflag:s29], $0x1800  }
0x4b: {  	[sflag:s29] =	ssyncset.done $0x0  }
0x4c: {  	[sflag:s29] =	ssyncadd.s32 $0xFFFFE800  }
0x4d: {  	[tilespmem:s24], [sflag:$0x1] =	stream.indirect.gather [hbm4b:s1+s30], $0x80, s8, s30, $0xb8;
	[tilespmem:$0x1F000] =	vst v63  }
0x4e: {  	_ = 	snop  }
0x4f: {  	[tilespmem:s31], [sflag:$0x2] =	stream.indirect.gather [hbm4b:s1+s30], $0x80, s30, s30, $0xb8;
	[tilespmem:$0x1F000] =	vst v63  }
0x50: {  	_ =	swait.ge [sflag:s28], $0x4000  }
0x51: {  	[sflag:s28] =	ssyncset.done $0x0  }
0x52: {  	s9 =	simm.s32 $0x1800;
	[sflag:s28] =	ssyncadd.s32 $0xFFFFC000  }
0x53: {  	[spmem:s2] =	stream.indirect.scatter.add.f32 [tilespmem:s24], [sflag:$0x3], $0x80, s9, s30, $0xb8;
	[tilespmem:$0x1F000] =	vst v63  }
0x54: {  	_ =	swait.ge [sflag:s29], $0x4000  }
0x55: {  	[sflag:s29] =	ssyncset.done $0x0  }
0x56: {  	s7 =	simm.s32 $0x1880;
	[sflag:s29] =	ssyncadd.s32 $0xFFFFC000  }
0x57: {  	[spmem:s2] =	stream.indirect.scatter.add.f32 [tilespmem:s31], [sflag:$0x4], $0x80, s7, s30, $0xb8;
	[tilespmem:$0x1F000] =	vst v63  }
0x58: {  	_ =	swait.ge [sflag:s25], $0x4000  }
0x59: {  	[sflag:s25] =	ssyncset.done $0x0  }
0x5a: {  	s8 =	simm.s32 $0x100;
	[sflag:s25] =	ssyncadd.s32 $0xFFFFC000  }
0x5b: {  	[tilespmem:s24], [sflag:$0x1] =	stream.indirect.gather [hbm4b:s1+s30], $0x80, s8, s30, $0xb8;
	[tilespmem:$0x1F000] =	vst v63  }
0x5c: {  	_ =	swait.ge [sflag:s0], $0x4000  }
0x5d: {  	[sflag:s0] =	ssyncset.done $0x0  }
0x5e: {  	s9 =	simm.s32 $0x180;
	[sflag:s0] =	ssyncadd.s32 $0xFFFFC000  }
0x5f: {  	[tilespmem:s31], [sflag:$0x2] =	stream.indirect.gather [hbm4b:s1+s30], $0x80, s9, s30, $0xb8;
	[tilespmem:$0x1F000] =	vst v63  }
0x60: {  	_ =	swait.ge [sflag:s28], $0x4000  }
0x61: {  	[sflag:s28] =	ssyncset.done $0x0  }
0x62: {  	s7 =	simm.s32 $0x1900;
	[sflag:s28] =	ssyncadd.s32 $0xFFFFC000  }
0x63: {  	[spmem:s2] =	stream.indirect.scatter.add.f32 [tilespmem:s24], [sflag:$0x3], $0x80, s7, s30, $0xb8;
	[tilespmem:$0x1F000] =	vst v63  }
0x64: {  	_ =	swait.ge [sflag:s29], $0x4000  }
0x65: {  	[sflag:s29] =	ssyncset.done $0x0  }
0x66: {  	s8 =	simm.s32 $0x1980;
	[sflag:s29] =	ssyncadd.s32 $0xFFFFC000  }
0x67: {  	[spmem:s2] =	stream.indirect.scatter.add.f32 [tilespmem:s31], [sflag:$0x4], $0x80, s8, s30, $0xb8;
	[tilespmem:$0x1F000] =	vst v63  }
0x68: {  	_ =	swait.ge [sflag:s25], $0x4000  }
0x69: {  	[sflag:s25] =	ssyncset.done $0x0  }
0x6a: {  	s9 =	simm.s32 $0x200;
	[sflag:s25] =	ssyncadd.s32 $0xFFFFC000  }
0x6b: {  	[tilespmem:s24], [sflag:$0x1] =	stream.indirect.gather [hbm4b:s1+s30], $0x80, s9, s30, $0xb8;
	[tilespmem:$0x1F000] =	vst v63  }
0x6c: {  	_ =	swait.ge [sflag:s0], $0x4000  }
0x6d: {  	s6 =	simm.s32 $0x0;
	[sflag:s0] =	ssyncset.done $0x0  }
0x6e: {  	s7 =	simm.s32 $0x800;
	s8 =	simm.s32 $0x280;
	[sflag:s0] =	ssyncadd.s32 $0xFFFFC000  }
.LBB2_4:
0x6f: {  	[tilespmem:s31], [sflag:$0x2] =	stream.indirect.gather [hbm4b:s1+s30], $0x80, s8, s30, $0xb8;
	[tilespmem:$0x1F000] =	vst v63  }
0x70: {  	s6 =	sadd.s32 $0x2, s6;
	_ =	swait.ge [sflag:s28], $0x4000  }
0x71: {  	s8 =	sshra.s32 s7, $0x2;
	p0 =	slt.u32 s6, $0x12;
	[sflag:s28] =	ssyncset.done $0x0  }
0x72: {  	s9 =	sadd.s32 $0x1800, s8;
	[sflag:s28] =	ssyncadd.s32 $0xFFFFC000  }
0x73: {  	[spmem:s2] =	stream.indirect.scatter.add.f32 [tilespmem:s24], [sflag:$0x3], $0x80, s9, s30, $0xb8;
	[tilespmem:$0x1F000] =	vst v63  }
0x74: {  	_ =	swait.ge [sflag:s29], $0x4000  }
0x75: {  	[sflag:s29] =	ssyncset.done $0x0  }
0x76: {  	s9 =	sadd.s32 $0x1880, s8;
	[sflag:s29] =	ssyncadd.s32 $0xFFFFC000  }
0x77: {  	[spmem:s2] =	stream.indirect.scatter.add.f32 [tilespmem:s31], [sflag:$0x4], $0x80, s9, s30, $0xb8;
	[tilespmem:$0x1F000] =	vst v63  }
0x78: {  	_ =	swait.ge [sflag:s25], $0x4000  }
0x79: {  	[sflag:s25] =	ssyncset.done $0x0  }
0x7a: {  	s9 =	sadd.s32 $0x100, s8;
	[sflag:s25] =	ssyncadd.s32 $0xFFFFC000  }
0x7b: {  	[tilespmem:s24], [sflag:$0x1] =	stream.indirect.gather [hbm4b:s1+s30], $0x80, s9, s30, $0xb8;
	[tilespmem:$0x1F000] =	vst v63  }
0x7c: {  	_ =	swait.ge [sflag:s0], $0x4000  }
0x7d: {  	[sflag:s0] =	ssyncset.done $0x0  }
0x7e: {  	s9 =	sadd.s32 $0x180, s8;
	[sflag:s0] =	ssyncadd.s32 $0xFFFFC000  }
0x7f: {  	[tilespmem:s31], [sflag:$0x2] =	stream.indirect.gather [hbm4b:s1+s30], $0x80, s9, s30, $0xb8;
	[tilespmem:$0x1F000] =	vst v63  }
0x80: {  	_ =	swait.ge [sflag:s28], $0x4000  }
0x81: {  	[sflag:s28] =	ssyncset.done $0x0  }
0x82: {  	s9 =	sadd.s32 $0x1900, s8;
	[sflag:s28] =	ssyncadd.s32 $0xFFFFC000  }
0x83: {  	[spmem:s2] =	stream.indirect.scatter.add.f32 [tilespmem:s24], [sflag:$0x3], $0x80, s9, s30, $0xb8;
	[tilespmem:$0x1F000] =	vst v63  }
0x84: {  	_ =	swait.ge [sflag:s29], $0x4000  }
0x85: {  	[sflag:s29] =	ssyncset.done $0x0  }
0x86: {  	s9 =	sadd.s32 $0x1980, s8;
	[sflag:s29] =	ssyncadd.s32 $0xFFFFC000  }
0x87: {  	[spmem:s2] =	stream.indirect.scatter.add.f32 [tilespmem:s31], [sflag:$0x4], $0x80, s9, s30, $0xb8;
	[tilespmem:$0x1F000] =	vst v63  }
0x88: {  	_ =	swait.ge [sflag:s25], $0x4000  }
0x89: {  	[sflag:s25] =	ssyncset.done $0x0  }
.Ltmp1:
0x8a: {  	s9 =	sadd.s32 $0x200, s8;
	[sflag:s25] =	ssyncadd.s32 $0xFFFFC000;
	(pc) =	sbr.rel @p0 .LBB2_4-.Ltmp1, $4  }
0x8b: {  	[tilespmem:s24], [sflag:$0x1] =	stream.indirect.gather [hbm4b:s1+s30], $0x80, s9, s30, $0xb8;
	[tilespmem:$0x1F000] =	vst v63  }
0x8c: {  	_ =	swait.ge [sflag:s0], $0x4000  }
0x8d: {  	[sflag:s0] =	ssyncset.done $0x0  }
0x8e: {  	s7 =	sadd.s32 $0x800, s7;
	s8 =	sadd.s32 $0x280, s8;
	[sflag:s0] =	ssyncadd.s32 $0xFFFFC000  }
0x8f: {  	[tilespmem:s31], [sflag:$0x2] =	stream.indirect.gather [hbm4b:s1+s30], $0x80, s8, s30, $0xb8;
	[tilespmem:$0x1F000] =	vst v63  }
0x90: {  	_ =	swait.ge [sflag:s28], $0x4000  }
0x91: {  	[sflag:s28] =	ssyncset.done $0x0  }
0x92: {  	[sflag:s28] =	ssyncadd.s32 $0xFFFFC000  }
0x93: {  	_ =	swait.ge [sflag:s29], $0x4000  }
0x94: {  	[sflag:s29] =	ssyncset.done $0x0  }
0x95: {  	s6 =	simm.s32 $0x0;
	[sflag:s29] =	ssyncadd.s32 $0xFFFFC000  }
0x96: {  	[tilespmem:s6], [sflag:$0x1] =	stream.linear.gather [hbm4b:s22+s6], $0x1800, $0x38;
	[tilespmem:$0x1F000] =	vst v63  }
0x97: {  	_ = 	snop  }
0x98: {  	[tilespmem:s26], [sflag:$0x2] =	stream.linear.gather [hbm4b:s23+s6], $0x1800, $0x38;
	[tilespmem:$0x1F000] =	vst v63  }
0x99: {  	_ =	swait.ge [sflag:s28], $0x1800  }
0x9a: {  	[sflag:s28] =	ssyncset.done $0x0  }
0x9b: {  	[sflag:s28] =	ssyncadd.s32 $0xFFFFE800  }
0x9c: {  	_ =	swait.ge [sflag:s29], $0x1800  }
0x9d: {  	[sflag:s29] =	ssyncset.done $0x0  }
0x9e: {  	[sflag:s29] =	ssyncadd.s32 $0xFFFFE800  }
0x9f: {  	[tilespmem:s24], [sflag:$0x1] =	stream.indirect.gather [hbm4b:s1+s30], $0x80, s6, s30, $0xb8;
	[tilespmem:$0x1F000] =	vst v63  }
0xa0: {  	_ = 	snop  }
0xa1: {  	[tilespmem:s31], [sflag:$0x2] =	stream.indirect.gather [hbm4b:s1+s30], $0x80, s30, s30, $0xb8;
	[tilespmem:$0x1F000] =	vst v63  }
0xa2: {  	_ =	swait.ge [sflag:s28], $0x4000  }
0xa3: {  	[sflag:s28] =	ssyncset.done $0x0  }
0xa4: {  	s9 =	simm.s32 $0x1800;
	[sflag:s28] =	ssyncadd.s32 $0xFFFFC000  }
0xa5: {  	[spmem:s2] =	stream.indirect.scatter.add.f32 [tilespmem:s24], [sflag:$0x3], $0x80, s9, s30, $0xb8;
	[tilespmem:$0x1F000] =	vst v63  }
0xa6: {  	_ =	swait.ge [sflag:s29], $0x4000  }
0xa7: {  	[sflag:s29] =	ssyncset.done $0x0  }
0xa8: {  	s7 =	simm.s32 $0x1880;
	[sflag:s29] =	ssyncadd.s32 $0xFFFFC000  }
0xa9: {  	[spmem:s2] =	stream.indirect.scatter.add.f32 [tilespmem:s31], [sflag:$0x4], $0x80, s7, s30, $0xb8;
	[tilespmem:$0x1F000] =	vst v63  }
0xaa: {  	_ =	swait.ge [sflag:s25], $0x4000  }
0xab: {  	[sflag:s25] =	ssyncset.done $0x0  }
0xac: {  	s8 =	simm.s32 $0x100;
	[sflag:s25] =	ssyncadd.s32 $0xFFFFC000  }
0xad: {  	[tilespmem:s24], [sflag:$0x1] =	stream.indirect.gather [hbm4b:s1+s30], $0x80, s8, s30, $0xb8;
	[tilespmem:$0x1F000] =	vst v63  }
0xae: {  	_ =	swait.ge [sflag:s0], $0x4000  }
0xaf: {  	[sflag:s0] =	ssyncset.done $0x0  }
0xb0: {  	s9 =	simm.s32 $0x180;
	[sflag:s0] =	ssyncadd.s32 $0xFFFFC000  }
0xb1: {  	[tilespmem:s31], [sflag:$0x2] =	stream.indirect.gather [hbm4b:s1+s30], $0x80, s9, s30, $0xb8;
	[tilespmem:$0x1F000] =	vst v63  }
0xb2: {  	_ =	swait.ge [sflag:s28], $0x4000  }
0xb3: {  	[sflag:s28] =	ssyncset.done $0x0  }
0xb4: {  	s7 =	simm.s32 $0x1900;
	[sflag:s28] =	ssyncadd.s32 $0xFFFFC000  }
0xb5: {  	[spmem:s2] =	stream.indirect.scatter.add.f32 [tilespmem:s24], [sflag:$0x3], $0x80, s7, s30, $0xb8;
	[tilespmem:$0x1F000] =	vst v63  }
0xb6: {  	_ =	swait.ge [sflag:s29], $0x4000  }
0xb7: {  	[sflag:s29] =	ssyncset.done $0x0  }
0xb8: {  	s8 =	simm.s32 $0x1980;
	[sflag:s29] =	ssyncadd.s32 $0xFFFFC000  }
0xb9: {  	[spmem:s2] =	stream.indirect.scatter.add.f32 [tilespmem:s31], [sflag:$0x4], $0x80, s8, s30, $0xb8;
	[tilespmem:$0x1F000] =	vst v63  }
0xba: {  	_ =	swait.ge [sflag:s25], $0x4000  }
0xbb: {  	[sflag:s25] =	ssyncset.done $0x0  }
0xbc: {  	s9 =	simm.s32 $0x200;
	[sflag:s25] =	ssyncadd.s32 $0xFFFFC000  }
0xbd: {  	[tilespmem:s24], [sflag:$0x1] =	stream.indirect.gather [hbm4b:s1+s30], $0x80, s9, s30, $0xb8;
	[tilespmem:$0x1F000] =	vst v63  }
0xbe: {  	_ =	swait.ge [sflag:s0], $0x4000  }
0xbf: {  	s6 =	simm.s32 $0x0;
	[sflag:s0] =	ssyncset.done $0x0  }
0xc0: {  	s7 =	simm.s32 $0x800;
	s8 =	simm.s32 $0x280;
	[sflag:s0] =	ssyncadd.s32 $0xFFFFC000  }
.LBB2_6:
0xc1: {  	[tilespmem:s31], [sflag:$0x2] =	stream.indirect.gather [hbm4b:s1+s30], $0x80, s8, s30, $0xb8;
	[tilespmem:$0x1F000] =	vst v63  }
0xc2: {  	s6 =	sadd.s32 $0x2, s6;
	_ =	swait.ge [sflag:s28], $0x4000  }
0xc3: {  	s8 =	sshra.s32 s7, $0x2;
	p0 =	slt.u32 s6, $0x12;
	[sflag:s28] =	ssyncset.done $0x0  }
0xc4: {  	s9 =	sadd.s32 $0x1800, s8;
	[sflag:s28] =	ssyncadd.s32 $0xFFFFC000  }
0xc5: {  	[spmem:s2] =	stream.indirect.scatter.add.f32 [tilespmem:s24], [sflag:$0x3], $0x80, s9, s30, $0xb8;
	[tilespmem:$0x1F000] =	vst v63  }
0xc6: {  	_ =	swait.ge [sflag:s29], $0x4000  }
0xc7: {  	[sflag:s29] =	ssyncset.done $0x0  }
0xc8: {  	s9 =	sadd.s32 $0x1880, s8;
	[sflag:s29] =	ssyncadd.s32 $0xFFFFC000  }
0xc9: {  	[spmem:s2] =	stream.indirect.scatter.add.f32 [tilespmem:s31], [sflag:$0x4], $0x80, s9, s30, $0xb8;
	[tilespmem:$0x1F000] =	vst v63  }
0xca: {  	_ =	swait.ge [sflag:s25], $0x4000  }
0xcb: {  	[sflag:s25] =	ssyncset.done $0x0  }
0xcc: {  	s9 =	sadd.s32 $0x100, s8;
	[sflag:s25] =	ssyncadd.s32 $0xFFFFC000  }
0xcd: {  	[tilespmem:s24], [sflag:$0x1] =	stream.indirect.gather [hbm4b:s1+s30], $0x80, s9, s30, $0xb8;
	[tilespmem:$0x1F000] =	vst v63  }
0xce: {  	_ =	swait.ge [sflag:s0], $0x4000  }
0xcf: {  	[sflag:s0] =	ssyncset.done $0x0  }
0xd0: {  	s9 =	sadd.s32 $0x180, s8;
	[sflag:s0] =	ssyncadd.s32 $0xFFFFC000  }
0xd1: {  	[tilespmem:s31], [sflag:$0x2] =	stream.indirect.gather [hbm4b:s1+s30], $0x80, s9, s30, $0xb8;
	[tilespmem:$0x1F000] =	vst v63  }
0xd2: {  	_ =	swait.ge [sflag:s28], $0x4000  }
0xd3: {  	[sflag:s28] =	ssyncset.done $0x0  }
0xd4: {  	s9 =	sadd.s32 $0x1900, s8;
	[sflag:s28] =	ssyncadd.s32 $0xFFFFC000  }
0xd5: {  	[spmem:s2] =	stream.indirect.scatter.add.f32 [tilespmem:s24], [sflag:$0x3], $0x80, s9, s30, $0xb8;
	[tilespmem:$0x1F000] =	vst v63  }
0xd6: {  	_ =	swait.ge [sflag:s29], $0x4000  }
0xd7: {  	[sflag:s29] =	ssyncset.done $0x0  }
0xd8: {  	s9 =	sadd.s32 $0x1980, s8;
	[sflag:s29] =	ssyncadd.s32 $0xFFFFC000  }
0xd9: {  	[spmem:s2] =	stream.indirect.scatter.add.f32 [tilespmem:s31], [sflag:$0x4], $0x80, s9, s30, $0xb8;
	[tilespmem:$0x1F000] =	vst v63  }
0xda: {  	_ =	swait.ge [sflag:s25], $0x4000  }
0xdb: {  	[sflag:s25] =	ssyncset.done $0x0  }
.Ltmp2:
0xdc: {  	s9 =	sadd.s32 $0x200, s8;
	[sflag:s25] =	ssyncadd.s32 $0xFFFFC000;
	(pc) =	sbr.rel @p0 .LBB2_6-.Ltmp2, $4  }
0xdd: {  	[tilespmem:s24], [sflag:$0x1] =	stream.indirect.gather [hbm4b:s1+s30], $0x80, s9, s30, $0xb8;
	[tilespmem:$0x1F000] =	vst v63  }
0xde: {  	_ =	swait.ge [sflag:s0], $0x4000  }
0xdf: {  	[sflag:s0] =	ssyncset.done $0x0  }
0xe0: {  	s7 =	sadd.s32 $0x800, s7;
	s8 =	sadd.s32 $0x280, s8;
	[sflag:s0] =	ssyncadd.s32 $0xFFFFC000  }
0xe1: {  	[tilespmem:s31], [sflag:$0x2] =	stream.indirect.gather [hbm4b:s1+s30], $0x80, s8, s30, $0xb8;
	[tilespmem:$0x1F000] =	vst v63  }
0xe2: {  	_ =	swait.ge [sflag:s28], $0x4000  }
0xe3: {  	[sflag:s28] =	ssyncset.done $0x0  }
0xe4: {  	[sflag:s28] =	ssyncadd.s32 $0xFFFFC000  }
0xe5: {  	_ =	swait.ge [sflag:s29], $0x4000  }
0xe6: {  	[sflag:s29] =	ssyncset.done $0x0  }
0xe7: {  	[sflag:s29] =	ssyncadd.s32 $0xFFFFC000  }
0xe8: {  	[bflag:$0x0] =	sbarrier.arrive $0xFFFF  }
0xe9: {  	[tilespmem:s24], [sflag:$0x1] =	stream.linear.gather [spmem:s5], $0x4000, $0x38;
	[tilespmem:$0x1F000] =	vst v63  }
0xea: {  	_ =	swait.ge [sflag:s28], $0x4000  }
0xeb: {  	[sflag:s28] =	ssyncset.done $0x0  }
0xec: {  	s6 =	rddreg [dreg:$0x4];
	[sflag:s28] =	ssyncadd.s32 $0xFFFFC000  }
0xed: {  	[hbm4b:s6+s4] =	stream.linear.scatter [tilespmem:s24], [sflag:$0x3], $0x4000, $0x38;
	[tilespmem:$0x1F000] =	vst v63  }
0xee: {  	s7 =	rddreg [dreg:$0x5]  }
0xef: {  	[tilespmem:s31], [sflag:$0x2] =	stream.linear.gather [spmem:s7], $0x4000, $0x38;
	[tilespmem:$0x1F000] =	vst v63  }
0xf0: {  	_ =	swait.ge [sflag:s29], $0x4000  }
0xf1: {  	[sflag:s29] =	ssyncset.done $0x0  }
0xf2: {  	s8 =	rddreg [dreg:$0x6];
	[sflag:s29] =	ssyncadd.s32 $0xFFFFC000  }
0xf3: {  	[hbm4b:s8+s4] =	stream.linear.scatter [tilespmem:s31], [sflag:$0x4], $0x4000, $0x38;
	[tilespmem:$0x1F000] =	vst v63  }
0xf4: {  	_ =	swait.ge [sflag:s25], $0x4000  }
0xf5: {  	[sflag:s25] =	ssyncset.done $0x0  }
0xf6: {  	s9 =	rddreg [dreg:$0x7];
	[sflag:s25] =	ssyncadd.s32 $0xFFFFC000  }
0xf7: {  	[tilespmem:s24], [sflag:$0x1] =	stream.linear.gather [spmem:s9], $0x4000, $0x38;
	[tilespmem:$0x1F000] =	vst v63  }
0xf8: {  	_ =	swait.ge [sflag:s28], $0x4000  }
0xf9: {  	[sflag:s28] =	ssyncset.done $0x0  }
0xfa: {  	[sflag:s28] =	ssyncadd.s32 $0xFFFFC000  }
0xfb: {  	[hbm4b:s10+s4] =	stream.linear.scatter [tilespmem:s24], [sflag:$0x3], $0x4000, $0x38;
	[tilespmem:$0x1F000] =	vst v63  }
0xfc: {  	_ =	swait.ge [sflag:s0], $0x4000  }
0xfd: {  	[sflag:s0] =	ssyncset.done $0x0  }
0xfe: {  	[sflag:s0] =	ssyncadd.s32 $0xFFFFC000  }
0xff: {  	[tilespmem:s31], [sflag:$0x2] =	stream.linear.gather [spmem:s11], $0x4000, $0x38;
	[tilespmem:$0x1F000] =	vst v63  }
0x100: {  	_ =	swait.ge [sflag:s29], $0x4000  }
0x101: {  	[sflag:s29] =	ssyncset.done $0x0  }
0x102: {  	[sflag:s29] =	ssyncadd.s32 $0xFFFFC000  }
0x103: {  	[hbm4b:s12+s4] =	stream.linear.scatter [tilespmem:s31], [sflag:$0x4], $0x4000, $0x38;
	[tilespmem:$0x1F000] =	vst v63  }
0x104: {  	_ =	swait.ge [sflag:s25], $0x4000  }
0x105: {  	[sflag:s25] =	ssyncset.done $0x0  }
0x106: {  	[sflag:s25] =	ssyncadd.s32 $0xFFFFC000  }
0x107: {  	[tilespmem:s24], [sflag:$0x1] =	stream.linear.gather [spmem:s13], $0x4000, $0x38;
	[tilespmem:$0x1F000] =	vst v63  }
0x108: {  	_ =	swait.ge [sflag:s28], $0x4000  }
0x109: {  	[sflag:s28] =	ssyncset.done $0x0  }
0x10a: {  	s3 =	sadd.s32 $0x1, s3;
	[sflag:s28] =	ssyncadd.s32 $0xFFFFC000  }
0x10b: {  	[hbm4b:s14+s4] =	stream.linear.scatter [tilespmem:s24], [sflag:$0x3], $0x4000, $0x38;
	[tilespmem:$0x1F000] =	vst v63  }
0x10c: {  	p0 =	sne.s32 s3, s15;
	_ =	swait.ge [sflag:s0], $0x4000  }
.Ltmp3:
0x10d: {  	[sflag:s0] =	ssyncset.done $0x0;
	(pc) =	sbr.rel @p0 .LBB2_1-.Ltmp3, $4  }
0x10e: {  	[sflag:s0] =	ssyncadd.s32 $0xFFFFC000  }
0x10f: {  	_ =	swait.ge [sflag:s25], $0x4000  }
0x110: {  	[sflag:s25] =	ssyncset.done $0x0  }
0x111: {  	[sflag:s25] =	ssyncadd.s32 $0xFFFFC000  }
0x112: {  	_ =	sfence.sel $0x180000  }
0x113: {  	[bflag:$0x0] =	sbarrier.arrive $0xFFFF  }
0x114: {  	_ =	strace $0x9000004D  }
0x115: {  	s0 =	stileid.u32;
	[bflag:$0x2] =	sbarrier.arrive $0xFFFF  }
0x116: {  	p0 =	sne.s32 s0, $0x0;
	s0 =	rddreg [dreg:$0x3]  }
0x117: {  	s0 =	sadd.s32 @!p0 $0x100000, s0  }
0x118: {  	[sflag:s0] =	ssyncadd.tile.s32 @!p0 $0x1;
	_ =	shalt  }
.Lfunc_end2:
_tile_overlayer_lowered:
.L_overlay_start_2:
0x119: {  	(tag) =	ssettag $0x2  }
0x11a: {  	s0 =	rddreg [dreg:$0x0];
	s2 =	stileid.u32  }
0x11b: {  	s1 =	rddreg [dreg:$0x1];
	p0 =	sne.s32 s2, $0x0  }
0x11c: {  	s3 =	rddreg [dreg:$0x2];
	[bflag:$0x3] =	sbarrier.arrive $0xFFFF;
	s2 =	simm.s32 @!p0 $0x1C05  }
0x11d: {  	[timem:s3], [sflag:s2] =	dma.local @!p0 [hbm:s0], s1  }
0x11e: {  	s0 =	simm.s32 @!p0 $0x5  }
0x11f: {  	_ =	swait.ge @!p0 [sflag:s0], s1  }
0x120: {  	s1 =	ssub.s32 @!p0 $0x0, s1;
	[sflag:s0] =	ssyncset.done @!p0 $0x0  }
0x121: {  	[sflag:s0] =	ssyncadd.s32 @!p0 s1  }
0x122: {  	[bflag:$0x3] =	sbarrier.arrive $0xFFFF  }
0x123: {  	_ =	shalt  }

// kernel: kernel.8.cloned.1.call-start
scs
__scs_entry_jumppad:
0x0: {  	(pc) =	sbr.rel $0x88, $3  }
0x1: {  	(tag) =	ssettag $0x0;
	lr =	simm.s32 $0x1  }
0x2: {  	[smem:$0x3F9B] =	sst lr;
	_ =	strace $0xD0000000  }
0x3: {  	_ = 	snop  }
0x4: {  	_ = 	snop  }
0x5: {  	_ = 	snop  }
0x6: {  	_ = 	snop  }
0x7: {  	_ = 	snop  }
__scs_overlays_trampoline_lowered:
0x8: {  	[smem:$0x3FAA] =	sst s0  }
0x9: {  	[smem:$0x3FAB] =	sst s1  }
0xa: {  	[smem:$0x3FAC] =	sst s2  }
0xb: {  	[smem:$0x3FAD] =	sst s3  }
0xc: {  	[smem:$0x3FAE] =	sst s4  }
0xd: {  	[smem:$0x3FAF] =	sst s5  }
0xe: {  	[smem:$0x3FB0] =	sst s6  }
0xf: {  	[smem:$0x3FB1] =	sst s7  }
0x10: {  	[smem:$0x3FB2] =	sst s8  }
0x11: {  	[smem:$0x3FB3] =	sst s9;
	s0 =	simm.s32 @!p0 $0x0  }
0x12: {  	s1 =	sld [smem:$0x3F99];
	s0 =	simm.s32 @p0 $0x1  }
0x13: {  	[smem:$0x3FB4] =	sst s0;
	s0 =	simm.s32 @!p1 $0x0  }
0x14: {  	s2 =	sld [smem:$0x3F98];
	s0 =	simm.s32 @p1 $0x1  }
0x15: {  	[smem:$0x3FB5] =	sst s0;
	s0 =	simm.s32 @!p2 $0x0  }
0x16: {  	s3 =	sld [smem:$0x3FDB];
	s0 =	simm.s32 @p2 $0x1  }
0x17: {  	s4 =	simm.s32 $0x1BF5;
	[smem:$0x3FB7] =	sst s0  }
0x18: {  	s0 =	sld [smem:$0x3F9A];
	_ =	swait.ge [sflag:s4], $0x0  }
0x19: {  	s7 =	sld [smem:$0x3F9B]  }
0x1a: {  	s8 =	sadd.s32 $0xFFFFE003, lr  }
0x1b: {  	s9 =	sadd.s32 $0xFFFFFEF7, lr;
	s5 =	simm.s32 $0xFFFFFFFF;
	p2 =	slt.u32 s8, $0xFFFFF086  }
0x1c: {  	p1 =	slt.u32 s9, $0xF7A;
	s5 =	simm.s32 @!p2 $0x0  }
0x1d: {  	s5 =	simm.s32 @p1 $0x1;
	p0 =	seq.s32 s7, s2  }
0x1e: {  	s7 =	smul.u32 @!p0 $0xF7A, s2;
	p2 =	seq.s32 @!p0 s5, $0x0  }
0x1f: {  	s9 =	smul.u32 $0xF7A, s1;
	s8 =	simm.s32 @!p0 $0x1BF5;
	p2 =	por !p2, p0  }
0x20: {  	[sflag:s8] =	ssyncset.s32 @!p0 $0xFFFFF086;
	s6 =	sadd.s32 @!p0 s3, s7;
	s7 =	simm.s32 @!p0 $0x108  }
0x21: {  	s3 =	sadd.s32 s3, s9;
	s6 =	sadd.s32 @!p0 $0x88, s6;
	s7 =	simm.s32 @p2 $0x1082  }
0x22: {  	[simem:s7], [sflag:s8] =	dma.local @!p0 [hbm:s6], $0xF7A  }
0x23: {  	s9 =	sor.u32 $0xD0000000, s2;
	s6 =	simm.s32 $0x108;
	_ =	swait.ge @!p0 [sflag:s8], $0x0  }
0x24: {  	s3 =	sadd.s32 $0x88, s3;
	s6 =	simm.s32 @!p1 $0x1082;
	[sflag:s4] =	ssyncset.s32 $0xFFFFF086  }
0x25: {  	[simem:s6], [sflag:s4] =	dma.local [hbm:s3], $0xF7A  }
0x26: {  	[smem:$0x3F9B] =	sst s1;
	(tag) =	ssettag s2;
	_ =	strace s9  }
0x27: {  	s1 =	sld [smem:$0x3FAB]  }
0x28: {  	s2 =	sld [smem:$0x3FAC]  }
0x29: {  	s4 =	sld [smem:$0x3FAE]  }
0x2a: {  	p0 =	seq.s32 s5, $0x0;
	s5 =	sld [smem:$0x3FAF]  }
0x2b: {  	s6 =	sld [smem:$0x3FB0]  }
0x2c: {  	s7 =	sld [smem:$0x3FB1]  }
0x2d: {  	s3 =	simm.s32 $0x108;
	s8 =	sld [smem:$0x3FB2]  }
0x2e: {  	s3 =	simm.s32 @!p0 $0x1082;
	s9 =	sld [smem:$0x3FB3]  }
0x2f: {  	lr =	sadd.s32 s0, s3;
	s0 =	sld [smem:$0x3FAA]  }
0x30: {  	s3 =	sld [smem:$0x3FAD]  }
0x31: {  	[smem:$0x3FB6] =	sst s10  }
0x32: {  	s10 =	sld [smem:$0x3FB4];
	_ =	sdelay $0x3  }
0x33: {  	p0 =	seq.s32 s10, $0x1;
	s10 =	sld [smem:$0x3FB6];
	_ =	sdelay $0x3  }
0x34: {  	[smem:$0x3FB6] =	sst s10  }
0x35: {  	s10 =	sld [smem:$0x3FB5];
	_ =	sdelay $0x3  }
0x36: {  	p1 =	seq.s32 s10, $0x1;
	s10 =	sld [smem:$0x3FB6];
	_ =	sdelay $0x3  }
0x37: {  	[smem:$0x3FB6] =	sst s10  }
0x38: {  	s10 =	sld [smem:$0x3FB7]  }
0x39: {  	_ = 	snop;
	(pc) =	sbr.ind lr, $3  }
0x3a: {  	_ = 	snop  }
0x3b: {  	_ = 	snop  }
0x3c: {  	p2 =	seq.s32 s10, $0x1;
	s10 =	sld [smem:$0x3FB6]  }
0x3d: {  	_ =	shalt  }
0x3e: {  	_ =	shalt  }
0x3f: {  	_ =	shalt  }
0x40: {  	_ =	shalt  }
0x41: {  	_ =	shalt  }
0x42: {  	_ =	shalt  }
0x43: {  	_ =	shalt  }
0x44: {  	_ =	shalt  }
0x45: {  	_ =	shalt  }
0x46: {  	_ =	shalt  }
0x47: {  	_ =	shalt  }
0x48: {  	_ =	shalt  }
0x49: {  	_ =	shalt  }
0x4a: {  	_ =	shalt  }
0x4b: {  	_ =	shalt  }
0x4c: {  	_ =	shalt  }
0x4d: {  	_ =	shalt  }
0x4e: {  	_ =	shalt  }
0x4f: {  	_ =	shalt  }
0x50: {  	_ =	shalt  }
0x51: {  	_ =	shalt  }
0x52: {  	_ =	shalt  }
0x53: {  	_ =	shalt  }
0x54: {  	_ =	shalt  }
0x55: {  	_ =	shalt  }
0x56: {  	_ =	shalt  }
0x57: {  	_ =	shalt  }
0x58: {  	_ =	shalt  }
0x59: {  	_ =	shalt  }
0x5a: {  	_ =	shalt  }
0x5b: {  	_ =	shalt  }
0x5c: {  	_ =	shalt  }
0x5d: {  	_ =	shalt  }
0x5e: {  	_ =	shalt  }
0x5f: {  	_ =	shalt  }
0x60: {  	_ =	shalt  }
0x61: {  	_ =	shalt  }
0x62: {  	_ =	shalt  }
0x63: {  	_ =	shalt  }
0x64: {  	_ =	shalt  }
0x65: {  	_ =	shalt  }
0x66: {  	_ =	shalt  }
0x67: {  	_ =	shalt  }
0x68: {  	_ =	shalt  }
0x69: {  	_ =	shalt  }
0x6a: {  	_ =	shalt  }
0x6b: {  	_ =	shalt  }
0x6c: {  	_ =	shalt  }
0x6d: {  	_ =	shalt  }
0x6e: {  	_ =	shalt  }
0x6f: {  	_ =	shalt  }
0x70: {  	_ =	shalt  }
0x71: {  	_ =	shalt  }
0x72: {  	_ =	shalt  }
0x73: {  	_ =	shalt  }
0x74: {  	_ =	shalt  }
0x75: {  	_ =	shalt  }
0x76: {  	_ =	shalt  }
0x77: {  	_ =	shalt  }
0x78: {  	_ =	shalt  }
0x79: {  	_ =	shalt  }
0x7a: {  	_ =	shalt  }
0x7b: {  	_ =	shalt  }
0x7c: {  	_ =	shalt  }
0x7d: {  	_ =	shalt  }
0x7e: {  	_ =	shalt  }
0x7f: {  	_ =	shalt  }
0x80: {  	_ =	shalt  }
0x81: {  	_ =	shalt  }
0x82: {  	_ =	shalt  }
0x83: {  	_ =	shalt  }
0x84: {  	_ =	shalt  }
0x85: {  	_ =	shalt  }
0x86: {  	_ =	shalt  }
0x87: {  	_ =	shalt  }
.Lfunc_end0:
.L_simem_size_0:
called_computation_lowered:
.L_overlay_start_0:
0x88: {  	s2 =	sld [smem:$0x3FD9]  }
0x89: {  	s3 =	sld [smem:$0x3FFE];
	_ =	sdelay $0x1  }
0x8a: {  	s1 =	srdreg.scid  }
0x8b: {  	s0 =	sand.u32 $0x1, s1  }
0x8c: {  	s17 =	sshll.u32 s0, $0xA;
	s2 =	sadd.s32 s3, s2  }
0x8d: {  	s2 =	sadd.s32 s2, s17  }
0x8e: {  	[smem:$0x3FC2] =	sst s2  }
0x8f: {  	_ = 	snop  }
0x90: {  	s2 =	sld [smem:$0x3FD0];
	(tm) =	ssettm $0x1  }
0x91: {  	s18 =	sld [smem:$0x3FFB];
	_ =	sdelay $0x3  }
0x92: {  	_ =	strace s18  }
0x93: {  	s3 =	sld [smem:$0x3FFC];
	_ =	sdelay $0x3  }
0x94: {  	_ =	strace s3  }
0x95: {  	s3 =	sld [smem:$0x3FFD];
	_ =	sdelay $0x3  }
0x96: {  	_ =	strace s3  }
0x97: {  	_ =	strace $0x8FFFFFFF  }
0x98: {  	s19 =	sld [smem:$0x3FDB];
	_ =	sdelay $0x1  }
0x99: {  	s4 =	simm.s32 $_scs_section_size  }
0x9a: {  	s5 =	simm.s32 $_size__tile_overlayer_lowered;
	s6 =	simm.s32 $_tile_overlayer_lowered  }
0x9b: {  	s22 =	simm.s32 $0x1BFF;
	s21 =	sshll.u32 s6, $0x1;
	s3 =	sadd.s32 s4, s19  }
0x9c: {  	s7 =	simm.s32 $0x0;
	s20 =	sshll.u32 s5, $0x1;
	s5 =	sadd.s32 s21, s3  }
0x9d: {  	[timem:s7], [sflag:s22] =	dma.local [hbm:s5], s20  }
0x9e: {  	_ =	swait.ge [sflag:s22], s20  }
0x9f: {  	s4 =	ssub.s32 $0x0, s20;
	[sflag:s22] =	ssyncset.done $0x0  }
0xa0: {  	[sflag:s22] =	ssyncadd.s32 s4;
	_ =	sdelay $0x1  }
0xa1: {  	s23 =	simm.s32 $0x1B8B  }
0xa2: {  	_ =	swait.ge [sflag:s23], $0x1  }
0xa3: {  	[sflag:s23] =	ssyncset.done $0x0  }
0xa4: {  	s25 =	simm.s32 $0x1B8E;
	s24 =	sld [smem:$0x3FFE];
	[sflag:s23] =	ssyncadd.s32 $0xFFFFFFFF  }
0xa5: {  	s26 =	simm.s32 $execute0_lowered;
	[smem:$0x3FD2] =	sst s25  }
0xa6: {  	s5 =	sshll.u32 s26, $0x1;
	_ =	strace $0x80000046;
	[dreg:$0x1] =	wrdreg $0xFFFFFFFF  }
0xa7: {  	s28 =	simm.s32 $_size_execute0_lowered;
	s3 =	sadd.s32 s3, s5;
	[dreg:$0x0] =	wrdreg $0x0  }
0xa8: {  	s5 =	sshll.u32 s28, $0x1;
	[dreg:$0x2] =	wrdreg s3  }
0xa9: {  	[dreg:$0x3] =	wrdreg s5  }
0xaa: {  	[dreg:$0x4] =	wrdreg $0xC0  }
0xab: {  	_ =	task [dreg:s7], $0x5FFFF  }
0xac: {  	[dreg:$0x1] =	wrdreg $0xFFFFFFFF  }
0xad: {  	[dreg:$0x0] =	wrdreg $0x60  }
0xae: {  	[dreg:$0x2] =	wrdreg s24  }
0xaf: {  	[dreg:$0x3] =	wrdreg s2  }
0xb0: {  	[dreg:$0x4] =	wrdreg $0x52800  }
0xb1: {  	[dreg:$0x5] =	wrdreg $0x9  }
0xb2: {  	_ =	task.clear_ibuf [dreg:s7], $0x6FFFF;
	_ =	strace $0x90000046  }
0xb3: {  	s29 =	simm.s32 $0x9;
	_ =	strace $0x80000048  }
0xb4: {  	_ =	swait.ge [sflag:s29], $0x1  }
0xb5: {  	[sflag:s29] =	ssyncadd.s32 $0xFFFFFFFF  }
0xb6: {  	_ =	strace $0x90000048  }
0xb7: {  	_ =	sfence  }
0xb8: {  	s30 =	sld [smem:$0x0];
	_ =	sdelay $0x2  }
0xb9: {  	s31 =	sshll.u32 s1, $0xD;
	s1 =	sshrl.u32 s1, $0x2  }
0xba: {  	s3 =	sand.u32 $0x4000, s31;
	s1 =	sadd.s32 s1, s30  }
0xbb: {  	s0 =	sor.u32 s3, s0;
	s1 =	sshll.u32 s1, $0x11  }
0xbc: {  	s0 =	sor.u32 s1, s0  }
0xbd: {  	s0 =	sadd.s32 $0x8F2B, s0  }
0xbe: {  	[sflag:s0] =	ssyncadd.remote.s32 $0x1  }
0xbf: {  	_ =	sfence.sel $0xFFFF  }
0xc0: {  	[dreg:$0x0] =	wrdreg $0xFFFFFFFF;
	(pc) =	sbr.abs _section_cstart, $3  }
0xc1: {  	[dreg:$0x1] =	wrdreg $0xFFFFFFFF  }
0xc2: {  	_ =	task.clear_ibuf [dreg:s7], $0x2FFFF;
	_ =	strace $0x9FFFFFFF  }
0xc3: {  	(tm) =	ssettm $0x7FFFFFFF  }
tec
execute0_lowered:
.L_overlay_start_1:
0x0: {  	(tag) =	ssettag $0x1  }
0x1: {  	s3 =	rddreg [dreg:$0x0]  }
0x2: {  	s6 =	rddreg [dreg:$0x1]  }
0x3: {  	s1 =	srdreg.scid;
	s0 =	stileid.u32  }
0x4: {  	s5 =	rddreg [dreg:$0x2];
	s2 =	simm.s32 $0x0;
	s12 =	simm.s32 $0x5000  }
0x5: {  	s13 =	simm.s32 $0x0;
	s4 =	sand.u32 $0x1, s1;
	s10 =	smul.u32 $0x280, s0  }
0x6: {  	s1 =	rddreg [dreg:$0x3];
	s8 =	sshrl.u32 s0, $0x3;
	s11 =	smul.u32 $0x5000, s0  }
0x7: {  	s7 =	sshll.u32 s0, $0x1;
	[smem:$0x7FF] =	sst s2;
	s8 =	smul.u32 $0x50000, s8  }
0x8: {  	s7 =	sor.u32 s4, s7;
	s9 =	ssub.s32 $0x2, s4;
	s4 =	smul.u32 $0x2800, s4  }
0x9: {  	s29 =	sshll.u32 s0, $0x7;
	_ =	strace $0x80000047;
	s7 =	smul.u32 $0x500, s7  }
0xa: {  	s28 =	sshrl.u32 s9, $0x1;
	s30 =	sshrl.u32 s11, $0x2;
	s11 =	simm.s32 $0x400  }
0xb: {  	s8 =	sshrl.u32 s8, $0x2;
	s10 =	sadd.s32 s10, s4;
	s3 =	sadd.s32 s7, s3  }
0xc: {  	s7 =	ssub.s32 s9, s28;
	s9 =	sand.u32 $0x380, s29;
	s8 =	sadd.s32 s8, s5  }
0xd: {  	s31 =	sshrl.u32 s10, $0x3;
	s5 =	sadd.s32 s30, s5;
	s10 =	simm.s32 $0x80  }
0xe: {  	s3 =	sadd.s32 $0x2600, s3;
	s4 =	sadd.s32 s9, s8;
	s6 =	sadd.s32 s6, s31  }
0xf: {  	v0 =	vimm.f32 $0.0e+00;
	v1 =	vimm.f32 $1.000000000e+00;
	s7 =	smax.u32 s7, $0x1;
	s8 =	simm.s32 $0x1;
	s9 =	simm.s32 $0x2800  }
.LBB2_1:
0x10: {  	[tilespmem:s2], [sflag:$0x1] =	stream.linear.gather [hbm4b:s3+s2], $0x2800, $0x38;
	[tilespmem:$0x7A80] =	vst v63  }
0x11: {  	_ =	swait.ge [sflag:s8], $0x2800  }
0x12: {  	[sflag:s8] =	ssyncset.done $0x0  }
0x13: {  	s14 =	simm.s32 $0x0;
	[sflag:s8] =	ssyncadd.s32 $0xFFFFD800  }
.LBB2_2:
0x14: {  	p0 =	sne.s32 s14, $0x9FC0  }
.Ltmp0:
0x15: {  	_ = 	snop;
	(pc) =	sbr.rel @p0 .LBB2_2-.Ltmp0, $3  }
0x16: {  	_ =	sdelay $0x1  }
0x17: {  	s15 =	sshra.s32 s14, $0x2  }
0x18: {  	s14 =	sadd.s32 $0x40, s14;
	[tilespmem:s15+$0x2800] =	vst v0  }
0x19: {  	s14 =	simm.s32 $0x1C0  }
.LBB2_4:
0x1a: {  	s15 =	sshra.s32 s14, $0x2  }
0x1b: {  	v2 =	vld [tilespmem:s15+$0xFFFFFF90];
	_ =	sdelay $0x7  }
0x1c: {  	[tilespmem:v2+s9+$0x0] =	vst.idx.add.f32.msk $0xffff, v1  }
0x1d: {  	v2 =	vld [tilespmem:s15+$0xFFFFFFA0];
	_ =	sdelay $0x7  }
0x1e: {  	[tilespmem:v2+s9+$0x0] =	vst.idx.add.f32.msk $0xffff, v1  }
0x1f: {  	v2 =	vld [tilespmem:s15+$0xFFFFFFB0];
	_ =	sdelay $0x7  }
0x20: {  	[tilespmem:v2+s9+$0x0] =	vst.idx.add.f32.msk $0xffff, v1  }
0x21: {  	v2 =	vld [tilespmem:s15+$0xFFFFFFC0];
	_ =	sdelay $0x7  }
0x22: {  	[tilespmem:v2+s9+$0x0] =	vst.idx.add.f32.msk $0xffff, v1  }
0x23: {  	v2 =	vld [tilespmem:s15+$0xFFFFFFD0];
	_ =	sdelay $0x7  }
0x24: {  	[tilespmem:v2+s9+$0x0] =	vst.idx.add.f32.msk $0xffff, v1  }
0x25: {  	v2 =	vld [tilespmem:s15+$0xFFFFFFE0];
	_ =	sdelay $0x7  }
0x26: {  	[tilespmem:v2+s9+$0x0] =	vst.idx.add.f32.msk $0xffff, v1  }
0x27: {  	v2 =	vld [tilespmem:s15+$0xFFFFFFF0];
	_ =	sdelay $0x7  }
0x28: {  	[tilespmem:v2+s9+$0x0] =	vst.idx.add.f32.msk $0xffff, v1  }
0x29: {  	v2 =	vld [tilespmem:s15+$0x0];
	_ =	sdelay $0x2  }
0x2a: {  	p0 =	sne.s32 s14, $0x9FC0  }
.Ltmp1:
0x2b: {  	_ = 	snop;
	(pc) =	sbr.rel @p0 .LBB2_4-.Ltmp1, $2  }
0x2c: {  	_ =	sdelay $0x2  }
0x2d: {  	s14 =	sadd.s32 $0x200, s14;
	[tilespmem:v2+s9+$0x0] =	vst.idx.add.f32.msk $0xffff, v1  }
0x2e: {  	[spmem:s4] =	stream.strided.scatter [tilespmem:s9], [sflag:$0x1], $0x2800, s11, s10, $0x38;
	[tilespmem:$0x7A80] =	vst v63  }
0x2f: {  	_ =	swait.ge [sflag:s8], $0x2800  }
0x30: {  	[sflag:s8] =	ssyncset.done $0x0  }
0x31: {  	[sflag:s8] =	ssyncadd.s32 $0xFFFFD800  }
0x32: {  	[bflag:$0x0] =	sbarrier.arrive $0xFFFF  }
0x33: {  	[tilespmem:s12], [sflag:$0x1] =	stream.strided.gather [spmem:s5], $0x280, s11, s10, $0x38;
	[tilespmem:$0x7A80] =	vst v63  }
0x34: {  	_ =	swait.ge [sflag:s8], $0x280  }
0x35: {  	[sflag:s8] =	ssyncset.done $0x0  }
0x36: {  	s14 =	simm.s32 $0x0;
	[sflag:s8] =	ssyncadd.s32 $0xFFFFFD80  }
.LBB2_7:
0x37: {  	s14 =	sadd.s32 $0x1, s14  }
0x38: {  	s15 =	sshrl.u32 s14, $0x3  }
0x39: {  	s15 =	smul.u32 $0x50000, s15;
	_ =	sdelay $0x1  }
0x3a: {  	s16 =	sshll.u32 s14, $0x7;
	s15 =	sshra.s32 s15, $0x2  }
0x3b: {  	s16 =	sand.u32 $0x380, s16;
	s15 =	sadd.s32 s15, s5  }
0x3c: {  	s15 =	sadd.s32 s16, s15  }
0x3d: {  	[tilespmem:s9], [sflag:$0x1] =	stream.strided.gather [spmem:s15], $0x280, s11, s10, $0x38;
	[tilespmem:$0x7A80] =	vst v63  }
0x3e: {  	_ =	swait.ge [sflag:s8], $0x280  }
0x3f: {  	[sflag:s8] =	ssyncset.done $0x0  }
0x40: {  	s15 =	simm.s32 $0x0;
	[sflag:s8] =	ssyncadd.s32 $0xFFFFFD80  }
0x41: {  	s16 =	simm.s32 $0x40;
	v2 =	vld [tilespmem:s15+$0x2800]  }
.LBB2_8:
0x42: {  	p0 =	seq.s32 s16, $0x9C0;
	v3 =	vld [tilespmem:s15+$0x5000];
	_ =	sdelay $0x2  }
.Ltmp2:
0x43: {  	(pc) =	sbr.rel @!p0 .LBB2_8-.Ltmp2, $4  }
0x44: {  	_ = 	snop  }
0x45: {  	v3 =	vadd.f32 v2, v3  }
0x46: {  	s17 =	sshra.s32 s16, $0x2  }
0x47: {  	s16 =	sadd.s32 $0x40, s16;
	v2 =	vld [tilespmem:s17+$0x2800];
	[tilespmem:s15+$0x5000] =	vst v3;
	s15 =	smov.u32 s17  }
0x48: {  	v3 =	vld [tilespmem:s15+$0x5000];
	_ =	sdelay $0x4  }
0x49: {  	v2 =	vadd.f32 v2, v3;
	_ =	sdelay $0x1  }
0x4a: {  	[tilespmem:s15+$0x5000] =	vst v2  }
0x4b: {  	p0 =	seq.s32 s14, $0xF  }
.Ltmp3:
0x4c: {  	_ = 	snop;
	(pc) =	sbr.rel @!p0 .LBB2_7-.Ltmp3, $1  }
0x4d: {  	_ =	sdelay $0x3  }
0x4e: {  	s13 =	sadd.s32 $0x1, s13  }
0x4f: {  	p0 =	sne.s32 s13, s7  }
.Ltmp4:
0x50: {  	_ = 	snop;
	(pc) =	sbr.rel @p0 .LBB2_1-.Ltmp4, $4  }
0x51: {  	[hbm4b:s6+s2] =	stream.linear.scatter [tilespmem:s12], [sflag:$0x1], $0x280, $0x38;
	[tilespmem:$0x7A80] =	vst v63  }
0x52: {  	_ =	swait.ge [sflag:s8], $0x280  }
0x53: {  	[sflag:s8] =	ssyncset.done $0x0  }
0x54: {  	[sflag:s8] =	ssyncadd.s32 $0xFFFFFD80  }
0x55: {  	_ =	sfence.sel $0x180000  }
0x56: {  	[bflag:$0x0] =	sbarrier.arrive $0xFFFF  }
0x57: {  	p0 =	sne.s32 s0, $0x0;
	_ =	strace $0x90000047  }
0x58: {  	s0 =	sadd.s32 @!p0 $0x100000, s1;
	[bflag:$0x2] =	sbarrier.arrive $0xFFFF  }
0x59: {  	[sflag:s0] =	ssyncadd.tile.s32 @!p0 $0x1;
	_ =	shalt  }
.Lfunc_end2:
_tile_overlayer_lowered:
.L_overlay_start_2:
0x5a: {  	(tag) =	ssettag $0x2  }
0x5b: {  	s0 =	rddreg [dreg:$0x0];
	s2 =	stileid.u32  }
0x5c: {  	s1 =	rddreg [dreg:$0x1];
	p0 =	sne.s32 s2, $0x0  }
0x5d: {  	s3 =	rddreg [dreg:$0x2];
	[bflag:$0x3] =	sbarrier.arrive $0xFFFF;
	s2 =	simm.s32 @!p0 $0x1C01  }
0x5e: {  	[timem:s3], [sflag:s2] =	dma.local @!p0 [hbm:s0], s1  }
0x5f: {  	s0 =	simm.s32 @!p0 $0x1  }
0x60: {  	_ =	swait.ge @!p0 [sflag:s0], s1  }
0x61: {  	s1 =	ssub.s32 @!p0 $0x0, s1;
	[sflag:s0] =	ssyncset.done @!p0 $0x0  }
0x62: {  	[sflag:s0] =	ssyncadd.s32 @!p0 s1  }
0x63: {  	[bflag:$0x3] =	sbarrier.arrive $0xFFFF  }
0x64: {  	_ =	shalt  }

</sc_bundles>
